<compile_context>
chip_gen: v7x
topology: tpu7x:2x2x1
jax: 0.10.2.dev20260603
libtpu: 0.0.44.dev20260713+nightly
codegen_flags: <defaults>
</compile_context>

<pallas_src>
import functools

import jax
import jax.numpy as jnp
from jax import lax
from jax.experimental import pallas as pl
from jax.experimental.pallas import tpu as pltpu
from jax.experimental.pallas import tpu_sc as plsc

VOCAB = 1000000
POS = 512
DIM = 32
EPS = 1e-5

NC, NS, LANES = 2, 16, 16
NW = NC * NS

CHUNK = 128


def _rsqrt(x):
    i = plsc.bitcast(x, jnp.int32)
    i = jnp.int32(0x5F3759DF) - jnp.right_shift(i, 1)
    y = plsc.bitcast(i, jnp.float32)
    xh = x * 0.5
    for _ in range(3):
        y = y * (1.5 - xh * y * y)
    return y


def _body(idx3_hbm, wword_hbm, went_hbm, wattr_hbm, gb_hbm, bb_hbm, out_hbm,
          went_v, wattr_v, gb_v, bb_v,
          idx_v0, idx_v1, rows_v0, rows_v1,
          sem_i0, sem_i1, sem_g0, sem_g1, sem_o0, sem_o1,
          *, n_tokens):
    per_w = n_tokens // NW
    n_chunks = per_w // CHUNK
    wid = lax.axis_index("s") * NC + lax.axis_index("c")

    idx_v = (idx_v0, idx_v1)
    rows_v = (rows_v0, rows_v1)
    sem_i = (sem_i0, sem_i1)
    sem_g = (sem_g0, sem_g1)
    sem_o = (sem_o0, sem_o1)

    pltpu.sync_copy(went_hbm, went_v)
    pltpu.sync_copy(wattr_hbm, wattr_v)
    pltpu.sync_copy(gb_hbm, gb_v)
    pltpu.sync_copy(bb_hbm, bb_v)

    iota = lax.iota(jnp.int32, LANES)

    def chunk_off(ci):
        return wid * per_w + ci * CHUNK

    def issue_idx(ci, s):
        pltpu.async_copy(idx3_hbm.at[:, pl.ds(chunk_off(ci), CHUNK)],
                         idx_v[s], sem_i[s])

    def wait_idx(s):
        pltpu.make_async_copy(idx3_hbm.at[:, pl.ds(0, CHUNK)],
                              idx_v[s], sem_i[s]).wait()

    def issue_gather(s):
        pltpu.async_copy(wword_hbm.at[idx_v[s].at[0]], rows_v[s], sem_g[s])

    def wait_gather(s):
        pltpu.make_async_copy(wword_hbm.at[idx_v[s].at[0]],
                              rows_v[s], sem_g[s]).wait()

    def issue_out(ci, s):
        pltpu.async_copy(rows_v[s], out_hbm.at[pl.ds(chunk_off(ci), CHUNK)],
                         sem_o[s])

    def wait_out(s):
        pltpu.make_async_copy(rows_v[s], out_hbm.at[pl.ds(0, CHUNK)],
                              sem_o[s]).wait()

    def compute(s):
        rows = rows_v[s]
        eav = idx_v[s]

        def group_body(g):
            tvec = g * LANES + iota
            evec = eav[1, pl.ds(g * LANES, LANES)]
            avec = eav[2, pl.ds(g * LANES, LANES)]
            zero = jnp.zeros((LANES,), jnp.float32)
            ssum = zero
            ssq = zero
            svals = []
            for d in range(DIM):
                dsp = jnp.full((LANES,), d, jnp.int32)
                wv = plsc.load_gather(rows, [tvec, dsp])
                ev = plsc.load_gather(went_v, [evec, dsp])
                av = plsc.load_gather(wattr_v, [avec, dsp])
                sv = wv + ev + av
                svals.append(sv)
                ssum = ssum + sv
                ssq = ssq + sv * sv
            mean = ssum * (1.0 / DIM)
            var = ssq * (1.0 / DIM) - mean * mean
            rstd = _rsqrt(var + EPS)
            for d in range(DIM):
                dsp = jnp.full((LANES,), d, jnp.int32)
                a = rstd * gb_v[d, :]
                o = (svals[d] - mean) * a + bb_v[d, :]
                plsc.store_scatter(rows, [tvec, dsp], o)

        pl.loop(0, CHUNK // LANES)(group_body)

    issue_idx(0, 0)
    issue_idx(1, 1)
    wait_idx(0)
    issue_gather(0)

    def chunk_iter(ci, p):
        q = 1 - p

        @pl.when(ci < n_chunks - 1)
        def _prefetch():
            wait_idx(q)

            @pl.when(ci >= 1)
            def _drain_prev_out():
                wait_out(q)

            issue_gather(q)

        wait_gather(p)
        compute(p)
        issue_out(ci, p)

        @pl.when(ci < n_chunks - 2)
        def _prefetch_idx():
            issue_idx(ci + 2, p)

    def pair_body(base):
        chunk_iter(base, 0)
        chunk_iter(base + 1, 1)

    pl.loop(0, n_chunks, step=2)(pair_body)

    wait_out(0)
    wait_out(1)


def kernel(word, entity, attribute_key, Wword, Went, Wattr, gamma, beta):
    shape = word.shape
    n_tokens = shape[0] * shape[1]
    assert n_tokens % (NW * CHUNK) == 0
    assert (n_tokens // (NW * CHUNK)) % 2 == 0

    idx3 = jnp.stack([
        word.reshape(n_tokens).astype(jnp.int32),
        entity.reshape(n_tokens).astype(jnp.int32),
        attribute_key.reshape(n_tokens).astype(jnp.int32),
    ])
    gb = jnp.broadcast_to(gamma.astype(jnp.float32)[:, None], (DIM, LANES))
    bb = jnp.broadcast_to(beta.astype(jnp.float32)[:, None], (DIM, LANES))

    mesh = plsc.VectorSubcoreMesh(core_axis_name="c", subcore_axis_name="s")
    run = pl.kernel(
        functools.partial(_body, n_tokens=n_tokens),
        out_type=jax.ShapeDtypeStruct((n_tokens, DIM), jnp.float32),
        mesh=mesh,
        compiler_params=pltpu.CompilerParams(
            needs_layout_passes=False, use_tc_tiling_on_sc=False),
        scratch_types=[
            pltpu.VMEM((POS, DIM), jnp.float32),
            pltpu.VMEM((POS, DIM), jnp.float32),
            pltpu.VMEM((DIM, LANES), jnp.float32),
            pltpu.VMEM((DIM, LANES), jnp.float32),
            pltpu.VMEM((3, CHUNK), jnp.int32),
            pltpu.VMEM((3, CHUNK), jnp.int32),
            pltpu.VMEM((CHUNK, DIM), jnp.float32),
            pltpu.VMEM((CHUNK, DIM), jnp.float32),
            pltpu.SemaphoreType.DMA,
            pltpu.SemaphoreType.DMA,
            pltpu.SemaphoreType.DMA,
            pltpu.SemaphoreType.DMA,
            pltpu.SemaphoreType.DMA,
            pltpu.SemaphoreType.DMA,
        ],
    )
    out = run(idx3, Wword.astype(jnp.float32), Went.astype(jnp.float32),
              Wattr.astype(jnp.float32), gb, bb)
    return out.reshape(shape[0], shape[1], DIM)

# --- scband reference (transcript-rebuilt; emitter-appended) ---
"""Pipeline reference for scband-embedding-33483565039752 (READ-ONLY COPY).

The authoritative reference and input builder live on the scoring server;
editing this copy changes nothing except your own understanding.
"""

import jax, jax.numpy as jnp
import numpy as np

VOCAB = 1000000
POS = 512
DIM = 32
B, L = 4096, 200
EPS = 1e-5

def setup_inputs(seed: int = 0):
    key = jax.random.key(seed)
    k1, k2, k3, k4, k5, k6 = jax.random.split(key, 6)
    word = jax.random.randint(k1, (B, L), 0, VOCAB)
    entity = jax.random.randint(k2, (B, L), 0, POS)
    attribute_key = jax.random.randint(k3, (B, L), 0, POS)
    Wword = jax.random.normal(k4, (VOCAB, DIM), dtype=jnp.float32) * 0.02
    Wword = Wword.at[0].set(0.0)  # padding_idx=0
    Went = jax.random.normal(k5, (POS, DIM), dtype=jnp.float32) * 0.02
    Went = Went.at[0].set(0.0)  # padding_idx=0
    Wattr = jax.random.normal(k6, (POS, DIM), dtype=jnp.float32) * 0.02
    Wattr = Wattr.at[0].set(0.0)  # padding_idx=0
    gamma = jnp.ones((DIM,), dtype=jnp.float32)
    beta = jnp.zeros((DIM,), dtype=jnp.float32)
    return {"word": word, "entity": entity, "attribute_key": attribute_key,
            "Wword": Wword, "Went": Went, "Wattr": Wattr,
            "gamma": gamma, "beta": beta}

def reference(word, entity, attribute_key, Wword, Went, Wattr, gamma, beta):
    word_embedding = jnp.take(Wword, word, axis=0)
    entity_embedding = jnp.take(Went, entity, axis=0)
    attribute_key_embedding = jnp.take(Wattr, attribute_key, axis=0)
    s = word_embedding + entity_embedding + attribute_key_embedding
    mean = jnp.mean(s, axis=-1, keepdims=True)
    var = jnp.mean((s - mean) ** 2, axis=-1, keepdims=True)
    out = (s - mean) / jnp.sqrt(var + EPS) * gamma + beta
    return out

if __name__ == "__main__":
    import jax
    _d = setup_inputs()
    print(jax.jit(kernel)(*tuple(_d.values())))

</pallas_src>

<mosaic_0001>
#map = affine_map<(d0, d1) -> (0, 0)>
module attributes {stable_mosaic.version = 14 : i64} {
  func.func @_body(%arg0: i32, %arg1: i32, %arg2: memref<3x819200xi32, #tpu.memory_space<hbm>>, %arg3: memref<1000000x32xf32, #tpu.memory_space<hbm>>, %arg4: memref<512x32xf32, #tpu.memory_space<hbm>>, %arg5: memref<512x32xf32, #tpu.memory_space<hbm>>, %arg6: memref<32x16xf32, #tpu.memory_space<hbm>>, %arg7: memref<32x16xf32, #tpu.memory_space<hbm>>, %arg8: memref<819200x32xf32, #tpu.memory_space<hbm>>, %arg9: memref<512x32xf32, #tpu.memory_space<vmem>>, %arg10: memref<512x32xf32, #tpu.memory_space<vmem>>, %arg11: memref<32x16xf32, #tpu.memory_space<vmem>>, %arg12: memref<32x16xf32, #tpu.memory_space<vmem>>, %arg13: memref<3x128xi32, #tpu.memory_space<vmem>>, %arg14: memref<3x128xi32, #tpu.memory_space<vmem>>, %arg15: memref<128x32xf32, #tpu.memory_space<vmem>>, %arg16: memref<128x32xf32, #tpu.memory_space<vmem>>, %arg17: memref<!tpu.dma_semaphore, #tpu.memory_space<semaphore_mem>>, %arg18: memref<!tpu.dma_semaphore, #tpu.memory_space<semaphore_mem>>, %arg19: memref<!tpu.dma_semaphore, #tpu.memory_space<semaphore_mem>>, %arg20: memref<!tpu.dma_semaphore, #tpu.memory_space<semaphore_mem>>, %arg21: memref<!tpu.dma_semaphore, #tpu.memory_space<semaphore_mem>>, %arg22: memref<!tpu.dma_semaphore, #tpu.memory_space<semaphore_mem>>) attributes {dimension_semantics = [#tpu.dimension_semantics<core_parallel>, #tpu.dimension_semantics<subcore_parallel>], iteration_bounds = array<i64: 2, 16>, scalar_prefetch = 0 : i64, scratch_operands = 14 : i64, tpu.core_type = #tpu.core_type<sc_vector_subcore>, window_params = [{transform_indices = #map}, {transform_indices = #map}, {transform_indices = #map}, {transform_indices = #map}, {transform_indices = #map}, {transform_indices = #map}, {transform_indices = #map}]} {
    %mul3A = arith.constant 2 : i32
    %mul3A_0 = arith.muli %arg1, %mul3A : i32
    %add3A = arith.addi %mul3A_0, %arg0 : i32
    "tpu.region"() ({
      %run_scoped3A = tpu.sem_alloc : memref<!tpu.dma_semaphore, #tpu.memory_space<semaphore_mem>>
      tpu.enqueue_dma source(%arg4 : memref<512x32xf32, #tpu.memory_space<hbm>>) target(%arg9 : memref<512x32xf32, #tpu.memory_space<vmem>>) target_semaphore(%run_scoped3A : memref<!tpu.dma_semaphore, #tpu.memory_space<semaphore_mem>>)
      tpu.wait_dma2 semaphore(%run_scoped3A : memref<!tpu.dma_semaphore, #tpu.memory_space<semaphore_mem>>) src(%arg4 : memref<512x32xf32, #tpu.memory_space<hbm>>) dst(%arg9 : memref<512x32xf32, #tpu.memory_space<vmem>>)
      tpu.yield
    }) : () -> ()
    "tpu.region"() ({
      %run_scoped3A = tpu.sem_alloc : memref<!tpu.dma_semaphore, #tpu.memory_space<semaphore_mem>>
      tpu.enqueue_dma source(%arg5 : memref<512x32xf32, #tpu.memory_space<hbm>>) target(%arg10 : memref<512x32xf32, #tpu.memory_space<vmem>>) target_semaphore(%run_scoped3A : memref<!tpu.dma_semaphore, #tpu.memory_space<semaphore_mem>>)
      tpu.wait_dma2 semaphore(%run_scoped3A : memref<!tpu.dma_semaphore, #tpu.memory_space<semaphore_mem>>) src(%arg5 : memref<512x32xf32, #tpu.memory_space<hbm>>) dst(%arg10 : memref<512x32xf32, #tpu.memory_space<vmem>>)
      tpu.yield
    }) : () -> ()
    "tpu.region"() ({
      %run_scoped3A = tpu.sem_alloc : memref<!tpu.dma_semaphore, #tpu.memory_space<semaphore_mem>>
      tpu.enqueue_dma source(%arg6 : memref<32x16xf32, #tpu.memory_space<hbm>>) target(%arg11 : memref<32x16xf32, #tpu.memory_space<vmem>>) target_semaphore(%run_scoped3A : memref<!tpu.dma_semaphore, #tpu.memory_space<semaphore_mem>>)
      tpu.wait_dma2 semaphore(%run_scoped3A : memref<!tpu.dma_semaphore, #tpu.memory_space<semaphore_mem>>) src(%arg6 : memref<32x16xf32, #tpu.memory_space<hbm>>) dst(%arg11 : memref<32x16xf32, #tpu.memory_space<vmem>>)
      tpu.yield
    }) : () -> ()
    "tpu.region"() ({
      %run_scoped3A = tpu.sem_alloc : memref<!tpu.dma_semaphore, #tpu.memory_space<semaphore_mem>>
      tpu.enqueue_dma source(%arg7 : memref<32x16xf32, #tpu.memory_space<hbm>>) target(%arg12 : memref<32x16xf32, #tpu.memory_space<vmem>>) target_semaphore(%run_scoped3A : memref<!tpu.dma_semaphore, #tpu.memory_space<semaphore_mem>>)
      tpu.wait_dma2 semaphore(%run_scoped3A : memref<!tpu.dma_semaphore, #tpu.memory_space<semaphore_mem>>) src(%arg7 : memref<32x16xf32, #tpu.memory_space<hbm>>) dst(%arg12 : memref<32x16xf32, #tpu.memory_space<vmem>>)
      tpu.yield
    }) : () -> ()
    %iota3A = tpu.iota {dimensions = array<i32: 0>} : vector<16xi32>
    %mul3A_1 = arith.constant 25600 : i32
    %mul3A_2 = arith.muli %add3A, %mul3A_1 : i32
    %add3A_3 = arith.constant 0 : i32
    %add3A_4 = arith.addi %mul3A_2, %add3A_3 : i32
    %dma_start3A = arith.constant 0 : i32
    %dma_start3A_5 = tpu.memref_slice %arg2[%dma_start3A, %add3A_4] : memref<3x819200xi32, #tpu.memory_space<hbm>> -> memref<3x128xi32, #tpu.memory_space<hbm>>
    %dma_start3A_6 = arith.constant 0 : i32
    %dma_start3A_7 = tpu.memref_slice %arg2[%dma_start3A_6, %add3A_4] : memref<3x819200xi32, #tpu.memory_space<hbm>> -> memref<3x128xi32, #tpu.memory_space<hbm>>
    tpu.enqueue_dma source(%dma_start3A_7 : memref<3x128xi32, #tpu.memory_space<hbm>>) target(%arg13 : memref<3x128xi32, #tpu.memory_space<vmem>>) target_semaphore(%arg17 : memref<!tpu.dma_semaphore, #tpu.memory_space<semaphore_mem>>)
    %mul3A_8 = arith.constant 25600 : i32
    %mul3A_9 = arith.muli %add3A, %mul3A_8 : i32
    %add3A_10 = arith.constant 128 : i32
    %add3A_11 = arith.addi %mul3A_9, %add3A_10 : i32
    %dma_start3A_12 = arith.constant 0 : i32
    %dma_start3A_13 = tpu.memref_slice %arg2[%dma_start3A_12, %add3A_11] : memref<3x819200xi32, #tpu.memory_space<hbm>> -> memref<3x128xi32, #tpu.memory_space<hbm>>
    %dma_start3A_14 = arith.constant 0 : i32
    %dma_start3A_15 = tpu.memref_slice %arg2[%dma_start3A_14, %add3A_11] : memref<3x819200xi32, #tpu.memory_space<hbm>> -> memref<3x128xi32, #tpu.memory_space<hbm>>
    tpu.enqueue_dma source(%dma_start3A_15 : memref<3x128xi32, #tpu.memory_space<hbm>>) target(%arg14 : memref<3x128xi32, #tpu.memory_space<vmem>>) target_semaphore(%arg18 : memref<!tpu.dma_semaphore, #tpu.memory_space<semaphore_mem>>)
    %dma_wait3A = arith.constant 0 : i32
    %dma_wait3A_16 = arith.constant 0 : i32
    %dma_wait3A_17 = tpu.memref_slice %arg2[%dma_wait3A, %dma_wait3A_16] : memref<3x819200xi32, #tpu.memory_space<hbm>> -> memref<3x128xi32, #tpu.memory_space<hbm>>
    %dma_wait3A_18 = arith.constant 0 : i32
    %dma_wait3A_19 = arith.constant 0 : i32
    %dma_wait3A_20 = tpu.memref_slice %arg2[%dma_wait3A_18, %dma_wait3A_19] : memref<3x819200xi32, #tpu.memory_space<hbm>> -> memref<3x128xi32, #tpu.memory_space<hbm>>
    tpu.wait_dma2 semaphore(%arg17 : memref<!tpu.dma_semaphore, #tpu.memory_space<semaphore_mem>>) src(%dma_wait3A_20 : memref<3x128xi32, #tpu.memory_space<hbm>>) dst(%arg13 : memref<3x128xi32, #tpu.memory_space<vmem>>)
    %dma_start3A_21 = arith.constant 0 : i32
    %dma_start3A_22 = arith.constant 0 : i32
    %dma_start3A_23 = tpu.memref_slice %arg13[%dma_start3A_21, %dma_start3A_22] : memref<3x128xi32, #tpu.memory_space<vmem>> -> memref<1x128xi32, #tpu.memory_space<vmem>>
    %dma_start3A_24 = tpu.memref_squeeze %dma_start3A_23 : memref<1x128xi32, #tpu.memory_space<vmem>> -> memref<128xi32, #tpu.memory_space<vmem>>
    %dma_start3A_25 = arith.constant 0 : i32
    %dma_start3A_26 = arith.constant 0 : i32
    %dma_start3A_27 = tpu.memref_slice %arg3[%dma_start3A_25, %dma_start3A_26] : memref<1000000x32xf32, #tpu.memory_space<hbm>> -> memref<1000000x32xf32, #tpu.memory_space<hbm>>
    tpu.enqueue_indirect_dma source(%dma_start3A_27 : memref<1000000x32xf32, #tpu.memory_space<hbm>>) target(%arg15 : memref<128x32xf32, #tpu.memory_space<vmem>>) offsets(%dma_start3A_24 : memref<128xi32, #tpu.memory_space<vmem>>) semaphore(%arg19 : memref<!tpu.dma_semaphore, #tpu.memory_space<semaphore_mem>>)
    %scan3A = arith.constant 0 : i32
    %scan3A_28 = arith.constant 100 : i32
    %scan3A_29 = arith.addi %scan3A, %scan3A_28 : i32
    %scan3A_30 = arith.constant 1 : i32
    scf.for %scan3A_44 = %scan3A to %scan3A_29 step %scan3A_30  : i32 {
      %mul3A_45 = arith.constant 2 : i32
      %mul3A_46 = arith.muli %scan3A_44, %mul3A_45 : i32
      %add3A_47 = arith.constant 0 : i32
      %add3A_48 = arith.addi %add3A_47, %mul3A_46 : i32
      %lt3A = arith.constant 199 : i32
      %lt3A_49 = arith.cmpi slt, %add3A_48, %lt3A : i32
      %convert_element_type3A = arith.extui %lt3A_49 : i1 to i32
      %cond3A = arith.constant 0 : i32
      %cond3A_50 = arith.cmpi ne, %convert_element_type3A, %cond3A : i32
      scf.if %cond3A_50 {
        %dma_wait3A_110 = arith.constant 0 : i32
        %dma_wait3A_111 = arith.constant 0 : i32
        %dma_wait3A_112 = tpu.memref_slice %arg2[%dma_wait3A_110, %dma_wait3A_111] : memref<3x819200xi32, #tpu.memory_space<hbm>> -> memref<3x128xi32, #tpu.memory_space<hbm>>
        %dma_wait3A_113 = arith.constant 0 : i32
        %dma_wait3A_114 = arith.constant 0 : i32
        %dma_wait3A_115 = tpu.memref_slice %arg2[%dma_wait3A_113, %dma_wait3A_114] : memref<3x819200xi32, #tpu.memory_space<hbm>> -> memref<3x128xi32, #tpu.memory_space<hbm>>
        tpu.wait_dma2 semaphore(%arg18 : memref<!tpu.dma_semaphore, #tpu.memory_space<semaphore_mem>>) src(%dma_wait3A_115 : memref<3x128xi32, #tpu.memory_space<hbm>>) dst(%arg14 : memref<3x128xi32, #tpu.memory_space<vmem>>)
        %ge3A = arith.constant 1 : i32
        %ge3A_116 = arith.cmpi sge, %add3A_48, %ge3A : i32
        %convert_element_type3A_117 = arith.extui %ge3A_116 : i1 to i32
        %cond3A_118 = arith.constant 0 : i32
        %cond3A_119 = arith.cmpi ne, %convert_element_type3A_117, %cond3A_118 : i32
        scf.if %cond3A_119 {
          %dma_wait3A_127 = arith.constant 0 : i32
          %dma_wait3A_128 = arith.constant 0 : i32
          %dma_wait3A_129 = tpu.memref_slice %arg8[%dma_wait3A_127, %dma_wait3A_128] : memref<819200x32xf32, #tpu.memory_space<hbm>> -> memref<128x32xf32, #tpu.memory_space<hbm>>
          %dma_wait3A_130 = arith.constant 0 : i32
          %dma_wait3A_131 = arith.constant 0 : i32
          %dma_wait3A_132 = tpu.memref_slice %arg8[%dma_wait3A_130, %dma_wait3A_131] : memref<819200x32xf32, #tpu.memory_space<hbm>> -> memref<128x32xf32, #tpu.memory_space<hbm>>
          tpu.wait_dma2 semaphore(%arg22 : memref<!tpu.dma_semaphore, #tpu.memory_space<semaphore_mem>>) src(%arg16 : memref<128x32xf32, #tpu.memory_space<vmem>>) dst(%dma_wait3A_132 : memref<128x32xf32, #tpu.memory_space<hbm>>)
        } else {
        }
        %dma_start3A_120 = arith.constant 0 : i32
        %dma_start3A_121 = arith.constant 0 : i32
        %dma_start3A_122 = tpu.memref_slice %arg14[%dma_start3A_120, %dma_start3A_121] : memref<3x128xi32, #tpu.memory_space<vmem>> -> memref<1x128xi32, #tpu.memory_space<vmem>>
        %dma_start3A_123 = tpu.memref_squeeze %dma_start3A_122 : memref<1x128xi32, #tpu.memory_space<vmem>> -> memref<128xi32, #tpu.memory_space<vmem>>
        %dma_start3A_124 = arith.constant 0 : i32
        %dma_start3A_125 = arith.constant 0 : i32
        %dma_start3A_126 = tpu.memref_slice %arg3[%dma_start3A_124, %dma_start3A_125] : memref<1000000x32xf32, #tpu.memory_space<hbm>> -> memref<1000000x32xf32, #tpu.memory_space<hbm>>
        tpu.enqueue_indirect_dma source(%dma_start3A_126 : memref<1000000x32xf32, #tpu.memory_space<hbm>>) target(%arg16 : memref<128x32xf32, #tpu.memory_space<vmem>>) offsets(%dma_start3A_123 : memref<128xi32, #tpu.memory_space<vmem>>) semaphore(%arg20 : memref<!tpu.dma_semaphore, #tpu.memory_space<semaphore_mem>>)
      } else {
      }
      %dma_wait3A_51 = arith.constant 0 : i32
      %dma_wait3A_52 = arith.constant 0 : i32
      %dma_wait3A_53 = tpu.memref_slice %arg13[%dma_wait3A_51, %dma_wait3A_52] : memref<3x128xi32, #tpu.memory_space<vmem>> -> memref<1x128xi32, #tpu.memory_space<vmem>>
      %dma_wait3A_54 = tpu.memref_squeeze %dma_wait3A_53 : memref<1x128xi32, #tpu.memory_space<vmem>> -> memref<128xi32, #tpu.memory_space<vmem>>
      %dma_wait3A_55 = arith.constant 0 : i32
      %dma_wait3A_56 = arith.constant 0 : i32
      %dma_wait3A_57 = tpu.memref_slice %arg3[%dma_wait3A_55, %dma_wait3A_56] : memref<1000000x32xf32, #tpu.memory_space<hbm>> -> memref<1000000x32xf32, #tpu.memory_space<hbm>>
      tpu.wait_indirect_dma semaphore(%arg19 : memref<!tpu.dma_semaphore, #tpu.memory_space<semaphore_mem>>) src(%dma_wait3A_57 : memref<1000000x32xf32, #tpu.memory_space<hbm>>) dst(%arg15 : memref<128x32xf32, #tpu.memory_space<vmem>>)
      %scan3A_58 = arith.constant 0 : i32
      %scan3A_59 = arith.constant 8 : i32
      %scan3A_60 = arith.addi %scan3A_58, %scan3A_59 : i32
      %scan3A_61 = arith.constant 1 : i32
      scf.for %scan3A_110 = %scan3A_58 to %scan3A_60 step %scan3A_61  : i32 {
        %mul3A_111 = arith.constant 1 : i32
        %mul3A_112 = arith.muli %scan3A_110, %mul3A_111 : i32
        %add3A_113 = arith.constant 0 : i32
        %add3A_114 = arith.addi %add3A_113, %mul3A_112 : i32
        %mul3A_115 = arith.constant 16 : i32
        %mul3A_116 = arith.muli %add3A_114, %mul3A_115 : i32
        %add3A_117 = vector.broadcast %mul3A_116 : i32 to vector<16xi32>
        %add3A_118 = arith.addi %add3A_117, %iota3A : vector<16xi32>
        %mul3A_119 = arith.constant 16 : i32
        %mul3A_120 = arith.muli %add3A_114, %mul3A_119 : i32
        %get3A = arith.constant 1 : i32
        %get3A_121 = arith.index_cast %get3A : i32 to index
        %get3A_122 = arith.index_cast %mul3A_120 : i32 to index
        %get3A_123 = tpu.vector_load %arg13[%get3A_121, %get3A_122] {strides = array<i32>} : memref<3x128xi32, #tpu.memory_space<vmem>>, vector<16xi32>,
        %mul3A_124 = arith.constant 16 : i32
        %mul3A_125 = arith.muli %add3A_114, %mul3A_124 : i32
        %get3A_126 = arith.constant 2 : i32
        %get3A_127 = arith.index_cast %get3A_126 : i32 to index
        %get3A_128 = arith.index_cast %mul3A_125 : i32 to index
        %get3A_129 = tpu.vector_load %arg13[%get3A_127, %get3A_128] {strides = array<i32>} : memref<3x128xi32, #tpu.memory_space<vmem>>, vector<16xi32>,
        %broadcast_in_dim3A = arith.constant 0.000000e+00 : f32
        %broadcast_in_dim3A_130 = vector.broadcast %broadcast_in_dim3A : f32 to vector<16xf32>
        %broadcast_in_dim3A_131 = arith.constant 0 : i32
        %broadcast_in_dim3A_132 = vector.broadcast %broadcast_in_dim3A_131 : i32 to vector<16xi32>
        %gather3A = tpu.vector_load_idx %arg15[%add3A_118, %broadcast_in_dim3A_132] : memref<128x32xf32, #tpu.memory_space<vmem>>[vector<16xi32>, vector<16xi32>], vector<16xf32>,
        %gather3A_133 = tpu.vector_load_idx %arg9[%get3A_123, %broadcast_in_dim3A_132] : memref<512x32xf32, #tpu.memory_space<vmem>>[vector<16xi32>, vector<16xi32>], vector<16xf32>,
        %gather3A_134 = tpu.vector_load_idx %arg10[%get3A_129, %broadcast_in_dim3A_132] : memref<512x32xf32, #tpu.memory_space<vmem>>[vector<16xi32>, vector<16xi32>], vector<16xf32>,
        %add3A_135 = arith.addf %gather3A, %gather3A_133 : vector<16xf32>
        %add3A_136 = arith.addf %add3A_135, %gather3A_134 : vector<16xf32>
        %add3A_137 = arith.addf %broadcast_in_dim3A_130, %add3A_136 : vector<16xf32>
        %mul3A_138 = arith.mulf %add3A_136, %add3A_136 : vector<16xf32>
        %add3A_139 = arith.addf %broadcast_in_dim3A_130, %mul3A_138 : vector<16xf32>
        %broadcast_in_dim3A_140 = arith.constant 1 : i32
        %broadcast_in_dim3A_141 = vector.broadcast %broadcast_in_dim3A_140 : i32 to vector<16xi32>
        %gather3A_142 = tpu.vector_load_idx %arg15[%add3A_118, %broadcast_in_dim3A_141] : memref<128x32xf32, #tpu.memory_space<vmem>>[vector<16xi32>, vector<16xi32>], vector<16xf32>,
        %gather3A_143 = tpu.vector_load_idx %arg9[%get3A_123, %broadcast_in_dim3A_141] : memref<512x32xf32, #tpu.memory_space<vmem>>[vector<16xi32>, vector<16xi32>], vector<16xf32>,
        %gather3A_144 = tpu.vector_load_idx %arg10[%get3A_129, %broadcast_in_dim3A_141] : memref<512x32xf32, #tpu.memory_space<vmem>>[vector<16xi32>, vector<16xi32>], vector<16xf32>,
        %add3A_145 = arith.addf %gather3A_142, %gather3A_143 : vector<16xf32>
        %add3A_146 = arith.addf %add3A_145, %gather3A_144 : vector<16xf32>
        %add3A_147 = arith.addf %add3A_137, %add3A_146 : vector<16xf32>
        %mul3A_148 = arith.mulf %add3A_146, %add3A_146 : vector<16xf32>
        %add3A_149 = arith.addf %add3A_139, %mul3A_148 : vector<16xf32>
        %broadcast_in_dim3A_150 = arith.constant 2 : i32
        %broadcast_in_dim3A_151 = vector.broadcast %broadcast_in_dim3A_150 : i32 to vector<16xi32>
        %gather3A_152 = tpu.vector_load_idx %arg15[%add3A_118, %broadcast_in_dim3A_151] : memref<128x32xf32, #tpu.memory_space<vmem>>[vector<16xi32>, vector<16xi32>], vector<16xf32>,
        %gather3A_153 = tpu.vector_load_idx %arg9[%get3A_123, %broadcast_in_dim3A_151] : memref<512x32xf32, #tpu.memory_space<vmem>>[vector<16xi32>, vector<16xi32>], vector<16xf32>,
        %gather3A_154 = tpu.vector_load_idx %arg10[%get3A_129, %broadcast_in_dim3A_151] : memref<512x32xf32, #tpu.memory_space<vmem>>[vector<16xi32>, vector<16xi32>], vector<16xf32>,
        %add3A_155 = arith.addf %gather3A_152, %gather3A_153 : vector<16xf32>
        %add3A_156 = arith.addf %add3A_155, %gather3A_154 : vector<16xf32>
        %add3A_157 = arith.addf %add3A_147, %add3A_156 : vector<16xf32>
        %mul3A_158 = arith.mulf %add3A_156, %add3A_156 : vector<16xf32>
        %add3A_159 = arith.addf %add3A_149, %mul3A_158 : vector<16xf32>
        %broadcast_in_dim3A_160 = arith.constant 3 : i32
        %broadcast_in_dim3A_161 = vector.broadcast %broadcast_in_dim3A_160 : i32 to vector<16xi32>
        %gather3A_162 = tpu.vector_load_idx %arg15[%add3A_118, %broadcast_in_dim3A_161] : memref<128x32xf32, #tpu.memory_space<vmem>>[vector<16xi32>, vector<16xi32>], vector<16xf32>,
        %gather3A_163 = tpu.vector_load_idx %arg9[%get3A_123, %broadcast_in_dim3A_161] : memref<512x32xf32, #tpu.memory_space<vmem>>[vector<16xi32>, vector<16xi32>], vector<16xf32>,
        %gather3A_164 = tpu.vector_load_idx %arg10[%get3A_129, %broadcast_in_dim3A_161] : memref<512x32xf32, #tpu.memory_space<vmem>>[vector<16xi32>, vector<16xi32>], vector<16xf32>,
        %add3A_165 = arith.addf %gather3A_162, %gather3A_163 : vector<16xf32>
        %add3A_166 = arith.addf %add3A_165, %gather3A_164 : vector<16xf32>
        %add3A_167 = arith.addf %add3A_157, %add3A_166 : vector<16xf32>
        %mul3A_168 = arith.mulf %add3A_166, %add3A_166 : vector<16xf32>
        %add3A_169 = arith.addf %add3A_159, %mul3A_168 : vector<16xf32>
        %broadcast_in_dim3A_170 = arith.constant 4 : i32
        %broadcast_in_dim3A_171 = vector.broadcast %broadcast_in_dim3A_170 : i32 to vector<16xi32>
        %gather3A_172 = tpu.vector_load_idx %arg15[%add3A_118, %broadcast_in_dim3A_171] : memref<128x32xf32, #tpu.memory_space<vmem>>[vector<16xi32>, vector<16xi32>], vector<16xf32>,
        %gather3A_173 = tpu.vector_load_idx %arg9[%get3A_123, %broadcast_in_dim3A_171] : memref<512x32xf32, #tpu.memory_space<vmem>>[vector<16xi32>, vector<16xi32>], vector<16xf32>,
        %gather3A_174 = tpu.vector_load_idx %arg10[%get3A_129, %broadcast_in_dim3A_171] : memref<512x32xf32, #tpu.memory_space<vmem>>[vector<16xi32>, vector<16xi32>], vector<16xf32>,
        %add3A_175 = arith.addf %gather3A_172, %gather3A_173 : vector<16xf32>
        %add3A_176 = arith.addf %add3A_175, %gather3A_174 : vector<16xf32>
        %add3A_177 = arith.addf %add3A_167, %add3A_176 : vector<16xf32>
        %mul3A_178 = arith.mulf %add3A_176, %add3A_176 : vector<16xf32>
        %add3A_179 = arith.addf %add3A_169, %mul3A_178 : vector<16xf32>
        %broadcast_in_dim3A_180 = arith.constant 5 : i32
        %broadcast_in_dim3A_181 = vector.broadcast %broadcast_in_dim3A_180 : i32 to vector<16xi32>
        %gather3A_182 = tpu.vector_load_idx %arg15[%add3A_118, %broadcast_in_dim3A_181] : memref<128x32xf32, #tpu.memory_space<vmem>>[vector<16xi32>, vector<16xi32>], vector<16xf32>,
        %gather3A_183 = tpu.vector_load_idx %arg9[%get3A_123, %broadcast_in_dim3A_181] : memref<512x32xf32, #tpu.memory_space<vmem>>[vector<16xi32>, vector<16xi32>], vector<16xf32>,
        %gather3A_184 = tpu.vector_load_idx %arg10[%get3A_129, %broadcast_in_dim3A_181] : memref<512x32xf32, #tpu.memory_space<vmem>>[vector<16xi32>, vector<16xi32>], vector<16xf32>,
        %add3A_185 = arith.addf %gather3A_182, %gather3A_183 : vector<16xf32>
        %add3A_186 = arith.addf %add3A_185, %gather3A_184 : vector<16xf32>
        %add3A_187 = arith.addf %add3A_177, %add3A_186 : vector<16xf32>
        %mul3A_188 = arith.mulf %add3A_186, %add3A_186 : vector<16xf32>
        %add3A_189 = arith.addf %add3A_179, %mul3A_188 : vector<16xf32>
        %broadcast_in_dim3A_190 = arith.constant 6 : i32
        %broadcast_in_dim3A_191 = vector.broadcast %broadcast_in_dim3A_190 : i32 to vector<16xi32>
        %gather3A_192 = tpu.vector_load_idx %arg15[%add3A_118, %broadcast_in_dim3A_191] : memref<128x32xf32, #tpu.memory_space<vmem>>[vector<16xi32>, vector<16xi32>], vector<16xf32>,
        %gather3A_193 = tpu.vector_load_idx %arg9[%get3A_123, %broadcast_in_dim3A_191] : memref<512x32xf32, #tpu.memory_space<vmem>>[vector<16xi32>, vector<16xi32>], vector<16xf32>,
        %gather3A_194 = tpu.vector_load_idx %arg10[%get3A_129, %broadcast_in_dim3A_191] : memref<512x32xf32, #tpu.memory_space<vmem>>[vector<16xi32>, vector<16xi32>], vector<16xf32>,
        %add3A_195 = arith.addf %gather3A_192, %gather3A_193 : vector<16xf32>
        %add3A_196 = arith.addf %add3A_195, %gather3A_194 : vector<16xf32>
        %add3A_197 = arith.addf %add3A_187, %add3A_196 : vector<16xf32>
        %mul3A_198 = arith.mulf %add3A_196, %add3A_196 : vector<16xf32>
        %add3A_199 = arith.addf %add3A_189, %mul3A_198 : vector<16xf32>
        %broadcast_in_dim3A_200 = arith.constant 7 : i32
        %broadcast_in_dim3A_201 = vector.broadcast %broadcast_in_dim3A_200 : i32 to vector<16xi32>
        %gather3A_202 = tpu.vector_load_idx %arg15[%add3A_118, %broadcast_in_dim3A_201] : memref<128x32xf32, #tpu.memory_space<vmem>>[vector<16xi32>, vector<16xi32>], vector<16xf32>,
        %gather3A_203 = tpu.vector_load_idx %arg9[%get3A_123, %broadcast_in_dim3A_201] : memref<512x32xf32, #tpu.memory_space<vmem>>[vector<16xi32>, vector<16xi32>], vector<16xf32>,
        %gather3A_204 = tpu.vector_load_idx %arg10[%get3A_129, %broadcast_in_dim3A_201] : memref<512x32xf32, #tpu.memory_space<vmem>>[vector<16xi32>, vector<16xi32>], vector<16xf32>,
        %add3A_205 = arith.addf %gather3A_202, %gather3A_203 : vector<16xf32>
        %add3A_206 = arith.addf %add3A_205, %gather3A_204 : vector<16xf32>
        %add3A_207 = arith.addf %add3A_197, %add3A_206 : vector<16xf32>
        %mul3A_208 = arith.mulf %add3A_206, %add3A_206 : vector<16xf32>
        %add3A_209 = arith.addf %add3A_199, %mul3A_208 : vector<16xf32>
        %broadcast_in_dim3A_210 = arith.constant 8 : i32
        %broadcast_in_dim3A_211 = vector.broadcast %broadcast_in_dim3A_210 : i32 to vector<16xi32>
        %gather3A_212 = tpu.vector_load_idx %arg15[%add3A_118, %broadcast_in_dim3A_211] : memref<128x32xf32, #tpu.memory_space<vmem>>[vector<16xi32>, vector<16xi32>], vector<16xf32>,
        %gather3A_213 = tpu.vector_load_idx %arg9[%get3A_123, %broadcast_in_dim3A_211] : memref<512x32xf32, #tpu.memory_space<vmem>>[vector<16xi32>, vector<16xi32>], vector<16xf32>,
        %gather3A_214 = tpu.vector_load_idx %arg10[%get3A_129, %broadcast_in_dim3A_211] : memref<512x32xf32, #tpu.memory_space<vmem>>[vector<16xi32>, vector<16xi32>], vector<16xf32>,
        %add3A_215 = arith.addf %gather3A_212, %gather3A_213 : vector<16xf32>
        %add3A_216 = arith.addf %add3A_215, %gather3A_214 : vector<16xf32>
        %add3A_217 = arith.addf %add3A_207, %add3A_216 : vector<16xf32>
        %mul3A_218 = arith.mulf %add3A_216, %add3A_216 : vector<16xf32>
        %add3A_219 = arith.addf %add3A_209, %mul3A_218 : vector<16xf32>
        %broadcast_in_dim3A_220 = arith.constant 9 : i32
        %broadcast_in_dim3A_221 = vector.broadcast %broadcast_in_dim3A_220 : i32 to vector<16xi32>
        %gather3A_222 = tpu.vector_load_idx %arg15[%add3A_118, %broadcast_in_dim3A_221] : memref<128x32xf32, #tpu.memory_space<vmem>>[vector<16xi32>, vector<16xi32>], vector<16xf32>,
        %gather3A_223 = tpu.vector_load_idx %arg9[%get3A_123, %broadcast_in_dim3A_221] : memref<512x32xf32, #tpu.memory_space<vmem>>[vector<16xi32>, vector<16xi32>], vector<16xf32>,
        %gather3A_224 = tpu.vector_load_idx %arg10[%get3A_129, %broadcast_in_dim3A_221] : memref<512x32xf32, #tpu.memory_space<vmem>>[vector<16xi32>, vector<16xi32>], vector<16xf32>,
        %add3A_225 = arith.addf %gather3A_222, %gather3A_223 : vector<16xf32>
        %add3A_226 = arith.addf %add3A_225, %gather3A_224 : vector<16xf32>
        %add3A_227 = arith.addf %add3A_217, %add3A_226 : vector<16xf32>
        %mul3A_228 = arith.mulf %add3A_226, %add3A_226 : vector<16xf32>
        %add3A_229 = arith.addf %add3A_219, %mul3A_228 : vector<16xf32>
        %broadcast_in_dim3A_230 = arith.constant 10 : i32
        %broadcast_in_dim3A_231 = vector.broadcast %broadcast_in_dim3A_230 : i32 to vector<16xi32>
        %gather3A_232 = tpu.vector_load_idx %arg15[%add3A_118, %broadcast_in_dim3A_231] : memref<128x32xf32, #tpu.memory_space<vmem>>[vector<16xi32>, vector<16xi32>], vector<16xf32>,
        %gather3A_233 = tpu.vector_load_idx %arg9[%get3A_123, %broadcast_in_dim3A_231] : memref<512x32xf32, #tpu.memory_space<vmem>>[vector<16xi32>, vector<16xi32>], vector<16xf32>,
        %gather3A_234 = tpu.vector_load_idx %arg10[%get3A_129, %broadcast_in_dim3A_231] : memref<512x32xf32, #tpu.memory_space<vmem>>[vector<16xi32>, vector<16xi32>], vector<16xf32>,
        %add3A_235 = arith.addf %gather3A_232, %gather3A_233 : vector<16xf32>
        %add3A_236 = arith.addf %add3A_235, %gather3A_234 : vector<16xf32>
        %add3A_237 = arith.addf %add3A_227, %add3A_236 : vector<16xf32>
        %mul3A_238 = arith.mulf %add3A_236, %add3A_236 : vector<16xf32>
        %add3A_239 = arith.addf %add3A_229, %mul3A_238 : vector<16xf32>
        %broadcast_in_dim3A_240 = arith.constant 11 : i32
        %broadcast_in_dim3A_241 = vector.broadcast %broadcast_in_dim3A_240 : i32 to vector<16xi32>
        %gather3A_242 = tpu.vector_load_idx %arg15[%add3A_118, %broadcast_in_dim3A_241] : memref<128x32xf32, #tpu.memory_space<vmem>>[vector<16xi32>, vector<16xi32>], vector<16xf32>,
        %gather3A_243 = tpu.vector_load_idx %arg9[%get3A_123, %broadcast_in_dim3A_241] : memref<512x32xf32, #tpu.memory_space<vmem>>[vector<16xi32>, vector<16xi32>], vector<16xf32>,
        %gather3A_244 = tpu.vector_load_idx %arg10[%get3A_129, %broadcast_in_dim3A_241] : memref<512x32xf32, #tpu.memory_space<vmem>>[vector<16xi32>, vector<16xi32>], vector<16xf32>,
        %add3A_245 = arith.addf %gather3A_242, %gather3A_243 : vector<16xf32>
        %add3A_246 = arith.addf %add3A_245, %gather3A_244 : vector<16xf32>
        %add3A_247 = arith.addf %add3A_237, %add3A_246 : vector<16xf32>
        %mul3A_248 = arith.mulf %add3A_246, %add3A_246 : vector<16xf32>
        %add3A_249 = arith.addf %add3A_239, %mul3A_248 : vector<16xf32>
        %broadcast_in_dim3A_250 = arith.constant 12 : i32
        %broadcast_in_dim3A_251 = vector.broadcast %broadcast_in_dim3A_250 : i32 to vector<16xi32>
        %gather3A_252 = tpu.vector_load_idx %arg15[%add3A_118, %broadcast_in_dim3A_251] : memref<128x32xf32, #tpu.memory_space<vmem>>[vector<16xi32>, vector<16xi32>], vector<16xf32>,
        %gather3A_253 = tpu.vector_load_idx %arg9[%get3A_123, %broadcast_in_dim3A_251] : memref<512x32xf32, #tpu.memory_space<vmem>>[vector<16xi32>, vector<16xi32>], vector<16xf32>,
        %gather3A_254 = tpu.vector_load_idx %arg10[%get3A_129, %broadcast_in_dim3A_251] : memref<512x32xf32, #tpu.memory_space<vmem>>[vector<16xi32>, vector<16xi32>], vector<16xf32>,
        %add3A_255 = arith.addf %gather3A_252, %gather3A_253 : vector<16xf32>
        %add3A_256 = arith.addf %add3A_255, %gather3A_254 : vector<16xf32>
        %add3A_257 = arith.addf %add3A_247, %add3A_256 : vector<16xf32>
        %mul3A_258 = arith.mulf %add3A_256, %add3A_256 : vector<16xf32>
        %add3A_259 = arith.addf %add3A_249, %mul3A_258 : vector<16xf32>
        %broadcast_in_dim3A_260 = arith.constant 13 : i32
        %broadcast_in_dim3A_261 = vector.broadcast %broadcast_in_dim3A_260 : i32 to vector<16xi32>
        %gather3A_262 = tpu.vector_load_idx %arg15[%add3A_118, %broadcast_in_dim3A_261] : memref<128x32xf32, #tpu.memory_space<vmem>>[vector<16xi32>, vector<16xi32>], vector<16xf32>,
        %gather3A_263 = tpu.vector_load_idx %arg9[%get3A_123, %broadcast_in_dim3A_261] : memref<512x32xf32, #tpu.memory_space<vmem>>[vector<16xi32>, vector<16xi32>], vector<16xf32>,
        %gather3A_264 = tpu.vector_load_idx %arg10[%get3A_129, %broadcast_in_dim3A_261] : memref<512x32xf32, #tpu.memory_space<vmem>>[vector<16xi32>, vector<16xi32>], vector<16xf32>,
        %add3A_265 = arith.addf %gather3A_262, %gather3A_263 : vector<16xf32>
        %add3A_266 = arith.addf %add3A_265, %gather3A_264 : vector<16xf32>
        %add3A_267 = arith.addf %add3A_257, %add3A_266 : vector<16xf32>
        %mul3A_268 = arith.mulf %add3A_266, %add3A_266 : vector<16xf32>
        %add3A_269 = arith.addf %add3A_259, %mul3A_268 : vector<16xf32>
        %broadcast_in_dim3A_270 = arith.constant 14 : i32
        %broadcast_in_dim3A_271 = vector.broadcast %broadcast_in_dim3A_270 : i32 to vector<16xi32>
        %gather3A_272 = tpu.vector_load_idx %arg15[%add3A_118, %broadcast_in_dim3A_271] : memref<128x32xf32, #tpu.memory_space<vmem>>[vector<16xi32>, vector<16xi32>], vector<16xf32>,
        %gather3A_273 = tpu.vector_load_idx %arg9[%get3A_123, %broadcast_in_dim3A_271] : memref<512x32xf32, #tpu.memory_space<vmem>>[vector<16xi32>, vector<16xi32>], vector<16xf32>,
        %gather3A_274 = tpu.vector_load_idx %arg10[%get3A_129, %broadcast_in_dim3A_271] : memref<512x32xf32, #tpu.memory_space<vmem>>[vector<16xi32>, vector<16xi32>], vector<16xf32>,
        %add3A_275 = arith.addf %gather3A_272, %gather3A_273 : vector<16xf32>
        %add3A_276 = arith.addf %add3A_275, %gather3A_274 : vector<16xf32>
        %add3A_277 = arith.addf %add3A_267, %add3A_276 : vector<16xf32>
        %mul3A_278 = arith.mulf %add3A_276, %add3A_276 : vector<16xf32>
        %add3A_279 = arith.addf %add3A_269, %mul3A_278 : vector<16xf32>
        %broadcast_in_dim3A_280 = arith.constant 15 : i32
        %broadcast_in_dim3A_281 = vector.broadcast %broadcast_in_dim3A_280 : i32 to vector<16xi32>
        %gather3A_282 = tpu.vector_load_idx %arg15[%add3A_118, %broadcast_in_dim3A_281] : memref<128x32xf32, #tpu.memory_space<vmem>>[vector<16xi32>, vector<16xi32>], vector<16xf32>,
        %gather3A_283 = tpu.vector_load_idx %arg9[%get3A_123, %broadcast_in_dim3A_281] : memref<512x32xf32, #tpu.memory_space<vmem>>[vector<16xi32>, vector<16xi32>], vector<16xf32>,
        %gather3A_284 = tpu.vector_load_idx %arg10[%get3A_129, %broadcast_in_dim3A_281] : memref<512x32xf32, #tpu.memory_space<vmem>>[vector<16xi32>, vector<16xi32>], vector<16xf32>,
        %add3A_285 = arith.addf %gather3A_282, %gather3A_283 : vector<16xf32>
        %add3A_286 = arith.addf %add3A_285, %gather3A_284 : vector<16xf32>
        %add3A_287 = arith.addf %add3A_277, %add3A_286 : vector<16xf32>
        %mul3A_288 = arith.mulf %add3A_286, %add3A_286 : vector<16xf32>
        %add3A_289 = arith.addf %add3A_279, %mul3A_288 : vector<16xf32>
        %broadcast_in_dim3A_290 = arith.constant 16 : i32
        %broadcast_in_dim3A_291 = vector.broadcast %broadcast_in_dim3A_290 : i32 to vector<16xi32>
        %gather3A_292 = tpu.vector_load_idx %arg15[%add3A_118, %broadcast_in_dim3A_291] : memref<128x32xf32, #tpu.memory_space<vmem>>[vector<16xi32>, vector<16xi32>], vector<16xf32>,
        %gather3A_293 = tpu.vector_load_idx %arg9[%get3A_123, %broadcast_in_dim3A_291] : memref<512x32xf32, #tpu.memory_space<vmem>>[vector<16xi32>, vector<16xi32>], vector<16xf32>,
        %gather3A_294 = tpu.vector_load_idx %arg10[%get3A_129, %broadcast_in_dim3A_291] : memref<512x32xf32, #tpu.memory_space<vmem>>[vector<16xi32>, vector<16xi32>], vector<16xf32>,
        %add3A_295 = arith.addf %gather3A_292, %gather3A_293 : vector<16xf32>
        %add3A_296 = arith.addf %add3A_295, %gather3A_294 : vector<16xf32>
        %add3A_297 = arith.addf %add3A_287, %add3A_296 : vector<16xf32>
        %mul3A_298 = arith.mulf %add3A_296, %add3A_296 : vector<16xf32>
        %add3A_299 = arith.addf %add3A_289, %mul3A_298 : vector<16xf32>
        %broadcast_in_dim3A_300 = arith.constant 17 : i32
        %broadcast_in_dim3A_301 = vector.broadcast %broadcast_in_dim3A_300 : i32 to vector<16xi32>
        %gather3A_302 = tpu.vector_load_idx %arg15[%add3A_118, %broadcast_in_dim3A_301] : memref<128x32xf32, #tpu.memory_space<vmem>>[vector<16xi32>, vector<16xi32>], vector<16xf32>,
        %gather3A_303 = tpu.vector_load_idx %arg9[%get3A_123, %broadcast_in_dim3A_301] : memref<512x32xf32, #tpu.memory_space<vmem>>[vector<16xi32>, vector<16xi32>], vector<16xf32>,
        %gather3A_304 = tpu.vector_load_idx %arg10[%get3A_129, %broadcast_in_dim3A_301] : memref<512x32xf32, #tpu.memory_space<vmem>>[vector<16xi32>, vector<16xi32>], vector<16xf32>,
        %add3A_305 = arith.addf %gather3A_302, %gather3A_303 : vector<16xf32>
        %add3A_306 = arith.addf %add3A_305, %gather3A_304 : vector<16xf32>
        %add3A_307 = arith.addf %add3A_297, %add3A_306 : vector<16xf32>
        %mul3A_308 = arith.mulf %add3A_306, %add3A_306 : vector<16xf32>
        %add3A_309 = arith.addf %add3A_299, %mul3A_308 : vector<16xf32>
        %broadcast_in_dim3A_310 = arith.constant 18 : i32
        %broadcast_in_dim3A_311 = vector.broadcast %broadcast_in_dim3A_310 : i32 to vector<16xi32>
        %gather3A_312 = tpu.vector_load_idx %arg15[%add3A_118, %broadcast_in_dim3A_311] : memref<128x32xf32, #tpu.memory_space<vmem>>[vector<16xi32>, vector<16xi32>], vector<16xf32>,
        %gather3A_313 = tpu.vector_load_idx %arg9[%get3A_123, %broadcast_in_dim3A_311] : memref<512x32xf32, #tpu.memory_space<vmem>>[vector<16xi32>, vector<16xi32>], vector<16xf32>,
        %gather3A_314 = tpu.vector_load_idx %arg10[%get3A_129, %broadcast_in_dim3A_311] : memref<512x32xf32, #tpu.memory_space<vmem>>[vector<16xi32>, vector<16xi32>], vector<16xf32>,
        %add3A_315 = arith.addf %gather3A_312, %gather3A_313 : vector<16xf32>
        %add3A_316 = arith.addf %add3A_315, %gather3A_314 : vector<16xf32>
        %add3A_317 = arith.addf %add3A_307, %add3A_316 : vector<16xf32>
        %mul3A_318 = arith.mulf %add3A_316, %add3A_316 : vector<16xf32>
        %add3A_319 = arith.addf %add3A_309, %mul3A_318 : vector<16xf32>
        %broadcast_in_dim3A_320 = arith.constant 19 : i32
        %broadcast_in_dim3A_321 = vector.broadcast %broadcast_in_dim3A_320 : i32 to vector<16xi32>
        %gather3A_322 = tpu.vector_load_idx %arg15[%add3A_118, %broadcast_in_dim3A_321] : memref<128x32xf32, #tpu.memory_space<vmem>>[vector<16xi32>, vector<16xi32>], vector<16xf32>,
        %gather3A_323 = tpu.vector_load_idx %arg9[%get3A_123, %broadcast_in_dim3A_321] : memref<512x32xf32, #tpu.memory_space<vmem>>[vector<16xi32>, vector<16xi32>], vector<16xf32>,
        %gather3A_324 = tpu.vector_load_idx %arg10[%get3A_129, %broadcast_in_dim3A_321] : memref<512x32xf32, #tpu.memory_space<vmem>>[vector<16xi32>, vector<16xi32>], vector<16xf32>,
        %add3A_325 = arith.addf %gather3A_322, %gather3A_323 : vector<16xf32>
        %add3A_326 = arith.addf %add3A_325, %gather3A_324 : vector<16xf32>
        %add3A_327 = arith.addf %add3A_317, %add3A_326 : vector<16xf32>
        %mul3A_328 = arith.mulf %add3A_326, %add3A_326 : vector<16xf32>
        %add3A_329 = arith.addf %add3A_319, %mul3A_328 : vector<16xf32>
        %broadcast_in_dim3A_330 = arith.constant 20 : i32
        %broadcast_in_dim3A_331 = vector.broadcast %broadcast_in_dim3A_330 : i32 to vector<16xi32>
        %gather3A_332 = tpu.vector_load_idx %arg15[%add3A_118, %broadcast_in_dim3A_331] : memref<128x32xf32, #tpu.memory_space<vmem>>[vector<16xi32>, vector<16xi32>], vector<16xf32>,
        %gather3A_333 = tpu.vector_load_idx %arg9[%get3A_123, %broadcast_in_dim3A_331] : memref<512x32xf32, #tpu.memory_space<vmem>>[vector<16xi32>, vector<16xi32>], vector<16xf32>,
        %gather3A_334 = tpu.vector_load_idx %arg10[%get3A_129, %broadcast_in_dim3A_331] : memref<512x32xf32, #tpu.memory_space<vmem>>[vector<16xi32>, vector<16xi32>], vector<16xf32>,
        %add3A_335 = arith.addf %gather3A_332, %gather3A_333 : vector<16xf32>
        %add3A_336 = arith.addf %add3A_335, %gather3A_334 : vector<16xf32>
        %add3A_337 = arith.addf %add3A_327, %add3A_336 : vector<16xf32>
        %mul3A_338 = arith.mulf %add3A_336, %add3A_336 : vector<16xf32>
        %add3A_339 = arith.addf %add3A_329, %mul3A_338 : vector<16xf32>
        %broadcast_in_dim3A_340 = arith.constant 21 : i32
        %broadcast_in_dim3A_341 = vector.broadcast %broadcast_in_dim3A_340 : i32 to vector<16xi32>
        %gather3A_342 = tpu.vector_load_idx %arg15[%add3A_118, %broadcast_in_dim3A_341] : memref<128x32xf32, #tpu.memory_space<vmem>>[vector<16xi32>, vector<16xi32>], vector<16xf32>,
        %gather3A_343 = tpu.vector_load_idx %arg9[%get3A_123, %broadcast_in_dim3A_341] : memref<512x32xf32, #tpu.memory_space<vmem>>[vector<16xi32>, vector<16xi32>], vector<16xf32>,
        %gather3A_344 = tpu.vector_load_idx %arg10[%get3A_129, %broadcast_in_dim3A_341] : memref<512x32xf32, #tpu.memory_space<vmem>>[vector<16xi32>, vector<16xi32>], vector<16xf32>,
        %add3A_345 = arith.addf %gather3A_342, %gather3A_343 : vector<16xf32>
        %add3A_346 = arith.addf %add3A_345, %gather3A_344 : vector<16xf32>
        %add3A_347 = arith.addf %add3A_337, %add3A_346 : vector<16xf32>
        %mul3A_348 = arith.mulf %add3A_346, %add3A_346 : vector<16xf32>
        %add3A_349 = arith.addf %add3A_339, %mul3A_348 : vector<16xf32>
        %broadcast_in_dim3A_350 = arith.constant 22 : i32
        %broadcast_in_dim3A_351 = vector.broadcast %broadcast_in_dim3A_350 : i32 to vector<16xi32>
        %gather3A_352 = tpu.vector_load_idx %arg15[%add3A_118, %broadcast_in_dim3A_351] : memref<128x32xf32, #tpu.memory_space<vmem>>[vector<16xi32>, vector<16xi32>], vector<16xf32>,
        %gather3A_353 = tpu.vector_load_idx %arg9[%get3A_123, %broadcast_in_dim3A_351] : memref<512x32xf32, #tpu.memory_space<vmem>>[vector<16xi32>, vector<16xi32>], vector<16xf32>,
        %gather3A_354 = tpu.vector_load_idx %arg10[%get3A_129, %broadcast_in_dim3A_351] : memref<512x32xf32, #tpu.memory_space<vmem>>[vector<16xi32>, vector<16xi32>], vector<16xf32>,
        %add3A_355 = arith.addf %gather3A_352, %gather3A_353 : vector<16xf32>
        %add3A_356 = arith.addf %add3A_355, %gather3A_354 : vector<16xf32>
        %add3A_357 = arith.addf %add3A_347, %add3A_356 : vector<16xf32>
        %mul3A_358 = arith.mulf %add3A_356, %add3A_356 : vector<16xf32>
        %add3A_359 = arith.addf %add3A_349, %mul3A_358 : vector<16xf32>
        %broadcast_in_dim3A_360 = arith.constant 23 : i32
        %broadcast_in_dim3A_361 = vector.broadcast %broadcast_in_dim3A_360 : i32 to vector<16xi32>
        %gather3A_362 = tpu.vector_load_idx %arg15[%add3A_118, %broadcast_in_dim3A_361] : memref<128x32xf32, #tpu.memory_space<vmem>>[vector<16xi32>, vector<16xi32>], vector<16xf32>,
        %gather3A_363 = tpu.vector_load_idx %arg9[%get3A_123, %broadcast_in_dim3A_361] : memref<512x32xf32, #tpu.memory_space<vmem>>[vector<16xi32>, vector<16xi32>], vector<16xf32>,
        %gather3A_364 = tpu.vector_load_idx %arg10[%get3A_129, %broadcast_in_dim3A_361] : memref<512x32xf32, #tpu.memory_space<vmem>>[vector<16xi32>, vector<16xi32>], vector<16xf32>,
        %add3A_365 = arith.addf %gather3A_362, %gather3A_363 : vector<16xf32>
        %add3A_366 = arith.addf %add3A_365, %gather3A_364 : vector<16xf32>
        %add3A_367 = arith.addf %add3A_357, %add3A_366 : vector<16xf32>
        %mul3A_368 = arith.mulf %add3A_366, %add3A_366 : vector<16xf32>
        %add3A_369 = arith.addf %add3A_359, %mul3A_368 : vector<16xf32>
        %broadcast_in_dim3A_370 = arith.constant 24 : i32
        %broadcast_in_dim3A_371 = vector.broadcast %broadcast_in_dim3A_370 : i32 to vector<16xi32>
        %gather3A_372 = tpu.vector_load_idx %arg15[%add3A_118, %broadcast_in_dim3A_371] : memref<128x32xf32, #tpu.memory_space<vmem>>[vector<16xi32>, vector<16xi32>], vector<16xf32>,
        %gather3A_373 = tpu.vector_load_idx %arg9[%get3A_123, %broadcast_in_dim3A_371] : memref<512x32xf32, #tpu.memory_space<vmem>>[vector<16xi32>, vector<16xi32>], vector<16xf32>,
        %gather3A_374 = tpu.vector_load_idx %arg10[%get3A_129, %broadcast_in_dim3A_371] : memref<512x32xf32, #tpu.memory_space<vmem>>[vector<16xi32>, vector<16xi32>], vector<16xf32>,
        %add3A_375 = arith.addf %gather3A_372, %gather3A_373 : vector<16xf32>
        %add3A_376 = arith.addf %add3A_375, %gather3A_374 : vector<16xf32>
        %add3A_377 = arith.addf %add3A_367, %add3A_376 : vector<16xf32>
        %mul3A_378 = arith.mulf %add3A_376, %add3A_376 : vector<16xf32>
        %add3A_379 = arith.addf %add3A_369, %mul3A_378 : vector<16xf32>
        %broadcast_in_dim3A_380 = arith.constant 25 : i32
        %broadcast_in_dim3A_381 = vector.broadcast %broadcast_in_dim3A_380 : i32 to vector<16xi32>
        %gather3A_382 = tpu.vector_load_idx %arg15[%add3A_118, %broadcast_in_dim3A_381] : memref<128x32xf32, #tpu.memory_space<vmem>>[vector<16xi32>, vector<16xi32>], vector<16xf32>,
        %gather3A_383 = tpu.vector_load_idx %arg9[%get3A_123, %broadcast_in_dim3A_381] : memref<512x32xf32, #tpu.memory_space<vmem>>[vector<16xi32>, vector<16xi32>], vector<16xf32>,
        %gather3A_384 = tpu.vector_load_idx %arg10[%get3A_129, %broadcast_in_dim3A_381] : memref<512x32xf32, #tpu.memory_space<vmem>>[vector<16xi32>, vector<16xi32>], vector<16xf32>,
        %add3A_385 = arith.addf %gather3A_382, %gather3A_383 : vector<16xf32>
        %add3A_386 = arith.addf %add3A_385, %gather3A_384 : vector<16xf32>
        %add3A_387 = arith.addf %add3A_377, %add3A_386 : vector<16xf32>
        %mul3A_388 = arith.mulf %add3A_386, %add3A_386 : vector<16xf32>
        %add3A_389 = arith.addf %add3A_379, %mul3A_388 : vector<16xf32>
        %broadcast_in_dim3A_390 = arith.constant 26 : i32
        %broadcast_in_dim3A_391 = vector.broadcast %broadcast_in_dim3A_390 : i32 to vector<16xi32>
        %gather3A_392 = tpu.vector_load_idx %arg15[%add3A_118, %broadcast_in_dim3A_391] : memref<128x32xf32, #tpu.memory_space<vmem>>[vector<16xi32>, vector<16xi32>], vector<16xf32>,
        %gather3A_393 = tpu.vector_load_idx %arg9[%get3A_123, %broadcast_in_dim3A_391] : memref<512x32xf32, #tpu.memory_space<vmem>>[vector<16xi32>, vector<16xi32>], vector<16xf32>,
        %gather3A_394 = tpu.vector_load_idx %arg10[%get3A_129, %broadcast_in_dim3A_391] : memref<512x32xf32, #tpu.memory_space<vmem>>[vector<16xi32>, vector<16xi32>], vector<16xf32>,
        %add3A_395 = arith.addf %gather3A_392, %gather3A_393 : vector<16xf32>
        %add3A_396 = arith.addf %add3A_395, %gather3A_394 : vector<16xf32>
        %add3A_397 = arith.addf %add3A_387, %add3A_396 : vector<16xf32>
        %mul3A_398 = arith.mulf %add3A_396, %add3A_396 : vector<16xf32>
        %add3A_399 = arith.addf %add3A_389, %mul3A_398 : vector<16xf32>
        %broadcast_in_dim3A_400 = arith.constant 27 : i32
        %broadcast_in_dim3A_401 = vector.broadcast %broadcast_in_dim3A_400 : i32 to vector<16xi32>
        %gather3A_402 = tpu.vector_load_idx %arg15[%add3A_118, %broadcast_in_dim3A_401] : memref<128x32xf32, #tpu.memory_space<vmem>>[vector<16xi32>, vector<16xi32>], vector<16xf32>,
        %gather3A_403 = tpu.vector_load_idx %arg9[%get3A_123, %broadcast_in_dim3A_401] : memref<512x32xf32, #tpu.memory_space<vmem>>[vector<16xi32>, vector<16xi32>], vector<16xf32>,
        %gather3A_404 = tpu.vector_load_idx %arg10[%get3A_129, %broadcast_in_dim3A_401] : memref<512x32xf32, #tpu.memory_space<vmem>>[vector<16xi32>, vector<16xi32>], vector<16xf32>,
        %add3A_405 = arith.addf %gather3A_402, %gather3A_403 : vector<16xf32>
        %add3A_406 = arith.addf %add3A_405, %gather3A_404 : vector<16xf32>
        %add3A_407 = arith.addf %add3A_397, %add3A_406 : vector<16xf32>
        %mul3A_408 = arith.mulf %add3A_406, %add3A_406 : vector<16xf32>
        %add3A_409 = arith.addf %add3A_399, %mul3A_408 : vector<16xf32>
        %broadcast_in_dim3A_410 = arith.constant 28 : i32
        %broadcast_in_dim3A_411 = vector.broadcast %broadcast_in_dim3A_410 : i32 to vector<16xi32>
        %gather3A_412 = tpu.vector_load_idx %arg15[%add3A_118, %broadcast_in_dim3A_411] : memref<128x32xf32, #tpu.memory_space<vmem>>[vector<16xi32>, vector<16xi32>], vector<16xf32>,
        %gather3A_413 = tpu.vector_load_idx %arg9[%get3A_123, %broadcast_in_dim3A_411] : memref<512x32xf32, #tpu.memory_space<vmem>>[vector<16xi32>, vector<16xi32>], vector<16xf32>,
        %gather3A_414 = tpu.vector_load_idx %arg10[%get3A_129, %broadcast_in_dim3A_411] : memref<512x32xf32, #tpu.memory_space<vmem>>[vector<16xi32>, vector<16xi32>], vector<16xf32>,
        %add3A_415 = arith.addf %gather3A_412, %gather3A_413 : vector<16xf32>
        %add3A_416 = arith.addf %add3A_415, %gather3A_414 : vector<16xf32>
        %add3A_417 = arith.addf %add3A_407, %add3A_416 : vector<16xf32>
        %mul3A_418 = arith.mulf %add3A_416, %add3A_416 : vector<16xf32>
        %add3A_419 = arith.addf %add3A_409, %mul3A_418 : vector<16xf32>
        %broadcast_in_dim3A_420 = arith.constant 29 : i32
        %broadcast_in_dim3A_421 = vector.broadcast %broadcast_in_dim3A_420 : i32 to vector<16xi32>
        %gather3A_422 = tpu.vector_load_idx %arg15[%add3A_118, %broadcast_in_dim3A_421] : memref<128x32xf32, #tpu.memory_space<vmem>>[vector<16xi32>, vector<16xi32>], vector<16xf32>,
        %gather3A_423 = tpu.vector_load_idx %arg9[%get3A_123, %broadcast_in_dim3A_421] : memref<512x32xf32, #tpu.memory_space<vmem>>[vector<16xi32>, vector<16xi32>], vector<16xf32>,
        %gather3A_424 = tpu.vector_load_idx %arg10[%get3A_129, %broadcast_in_dim3A_421] : memref<512x32xf32, #tpu.memory_space<vmem>>[vector<16xi32>, vector<16xi32>], vector<16xf32>,
        %add3A_425 = arith.addf %gather3A_422, %gather3A_423 : vector<16xf32>
        %add3A_426 = arith.addf %add3A_425, %gather3A_424 : vector<16xf32>
        %add3A_427 = arith.addf %add3A_417, %add3A_426 : vector<16xf32>
        %mul3A_428 = arith.mulf %add3A_426, %add3A_426 : vector<16xf32>
        %add3A_429 = arith.addf %add3A_419, %mul3A_428 : vector<16xf32>
        %broadcast_in_dim3A_430 = arith.constant 30 : i32
        %broadcast_in_dim3A_431 = vector.broadcast %broadcast_in_dim3A_430 : i32 to vector<16xi32>
        %gather3A_432 = tpu.vector_load_idx %arg15[%add3A_118, %broadcast_in_dim3A_431] : memref<128x32xf32, #tpu.memory_space<vmem>>[vector<16xi32>, vector<16xi32>], vector<16xf32>,
        %gather3A_433 = tpu.vector_load_idx %arg9[%get3A_123, %broadcast_in_dim3A_431] : memref<512x32xf32, #tpu.memory_space<vmem>>[vector<16xi32>, vector<16xi32>], vector<16xf32>,
        %gather3A_434 = tpu.vector_load_idx %arg10[%get3A_129, %broadcast_in_dim3A_431] : memref<512x32xf32, #tpu.memory_space<vmem>>[vector<16xi32>, vector<16xi32>], vector<16xf32>,
        %add3A_435 = arith.addf %gather3A_432, %gather3A_433 : vector<16xf32>
        %add3A_436 = arith.addf %add3A_435, %gather3A_434 : vector<16xf32>
        %add3A_437 = arith.addf %add3A_427, %add3A_436 : vector<16xf32>
        %mul3A_438 = arith.mulf %add3A_436, %add3A_436 : vector<16xf32>
        %add3A_439 = arith.addf %add3A_429, %mul3A_438 : vector<16xf32>
        %broadcast_in_dim3A_440 = arith.constant 31 : i32
        %broadcast_in_dim3A_441 = vector.broadcast %broadcast_in_dim3A_440 : i32 to vector<16xi32>
        %gather3A_442 = tpu.vector_load_idx %arg15[%add3A_118, %broadcast_in_dim3A_441] : memref<128x32xf32, #tpu.memory_space<vmem>>[vector<16xi32>, vector<16xi32>], vector<16xf32>,
        %gather3A_443 = tpu.vector_load_idx %arg9[%get3A_123, %broadcast_in_dim3A_441] : memref<512x32xf32, #tpu.memory_space<vmem>>[vector<16xi32>, vector<16xi32>], vector<16xf32>,
        %gather3A_444 = tpu.vector_load_idx %arg10[%get3A_129, %broadcast_in_dim3A_441] : memref<512x32xf32, #tpu.memory_space<vmem>>[vector<16xi32>, vector<16xi32>], vector<16xf32>,
        %add3A_445 = arith.addf %gather3A_442, %gather3A_443 : vector<16xf32>
        %add3A_446 = arith.addf %add3A_445, %gather3A_444 : vector<16xf32>
        %add3A_447 = arith.addf %add3A_437, %add3A_446 : vector<16xf32>
        %mul3A_448 = arith.mulf %add3A_446, %add3A_446 : vector<16xf32>
        %add3A_449 = arith.addf %add3A_439, %mul3A_448 : vector<16xf32>
        %mul3A_450 = arith.constant 3.125000e-02 : f32
        %mul3A_451 = vector.broadcast %mul3A_450 : f32 to vector<16xf32>
        %mul3A_452 = arith.mulf %add3A_447, %mul3A_451 : vector<16xf32>
        %mul3A_453 = arith.constant 3.125000e-02 : f32
        %mul3A_454 = vector.broadcast %mul3A_453 : f32 to vector<16xf32>
        %mul3A_455 = arith.mulf %add3A_449, %mul3A_454 : vector<16xf32>
        %mul3A_456 = arith.mulf %mul3A_452, %mul3A_452 : vector<16xf32>
        %sub3A = arith.subf %mul3A_455, %mul3A_456 : vector<16xf32>
        %add3A_457 = arith.constant 9.99999974E-6 : f32
        %add3A_458 = vector.broadcast %add3A_457 : f32 to vector<16xf32>
        %add3A_459 = arith.addf %sub3A, %add3A_458 : vector<16xf32>
        %bitcast3A = vector.bitcast %add3A_459 : vector<16xf32> to vector<16xi32>
        %shift_right_arithmetic3A = arith.constant 1 : i32
        %shift_right_arithmetic3A_460 = vector.broadcast %shift_right_arithmetic3A : i32 to vector<16xi32>
        %shift_right_arithmetic3A_461 = arith.shrsi %bitcast3A, %shift_right_arithmetic3A_460 : vector<16xi32>
        %sub3A_462 = arith.constant 1597463007 : i32
        %sub3A_463 = vector.broadcast %sub3A_462 : i32 to vector<16xi32>
        %sub3A_464 = arith.subi %sub3A_463, %shift_right_arithmetic3A_461 : vector<16xi32>
        %bitcast3A_465 = vector.bitcast %sub3A_464 : vector<16xi32> to vector<16xf32>
        %mul3A_466 = arith.constant 5.000000e-01 : f32
        %mul3A_467 = vector.broadcast %mul3A_466 : f32 to vector<16xf32>
        %mul3A_468 = arith.mulf %add3A_459, %mul3A_467 : vector<16xf32>
        %mul3A_469 = arith.mulf %mul3A_468, %bitcast3A_465 : vector<16xf32>
        %mul3A_470 = arith.mulf %mul3A_469, %bitcast3A_465 : vector<16xf32>
        %sub3A_471 = arith.constant 1.500000e+00 : f32
        %sub3A_472 = vector.broadcast %sub3A_471 : f32 to vector<16xf32>
        %sub3A_473 = arith.subf %sub3A_472, %mul3A_470 : vector<16xf32>
        %mul3A_474 = arith.mulf %bitcast3A_465, %sub3A_473 : vector<16xf32>
        %mul3A_475 = arith.mulf %mul3A_468, %mul3A_474 : vector<16xf32>
        %mul3A_476 = arith.mulf %mul3A_475, %mul3A_474 : vector<16xf32>
        %sub3A_477 = arith.constant 1.500000e+00 : f32
        %sub3A_478 = vector.broadcast %sub3A_477 : f32 to vector<16xf32>
        %sub3A_479 = arith.subf %sub3A_478, %mul3A_476 : vector<16xf32>
        %mul3A_480 = arith.mulf %mul3A_474, %sub3A_479 : vector<16xf32>
        %mul3A_481 = arith.mulf %mul3A_468, %mul3A_480 : vector<16xf32>
        %mul3A_482 = arith.mulf %mul3A_481, %mul3A_480 : vector<16xf32>
        %sub3A_483 = arith.constant 1.500000e+00 : f32
        %sub3A_484 = vector.broadcast %sub3A_483 : f32 to vector<16xf32>
        %sub3A_485 = arith.subf %sub3A_484, %mul3A_482 : vector<16xf32>
        %mul3A_486 = arith.mulf %mul3A_480, %sub3A_485 : vector<16xf32>
        %broadcast_in_dim3A_487 = arith.constant 0 : i32
        %broadcast_in_dim3A_488 = vector.broadcast %broadcast_in_dim3A_487 : i32 to vector<16xi32>
        %get3A_489 = arith.constant 0 : i32
        %get3A_490 = arith.index_cast %get3A_489 : i32 to index
        %get3A_491 = arith.constant 0 : index
        %get3A_492 = tpu.vector_load %arg11[%get3A_490, %get3A_491] {strides = array<i32>} : memref<32x16xf32, #tpu.memory_space<vmem>>, vector<16xf32>,
        %mul3A_493 = arith.mulf %mul3A_486, %get3A_492 : vector<16xf32>
        %sub3A_494 = arith.subf %add3A_136, %mul3A_452 : vector<16xf32>
        %mul3A_495 = arith.mulf %sub3A_494, %mul3A_493 : vector<16xf32>
        %get3A_496 = arith.constant 0 : i32
        %get3A_497 = arith.index_cast %get3A_496 : i32 to index
        %get3A_498 = arith.constant 0 : index
        %get3A_499 = tpu.vector_load %arg12[%get3A_497, %get3A_498] {strides = array<i32>} : memref<32x16xf32, #tpu.memory_space<vmem>>, vector<16xf32>,
        %add3A_500 = arith.addf %mul3A_495, %get3A_499 : vector<16xf32>
        tpu.vector_store_idx %arg15[%add3A_118, %broadcast_in_dim3A_488], %add3A_500 : memref<128x32xf32, #tpu.memory_space<vmem>>[vector<16xi32>, vector<16xi32>], vector<16xf32>,
        %broadcast_in_dim3A_501 = arith.constant 1 : i32
        %broadcast_in_dim3A_502 = vector.broadcast %broadcast_in_dim3A_501 : i32 to vector<16xi32>
        %get3A_503 = arith.constant 1 : i32
        %get3A_504 = arith.index_cast %get3A_503 : i32 to index
        %get3A_505 = arith.constant 0 : index
        %get3A_506 = tpu.vector_load %arg11[%get3A_504, %get3A_505] {strides = array<i32>} : memref<32x16xf32, #tpu.memory_space<vmem>>, vector<16xf32>,
        %mul3A_507 = arith.mulf %mul3A_486, %get3A_506 : vector<16xf32>
        %sub3A_508 = arith.subf %add3A_146, %mul3A_452 : vector<16xf32>
        %mul3A_509 = arith.mulf %sub3A_508, %mul3A_507 : vector<16xf32>
        %get3A_510 = arith.constant 1 : i32
        %get3A_511 = arith.index_cast %get3A_510 : i32 to index
        %get3A_512 = arith.constant 0 : index
        %get3A_513 = tpu.vector_load %arg12[%get3A_511, %get3A_512] {strides = array<i32>} : memref<32x16xf32, #tpu.memory_space<vmem>>, vector<16xf32>,
        %add3A_514 = arith.addf %mul3A_509, %get3A_513 : vector<16xf32>
        tpu.vector_store_idx %arg15[%add3A_118, %broadcast_in_dim3A_502], %add3A_514 : memref<128x32xf32, #tpu.memory_space<vmem>>[vector<16xi32>, vector<16xi32>], vector<16xf32>,
        %broadcast_in_dim3A_515 = arith.constant 2 : i32
        %broadcast_in_dim3A_516 = vector.broadcast %broadcast_in_dim3A_515 : i32 to vector<16xi32>
        %get3A_517 = arith.constant 2 : i32
        %get3A_518 = arith.index_cast %get3A_517 : i32 to index
        %get3A_519 = arith.constant 0 : index
        %get3A_520 = tpu.vector_load %arg11[%get3A_518, %get3A_519] {strides = array<i32>} : memref<32x16xf32, #tpu.memory_space<vmem>>, vector<16xf32>,
        %mul3A_521 = arith.mulf %mul3A_486, %get3A_520 : vector<16xf32>
        %sub3A_522 = arith.subf %add3A_156, %mul3A_452 : vector<16xf32>
        %mul3A_523 = arith.mulf %sub3A_522, %mul3A_521 : vector<16xf32>
        %get3A_524 = arith.constant 2 : i32
        %get3A_525 = arith.index_cast %get3A_524 : i32 to index
        %get3A_526 = arith.constant 0 : index
        %get3A_527 = tpu.vector_load %arg12[%get3A_525, %get3A_526] {strides = array<i32>} : memref<32x16xf32, #tpu.memory_space<vmem>>, vector<16xf32>,
        %add3A_528 = arith.addf %mul3A_523, %get3A_527 : vector<16xf32>
        tpu.vector_store_idx %arg15[%add3A_118, %broadcast_in_dim3A_516], %add3A_528 : memref<128x32xf32, #tpu.memory_space<vmem>>[vector<16xi32>, vector<16xi32>], vector<16xf32>,
        %broadcast_in_dim3A_529 = arith.constant 3 : i32
        %broadcast_in_dim3A_530 = vector.broadcast %broadcast_in_dim3A_529 : i32 to vector<16xi32>
        %get3A_531 = arith.constant 3 : i32
        %get3A_532 = arith.index_cast %get3A_531 : i32 to index
        %get3A_533 = arith.constant 0 : index
        %get3A_534 = tpu.vector_load %arg11[%get3A_532, %get3A_533] {strides = array<i32>} : memref<32x16xf32, #tpu.memory_space<vmem>>, vector<16xf32>,
        %mul3A_535 = arith.mulf %mul3A_486, %get3A_534 : vector<16xf32>
        %sub3A_536 = arith.subf %add3A_166, %mul3A_452 : vector<16xf32>
        %mul3A_537 = arith.mulf %sub3A_536, %mul3A_535 : vector<16xf32>
        %get3A_538 = arith.constant 3 : i32
        %get3A_539 = arith.index_cast %get3A_538 : i32 to index
        %get3A_540 = arith.constant 0 : index
        %get3A_541 = tpu.vector_load %arg12[%get3A_539, %get3A_540] {strides = array<i32>} : memref<32x16xf32, #tpu.memory_space<vmem>>, vector<16xf32>,
        %add3A_542 = arith.addf %mul3A_537, %get3A_541 : vector<16xf32>
        tpu.vector_store_idx %arg15[%add3A_118, %broadcast_in_dim3A_530], %add3A_542 : memref<128x32xf32, #tpu.memory_space<vmem>>[vector<16xi32>, vector<16xi32>], vector<16xf32>,
        %broadcast_in_dim3A_543 = arith.constant 4 : i32
        %broadcast_in_dim3A_544 = vector.broadcast %broadcast_in_dim3A_543 : i32 to vector<16xi32>
        %get3A_545 = arith.constant 4 : i32
        %get3A_546 = arith.index_cast %get3A_545 : i32 to index
        %get3A_547 = arith.constant 0 : index
        %get3A_548 = tpu.vector_load %arg11[%get3A_546, %get3A_547] {strides = array<i32>} : memref<32x16xf32, #tpu.memory_space<vmem>>, vector<16xf32>,
        %mul3A_549 = arith.mulf %mul3A_486, %get3A_548 : vector<16xf32>
        %sub3A_550 = arith.subf %add3A_176, %mul3A_452 : vector<16xf32>
        %mul3A_551 = arith.mulf %sub3A_550, %mul3A_549 : vector<16xf32>
        %get3A_552 = arith.constant 4 : i32
        %get3A_553 = arith.index_cast %get3A_552 : i32 to index
        %get3A_554 = arith.constant 0 : index
        %get3A_555 = tpu.vector_load %arg12[%get3A_553, %get3A_554] {strides = array<i32>} : memref<32x16xf32, #tpu.memory_space<vmem>>, vector<16xf32>,
        %add3A_556 = arith.addf %mul3A_551, %get3A_555 : vector<16xf32>
        tpu.vector_store_idx %arg15[%add3A_118, %broadcast_in_dim3A_544], %add3A_556 : memref<128x32xf32, #tpu.memory_space<vmem>>[vector<16xi32>, vector<16xi32>], vector<16xf32>,
        %broadcast_in_dim3A_557 = arith.constant 5 : i32
        %broadcast_in_dim3A_558 = vector.broadcast %broadcast_in_dim3A_557 : i32 to vector<16xi32>
        %get3A_559 = arith.constant 5 : i32
        %get3A_560 = arith.index_cast %get3A_559 : i32 to index
        %get3A_561 = arith.constant 0 : index
        %get3A_562 = tpu.vector_load %arg11[%get3A_560, %get3A_561] {strides = array<i32>} : memref<32x16xf32, #tpu.memory_space<vmem>>, vector<16xf32>,
        %mul3A_563 = arith.mulf %mul3A_486, %get3A_562 : vector<16xf32>
        %sub3A_564 = arith.subf %add3A_186, %mul3A_452 : vector<16xf32>
        %mul3A_565 = arith.mulf %sub3A_564, %mul3A_563 : vector<16xf32>
        %get3A_566 = arith.constant 5 : i32
        %get3A_567 = arith.index_cast %get3A_566 : i32 to index
        %get3A_568 = arith.constant 0 : index
        %get3A_569 = tpu.vector_load %arg12[%get3A_567, %get3A_568] {strides = array<i32>} : memref<32x16xf32, #tpu.memory_space<vmem>>, vector<16xf32>,
        %add3A_570 = arith.addf %mul3A_565, %get3A_569 : vector<16xf32>
        tpu.vector_store_idx %arg15[%add3A_118, %broadcast_in_dim3A_558], %add3A_570 : memref<128x32xf32, #tpu.memory_space<vmem>>[vector<16xi32>, vector<16xi32>], vector<16xf32>,
        %broadcast_in_dim3A_571 = arith.constant 6 : i32
        %broadcast_in_dim3A_572 = vector.broadcast %broadcast_in_dim3A_571 : i32 to vector<16xi32>
        %get3A_573 = arith.constant 6 : i32
        %get3A_574 = arith.index_cast %get3A_573 : i32 to index
        %get3A_575 = arith.constant 0 : index
        %get3A_576 = tpu.vector_load %arg11[%get3A_574, %get3A_575] {strides = array<i32>} : memref<32x16xf32, #tpu.memory_space<vmem>>, vector<16xf32>,
        %mul3A_577 = arith.mulf %mul3A_486, %get3A_576 : vector<16xf32>
        %sub3A_578 = arith.subf %add3A_196, %mul3A_452 : vector<16xf32>
        %mul3A_579 = arith.mulf %sub3A_578, %mul3A_577 : vector<16xf32>
        %get3A_580 = arith.constant 6 : i32
        %get3A_581 = arith.index_cast %get3A_580 : i32 to index
        %get3A_582 = arith.constant 0 : index
        %get3A_583 = tpu.vector_load %arg12[%get3A_581, %get3A_582] {strides = array<i32>} : memref<32x16xf32, #tpu.memory_space<vmem>>, vector<16xf32>,
        %add3A_584 = arith.addf %mul3A_579, %get3A_583 : vector<16xf32>
        tpu.vector_store_idx %arg15[%add3A_118, %broadcast_in_dim3A_572], %add3A_584 : memref<128x32xf32, #tpu.memory_space<vmem>>[vector<16xi32>, vector<16xi32>], vector<16xf32>,
        %broadcast_in_dim3A_585 = arith.constant 7 : i32
        %broadcast_in_dim3A_586 = vector.broadcast %broadcast_in_dim3A_585 : i32 to vector<16xi32>
        %get3A_587 = arith.constant 7 : i32
        %get3A_588 = arith.index_cast %get3A_587 : i32 to index
        %get3A_589 = arith.constant 0 : index
        %get3A_590 = tpu.vector_load %arg11[%get3A_588, %get3A_589] {strides = array<i32>} : memref<32x16xf32, #tpu.memory_space<vmem>>, vector<16xf32>,
        %mul3A_591 = arith.mulf %mul3A_486, %get3A_590 : vector<16xf32>
        %sub3A_592 = arith.subf %add3A_206, %mul3A_452 : vector<16xf32>
        %mul3A_593 = arith.mulf %sub3A_592, %mul3A_591 : vector<16xf32>
        %get3A_594 = arith.constant 7 : i32
        %get3A_595 = arith.index_cast %get3A_594 : i32 to index
        %get3A_596 = arith.constant 0 : index
        %get3A_597 = tpu.vector_load %arg12[%get3A_595, %get3A_596] {strides = array<i32>} : memref<32x16xf32, #tpu.memory_space<vmem>>, vector<16xf32>,
        %add3A_598 = arith.addf %mul3A_593, %get3A_597 : vector<16xf32>
        tpu.vector_store_idx %arg15[%add3A_118, %broadcast_in_dim3A_586], %add3A_598 : memref<128x32xf32, #tpu.memory_space<vmem>>[vector<16xi32>, vector<16xi32>], vector<16xf32>,
        %broadcast_in_dim3A_599 = arith.constant 8 : i32
        %broadcast_in_dim3A_600 = vector.broadcast %broadcast_in_dim3A_599 : i32 to vector<16xi32>
        %get3A_601 = arith.constant 8 : i32
        %get3A_602 = arith.index_cast %get3A_601 : i32 to index
        %get3A_603 = arith.constant 0 : index
        %get3A_604 = tpu.vector_load %arg11[%get3A_602, %get3A_603] {strides = array<i32>} : memref<32x16xf32, #tpu.memory_space<vmem>>, vector<16xf32>,
        %mul3A_605 = arith.mulf %mul3A_486, %get3A_604 : vector<16xf32>
        %sub3A_606 = arith.subf %add3A_216, %mul3A_452 : vector<16xf32>
        %mul3A_607 = arith.mulf %sub3A_606, %mul3A_605 : vector<16xf32>
        %get3A_608 = arith.constant 8 : i32
        %get3A_609 = arith.index_cast %get3A_608 : i32 to index
        %get3A_610 = arith.constant 0 : index
        %get3A_611 = tpu.vector_load %arg12[%get3A_609, %get3A_610] {strides = array<i32>} : memref<32x16xf32, #tpu.memory_space<vmem>>, vector<16xf32>,
        %add3A_612 = arith.addf %mul3A_607, %get3A_611 : vector<16xf32>
        tpu.vector_store_idx %arg15[%add3A_118, %broadcast_in_dim3A_600], %add3A_612 : memref<128x32xf32, #tpu.memory_space<vmem>>[vector<16xi32>, vector<16xi32>], vector<16xf32>,
        %broadcast_in_dim3A_613 = arith.constant 9 : i32
        %broadcast_in_dim3A_614 = vector.broadcast %broadcast_in_dim3A_613 : i32 to vector<16xi32>
        %get3A_615 = arith.constant 9 : i32
        %get3A_616 = arith.index_cast %get3A_615 : i32 to index
        %get3A_617 = arith.constant 0 : index
        %get3A_618 = tpu.vector_load %arg11[%get3A_616, %get3A_617] {strides = array<i32>} : memref<32x16xf32, #tpu.memory_space<vmem>>, vector<16xf32>,
        %mul3A_619 = arith.mulf %mul3A_486, %get3A_618 : vector<16xf32>
        %sub3A_620 = arith.subf %add3A_226, %mul3A_452 : vector<16xf32>
        %mul3A_621 = arith.mulf %sub3A_620, %mul3A_619 : vector<16xf32>
        %get3A_622 = arith.constant 9 : i32
        %get3A_623 = arith.index_cast %get3A_622 : i32 to index
        %get3A_624 = arith.constant 0 : index
        %get3A_625 = tpu.vector_load %arg12[%get3A_623, %get3A_624] {strides = array<i32>} : memref<32x16xf32, #tpu.memory_space<vmem>>, vector<16xf32>,
        %add3A_626 = arith.addf %mul3A_621, %get3A_625 : vector<16xf32>
        tpu.vector_store_idx %arg15[%add3A_118, %broadcast_in_dim3A_614], %add3A_626 : memref<128x32xf32, #tpu.memory_space<vmem>>[vector<16xi32>, vector<16xi32>], vector<16xf32>,
        %broadcast_in_dim3A_627 = arith.constant 10 : i32
        %broadcast_in_dim3A_628 = vector.broadcast %broadcast_in_dim3A_627 : i32 to vector<16xi32>
        %get3A_629 = arith.constant 10 : i32
        %get3A_630 = arith.index_cast %get3A_629 : i32 to index
        %get3A_631 = arith.constant 0 : index
        %get3A_632 = tpu.vector_load %arg11[%get3A_630, %get3A_631] {strides = array<i32>} : memref<32x16xf32, #tpu.memory_space<vmem>>, vector<16xf32>,
        %mul3A_633 = arith.mulf %mul3A_486, %get3A_632 : vector<16xf32>
        %sub3A_634 = arith.subf %add3A_236, %mul3A_452 : vector<16xf32>
        %mul3A_635 = arith.mulf %sub3A_634, %mul3A_633 : vector<16xf32>
        %get3A_636 = arith.constant 10 : i32
        %get3A_637 = arith.index_cast %get3A_636 : i32 to index
        %get3A_638 = arith.constant 0 : index
        %get3A_639 = tpu.vector_load %arg12[%get3A_637, %get3A_638] {strides = array<i32>} : memref<32x16xf32, #tpu.memory_space<vmem>>, vector<16xf32>,
        %add3A_640 = arith.addf %mul3A_635, %get3A_639 : vector<16xf32>
        tpu.vector_store_idx %arg15[%add3A_118, %broadcast_in_dim3A_628], %add3A_640 : memref<128x32xf32, #tpu.memory_space<vmem>>[vector<16xi32>, vector<16xi32>], vector<16xf32>,
        %broadcast_in_dim3A_641 = arith.constant 11 : i32
        %broadcast_in_dim3A_642 = vector.broadcast %broadcast_in_dim3A_641 : i32 to vector<16xi32>
        %get3A_643 = arith.constant 11 : i32
        %get3A_644 = arith.index_cast %get3A_643 : i32 to index
        %get3A_645 = arith.constant 0 : index
        %get3A_646 = tpu.vector_load %arg11[%get3A_644, %get3A_645] {strides = array<i32>} : memref<32x16xf32, #tpu.memory_space<vmem>>, vector<16xf32>,
        %mul3A_647 = arith.mulf %mul3A_486, %get3A_646 : vector<16xf32>
        %sub3A_648 = arith.subf %add3A_246, %mul3A_452 : vector<16xf32>
        %mul3A_649 = arith.mulf %sub3A_648, %mul3A_647 : vector<16xf32>
        %get3A_650 = arith.constant 11 : i32
        %get3A_651 = arith.index_cast %get3A_650 : i32 to index
        %get3A_652 = arith.constant 0 : index
        %get3A_653 = tpu.vector_load %arg12[%get3A_651, %get3A_652] {strides = array<i32>} : memref<32x16xf32, #tpu.memory_space<vmem>>, vector<16xf32>,
        %add3A_654 = arith.addf %mul3A_649, %get3A_653 : vector<16xf32>
        tpu.vector_store_idx %arg15[%add3A_118, %broadcast_in_dim3A_642], %add3A_654 : memref<128x32xf32, #tpu.memory_space<vmem>>[vector<16xi32>, vector<16xi32>], vector<16xf32>,
        %broadcast_in_dim3A_655 = arith.constant 12 : i32
        %broadcast_in_dim3A_656 = vector.broadcast %broadcast_in_dim3A_655 : i32 to vector<16xi32>
        %get3A_657 = arith.constant 12 : i32
        %get3A_658 = arith.index_cast %get3A_657 : i32 to index
        %get3A_659 = arith.constant 0 : index
        %get3A_660 = tpu.vector_load %arg11[%get3A_658, %get3A_659] {strides = array<i32>} : memref<32x16xf32, #tpu.memory_space<vmem>>, vector<16xf32>,
        %mul3A_661 = arith.mulf %mul3A_486, %get3A_660 : vector<16xf32>
        %sub3A_662 = arith.subf %add3A_256, %mul3A_452 : vector<16xf32>
        %mul3A_663 = arith.mulf %sub3A_662, %mul3A_661 : vector<16xf32>
        %get3A_664 = arith.constant 12 : i32
        %get3A_665 = arith.index_cast %get3A_664 : i32 to index
        %get3A_666 = arith.constant 0 : index
        %get3A_667 = tpu.vector_load %arg12[%get3A_665, %get3A_666] {strides = array<i32>} : memref<32x16xf32, #tpu.memory_space<vmem>>, vector<16xf32>,
        %add3A_668 = arith.addf %mul3A_663, %get3A_667 : vector<16xf32>
        tpu.vector_store_idx %arg15[%add3A_118, %broadcast_in_dim3A_656], %add3A_668 : memref<128x32xf32, #tpu.memory_space<vmem>>[vector<16xi32>, vector<16xi32>], vector<16xf32>,
        %broadcast_in_dim3A_669 = arith.constant 13 : i32
        %broadcast_in_dim3A_670 = vector.broadcast %broadcast_in_dim3A_669 : i32 to vector<16xi32>
        %get3A_671 = arith.constant 13 : i32
        %get3A_672 = arith.index_cast %get3A_671 : i32 to index
        %get3A_673 = arith.constant 0 : index
        %get3A_674 = tpu.vector_load %arg11[%get3A_672, %get3A_673] {strides = array<i32>} : memref<32x16xf32, #tpu.memory_space<vmem>>, vector<16xf32>,
        %mul3A_675 = arith.mulf %mul3A_486, %get3A_674 : vector<16xf32>
        %sub3A_676 = arith.subf %add3A_266, %mul3A_452 : vector<16xf32>
        %mul3A_677 = arith.mulf %sub3A_676, %mul3A_675 : vector<16xf32>
        %get3A_678 = arith.constant 13 : i32
        %get3A_679 = arith.index_cast %get3A_678 : i32 to index
        %get3A_680 = arith.constant 0 : index
        %get3A_681 = tpu.vector_load %arg12[%get3A_679, %get3A_680] {strides = array<i32>} : memref<32x16xf32, #tpu.memory_space<vmem>>, vector<16xf32>,
        %add3A_682 = arith.addf %mul3A_677, %get3A_681 : vector<16xf32>
        tpu.vector_store_idx %arg15[%add3A_118, %broadcast_in_dim3A_670], %add3A_682 : memref<128x32xf32, #tpu.memory_space<vmem>>[vector<16xi32>, vector<16xi32>], vector<16xf32>,
        %broadcast_in_dim3A_683 = arith.constant 14 : i32
        %broadcast_in_dim3A_684 = vector.broadcast %broadcast_in_dim3A_683 : i32 to vector<16xi32>
        %get3A_685 = arith.constant 14 : i32
        %get3A_686 = arith.index_cast %get3A_685 : i32 to index
        %get3A_687 = arith.constant 0 : index
        %get3A_688 = tpu.vector_load %arg11[%get3A_686, %get3A_687] {strides = array<i32>} : memref<32x16xf32, #tpu.memory_space<vmem>>, vector<16xf32>,
        %mul3A_689 = arith.mulf %mul3A_486, %get3A_688 : vector<16xf32>
        %sub3A_690 = arith.subf %add3A_276, %mul3A_452 : vector<16xf32>
        %mul3A_691 = arith.mulf %sub3A_690, %mul3A_689 : vector<16xf32>
        %get3A_692 = arith.constant 14 : i32
        %get3A_693 = arith.index_cast %get3A_692 : i32 to index
        %get3A_694 = arith.constant 0 : index
        %get3A_695 = tpu.vector_load %arg12[%get3A_693, %get3A_694] {strides = array<i32>} : memref<32x16xf32, #tpu.memory_space<vmem>>, vector<16xf32>,
        %add3A_696 = arith.addf %mul3A_691, %get3A_695 : vector<16xf32>
        tpu.vector_store_idx %arg15[%add3A_118, %broadcast_in_dim3A_684], %add3A_696 : memref<128x32xf32, #tpu.memory_space<vmem>>[vector<16xi32>, vector<16xi32>], vector<16xf32>,
        %broadcast_in_dim3A_697 = arith.constant 15 : i32
        %broadcast_in_dim3A_698 = vector.broadcast %broadcast_in_dim3A_697 : i32 to vector<16xi32>
        %get3A_699 = arith.constant 15 : i32
        %get3A_700 = arith.index_cast %get3A_699 : i32 to index
        %get3A_701 = arith.constant 0 : index
        %get3A_702 = tpu.vector_load %arg11[%get3A_700, %get3A_701] {strides = array<i32>} : memref<32x16xf32, #tpu.memory_space<vmem>>, vector<16xf32>,
        %mul3A_703 = arith.mulf %mul3A_486, %get3A_702 : vector<16xf32>
        %sub3A_704 = arith.subf %add3A_286, %mul3A_452 : vector<16xf32>
        %mul3A_705 = arith.mulf %sub3A_704, %mul3A_703 : vector<16xf32>
        %get3A_706 = arith.constant 15 : i32
        %get3A_707 = arith.index_cast %get3A_706 : i32 to index
        %get3A_708 = arith.constant 0 : index
        %get3A_709 = tpu.vector_load %arg12[%get3A_707, %get3A_708] {strides = array<i32>} : memref<32x16xf32, #tpu.memory_space<vmem>>, vector<16xf32>,
        %add3A_710 = arith.addf %mul3A_705, %get3A_709 : vector<16xf32>
        tpu.vector_store_idx %arg15[%add3A_118, %broadcast_in_dim3A_698], %add3A_710 : memref<128x32xf32, #tpu.memory_space<vmem>>[vector<16xi32>, vector<16xi32>], vector<16xf32>,
        %broadcast_in_dim3A_711 = arith.constant 16 : i32
        %broadcast_in_dim3A_712 = vector.broadcast %broadcast_in_dim3A_711 : i32 to vector<16xi32>
        %get3A_713 = arith.constant 16 : i32
        %get3A_714 = arith.index_cast %get3A_713 : i32 to index
        %get3A_715 = arith.constant 0 : index
        %get3A_716 = tpu.vector_load %arg11[%get3A_714, %get3A_715] {strides = array<i32>} : memref<32x16xf32, #tpu.memory_space<vmem>>, vector<16xf32>,
        %mul3A_717 = arith.mulf %mul3A_486, %get3A_716 : vector<16xf32>
        %sub3A_718 = arith.subf %add3A_296, %mul3A_452 : vector<16xf32>
        %mul3A_719 = arith.mulf %sub3A_718, %mul3A_717 : vector<16xf32>
        %get3A_720 = arith.constant 16 : i32
        %get3A_721 = arith.index_cast %get3A_720 : i32 to index
        %get3A_722 = arith.constant 0 : index
        %get3A_723 = tpu.vector_load %arg12[%get3A_721, %get3A_722] {strides = array<i32>} : memref<32x16xf32, #tpu.memory_space<vmem>>, vector<16xf32>,
        %add3A_724 = arith.addf %mul3A_719, %get3A_723 : vector<16xf32>
        tpu.vector_store_idx %arg15[%add3A_118, %broadcast_in_dim3A_712], %add3A_724 : memref<128x32xf32, #tpu.memory_space<vmem>>[vector<16xi32>, vector<16xi32>], vector<16xf32>,
        %broadcast_in_dim3A_725 = arith.constant 17 : i32
        %broadcast_in_dim3A_726 = vector.broadcast %broadcast_in_dim3A_725 : i32 to vector<16xi32>
        %get3A_727 = arith.constant 17 : i32
        %get3A_728 = arith.index_cast %get3A_727 : i32 to index
        %get3A_729 = arith.constant 0 : index
        %get3A_730 = tpu.vector_load %arg11[%get3A_728, %get3A_729] {strides = array<i32>} : memref<32x16xf32, #tpu.memory_space<vmem>>, vector<16xf32>,
        %mul3A_731 = arith.mulf %mul3A_486, %get3A_730 : vector<16xf32>
        %sub3A_732 = arith.subf %add3A_306, %mul3A_452 : vector<16xf32>
        %mul3A_733 = arith.mulf %sub3A_732, %mul3A_731 : vector<16xf32>
        %get3A_734 = arith.constant 17 : i32
        %get3A_735 = arith.index_cast %get3A_734 : i32 to index
        %get3A_736 = arith.constant 0 : index
        %get3A_737 = tpu.vector_load %arg12[%get3A_735, %get3A_736] {strides = array<i32>} : memref<32x16xf32, #tpu.memory_space<vmem>>, vector<16xf32>,
        %add3A_738 = arith.addf %mul3A_733, %get3A_737 : vector<16xf32>
        tpu.vector_store_idx %arg15[%add3A_118, %broadcast_in_dim3A_726], %add3A_738 : memref<128x32xf32, #tpu.memory_space<vmem>>[vector<16xi32>, vector<16xi32>], vector<16xf32>,
        %broadcast_in_dim3A_739 = arith.constant 18 : i32
        %broadcast_in_dim3A_740 = vector.broadcast %broadcast_in_dim3A_739 : i32 to vector<16xi32>
        %get3A_741 = arith.constant 18 : i32
        %get3A_742 = arith.index_cast %get3A_741 : i32 to index
        %get3A_743 = arith.constant 0 : index
        %get3A_744 = tpu.vector_load %arg11[%get3A_742, %get3A_743] {strides = array<i32>} : memref<32x16xf32, #tpu.memory_space<vmem>>, vector<16xf32>,
        %mul3A_745 = arith.mulf %mul3A_486, %get3A_744 : vector<16xf32>
        %sub3A_746 = arith.subf %add3A_316, %mul3A_452 : vector<16xf32>
        %mul3A_747 = arith.mulf %sub3A_746, %mul3A_745 : vector<16xf32>
        %get3A_748 = arith.constant 18 : i32
        %get3A_749 = arith.index_cast %get3A_748 : i32 to index
        %get3A_750 = arith.constant 0 : index
        %get3A_751 = tpu.vector_load %arg12[%get3A_749, %get3A_750] {strides = array<i32>} : memref<32x16xf32, #tpu.memory_space<vmem>>, vector<16xf32>,
        %add3A_752 = arith.addf %mul3A_747, %get3A_751 : vector<16xf32>
        tpu.vector_store_idx %arg15[%add3A_118, %broadcast_in_dim3A_740], %add3A_752 : memref<128x32xf32, #tpu.memory_space<vmem>>[vector<16xi32>, vector<16xi32>], vector<16xf32>,
        %broadcast_in_dim3A_753 = arith.constant 19 : i32
        %broadcast_in_dim3A_754 = vector.broadcast %broadcast_in_dim3A_753 : i32 to vector<16xi32>
        %get3A_755 = arith.constant 19 : i32
        %get3A_756 = arith.index_cast %get3A_755 : i32 to index
        %get3A_757 = arith.constant 0 : index
        %get3A_758 = tpu.vector_load %arg11[%get3A_756, %get3A_757] {strides = array<i32>} : memref<32x16xf32, #tpu.memory_space<vmem>>, vector<16xf32>,
        %mul3A_759 = arith.mulf %mul3A_486, %get3A_758 : vector<16xf32>
        %sub3A_760 = arith.subf %add3A_326, %mul3A_452 : vector<16xf32>
        %mul3A_761 = arith.mulf %sub3A_760, %mul3A_759 : vector<16xf32>
        %get3A_762 = arith.constant 19 : i32
        %get3A_763 = arith.index_cast %get3A_762 : i32 to index
        %get3A_764 = arith.constant 0 : index
        %get3A_765 = tpu.vector_load %arg12[%get3A_763, %get3A_764] {strides = array<i32>} : memref<32x16xf32, #tpu.memory_space<vmem>>, vector<16xf32>,
        %add3A_766 = arith.addf %mul3A_761, %get3A_765 : vector<16xf32>
        tpu.vector_store_idx %arg15[%add3A_118, %broadcast_in_dim3A_754], %add3A_766 : memref<128x32xf32, #tpu.memory_space<vmem>>[vector<16xi32>, vector<16xi32>], vector<16xf32>,
        %broadcast_in_dim3A_767 = arith.constant 20 : i32
        %broadcast_in_dim3A_768 = vector.broadcast %broadcast_in_dim3A_767 : i32 to vector<16xi32>
        %get3A_769 = arith.constant 20 : i32
        %get3A_770 = arith.index_cast %get3A_769 : i32 to index
        %get3A_771 = arith.constant 0 : index
        %get3A_772 = tpu.vector_load %arg11[%get3A_770, %get3A_771] {strides = array<i32>} : memref<32x16xf32, #tpu.memory_space<vmem>>, vector<16xf32>,
        %mul3A_773 = arith.mulf %mul3A_486, %get3A_772 : vector<16xf32>
        %sub3A_774 = arith.subf %add3A_336, %mul3A_452 : vector<16xf32>
        %mul3A_775 = arith.mulf %sub3A_774, %mul3A_773 : vector<16xf32>
        %get3A_776 = arith.constant 20 : i32
        %get3A_777 = arith.index_cast %get3A_776 : i32 to index
        %get3A_778 = arith.constant 0 : index
        %get3A_779 = tpu.vector_load %arg12[%get3A_777, %get3A_778] {strides = array<i32>} : memref<32x16xf32, #tpu.memory_space<vmem>>, vector<16xf32>,
        %add3A_780 = arith.addf %mul3A_775, %get3A_779 : vector<16xf32>
        tpu.vector_store_idx %arg15[%add3A_118, %broadcast_in_dim3A_768], %add3A_780 : memref<128x32xf32, #tpu.memory_space<vmem>>[vector<16xi32>, vector<16xi32>], vector<16xf32>,
        %broadcast_in_dim3A_781 = arith.constant 21 : i32
        %broadcast_in_dim3A_782 = vector.broadcast %broadcast_in_dim3A_781 : i32 to vector<16xi32>
        %get3A_783 = arith.constant 21 : i32
        %get3A_784 = arith.index_cast %get3A_783 : i32 to index
        %get3A_785 = arith.constant 0 : index
        %get3A_786 = tpu.vector_load %arg11[%get3A_784, %get3A_785] {strides = array<i32>} : memref<32x16xf32, #tpu.memory_space<vmem>>, vector<16xf32>,
        %mul3A_787 = arith.mulf %mul3A_486, %get3A_786 : vector<16xf32>
        %sub3A_788 = arith.subf %add3A_346, %mul3A_452 : vector<16xf32>
        %mul3A_789 = arith.mulf %sub3A_788, %mul3A_787 : vector<16xf32>
        %get3A_790 = arith.constant 21 : i32
        %get3A_791 = arith.index_cast %get3A_790 : i32 to index
        %get3A_792 = arith.constant 0 : index
        %get3A_793 = tpu.vector_load %arg12[%get3A_791, %get3A_792] {strides = array<i32>} : memref<32x16xf32, #tpu.memory_space<vmem>>, vector<16xf32>,
        %add3A_794 = arith.addf %mul3A_789, %get3A_793 : vector<16xf32>
        tpu.vector_store_idx %arg15[%add3A_118, %broadcast_in_dim3A_782], %add3A_794 : memref<128x32xf32, #tpu.memory_space<vmem>>[vector<16xi32>, vector<16xi32>], vector<16xf32>,
        %broadcast_in_dim3A_795 = arith.constant 22 : i32
        %broadcast_in_dim3A_796 = vector.broadcast %broadcast_in_dim3A_795 : i32 to vector<16xi32>
        %get3A_797 = arith.constant 22 : i32
        %get3A_798 = arith.index_cast %get3A_797 : i32 to index
        %get3A_799 = arith.constant 0 : index
        %get3A_800 = tpu.vector_load %arg11[%get3A_798, %get3A_799] {strides = array<i32>} : memref<32x16xf32, #tpu.memory_space<vmem>>, vector<16xf32>,
        %mul3A_801 = arith.mulf %mul3A_486, %get3A_800 : vector<16xf32>
        %sub3A_802 = arith.subf %add3A_356, %mul3A_452 : vector<16xf32>
        %mul3A_803 = arith.mulf %sub3A_802, %mul3A_801 : vector<16xf32>
        %get3A_804 = arith.constant 22 : i32
        %get3A_805 = arith.index_cast %get3A_804 : i32 to index
        %get3A_806 = arith.constant 0 : index
        %get3A_807 = tpu.vector_load %arg12[%get3A_805, %get3A_806] {strides = array<i32>} : memref<32x16xf32, #tpu.memory_space<vmem>>, vector<16xf32>,
        %add3A_808 = arith.addf %mul3A_803, %get3A_807 : vector<16xf32>
        tpu.vector_store_idx %arg15[%add3A_118, %broadcast_in_dim3A_796], %add3A_808 : memref<128x32xf32, #tpu.memory_space<vmem>>[vector<16xi32>, vector<16xi32>], vector<16xf32>,
        %broadcast_in_dim3A_809 = arith.constant 23 : i32
        %broadcast_in_dim3A_810 = vector.broadcast %broadcast_in_dim3A_809 : i32 to vector<16xi32>
        %get3A_811 = arith.constant 23 : i32
        %get3A_812 = arith.index_cast %get3A_811 : i32 to index
        %get3A_813 = arith.constant 0 : index
        %get3A_814 = tpu.vector_load %arg11[%get3A_812, %get3A_813] {strides = array<i32>} : memref<32x16xf32, #tpu.memory_space<vmem>>, vector<16xf32>,
        %mul3A_815 = arith.mulf %mul3A_486, %get3A_814 : vector<16xf32>
        %sub3A_816 = arith.subf %add3A_366, %mul3A_452 : vector<16xf32>
        %mul3A_817 = arith.mulf %sub3A_816, %mul3A_815 : vector<16xf32>
        %get3A_818 = arith.constant 23 : i32
        %get3A_819 = arith.index_cast %get3A_818 : i32 to index
        %get3A_820 = arith.constant 0 : index
        %get3A_821 = tpu.vector_load %arg12[%get3A_819, %get3A_820] {strides = array<i32>} : memref<32x16xf32, #tpu.memory_space<vmem>>, vector<16xf32>,
        %add3A_822 = arith.addf %mul3A_817, %get3A_821 : vector<16xf32>
        tpu.vector_store_idx %arg15[%add3A_118, %broadcast_in_dim3A_810], %add3A_822 : memref<128x32xf32, #tpu.memory_space<vmem>>[vector<16xi32>, vector<16xi32>], vector<16xf32>,
        %broadcast_in_dim3A_823 = arith.constant 24 : i32
        %broadcast_in_dim3A_824 = vector.broadcast %broadcast_in_dim3A_823 : i32 to vector<16xi32>
        %get3A_825 = arith.constant 24 : i32
        %get3A_826 = arith.index_cast %get3A_825 : i32 to index
        %get3A_827 = arith.constant 0 : index
        %get3A_828 = tpu.vector_load %arg11[%get3A_826, %get3A_827] {strides = array<i32>} : memref<32x16xf32, #tpu.memory_space<vmem>>, vector<16xf32>,
        %mul3A_829 = arith.mulf %mul3A_486, %get3A_828 : vector<16xf32>
        %sub3A_830 = arith.subf %add3A_376, %mul3A_452 : vector<16xf32>
        %mul3A_831 = arith.mulf %sub3A_830, %mul3A_829 : vector<16xf32>
        %get3A_832 = arith.constant 24 : i32
        %get3A_833 = arith.index_cast %get3A_832 : i32 to index
        %get3A_834 = arith.constant 0 : index
        %get3A_835 = tpu.vector_load %arg12[%get3A_833, %get3A_834] {strides = array<i32>} : memref<32x16xf32, #tpu.memory_space<vmem>>, vector<16xf32>,
        %add3A_836 = arith.addf %mul3A_831, %get3A_835 : vector<16xf32>
        tpu.vector_store_idx %arg15[%add3A_118, %broadcast_in_dim3A_824], %add3A_836 : memref<128x32xf32, #tpu.memory_space<vmem>>[vector<16xi32>, vector<16xi32>], vector<16xf32>,
        %broadcast_in_dim3A_837 = arith.constant 25 : i32
        %broadcast_in_dim3A_838 = vector.broadcast %broadcast_in_dim3A_837 : i32 to vector<16xi32>
        %get3A_839 = arith.constant 25 : i32
        %get3A_840 = arith.index_cast %get3A_839 : i32 to index
        %get3A_841 = arith.constant 0 : index
        %get3A_842 = tpu.vector_load %arg11[%get3A_840, %get3A_841] {strides = array<i32>} : memref<32x16xf32, #tpu.memory_space<vmem>>, vector<16xf32>,
        %mul3A_843 = arith.mulf %mul3A_486, %get3A_842 : vector<16xf32>
        %sub3A_844 = arith.subf %add3A_386, %mul3A_452 : vector<16xf32>
        %mul3A_845 = arith.mulf %sub3A_844, %mul3A_843 : vector<16xf32>
        %get3A_846 = arith.constant 25 : i32
        %get3A_847 = arith.index_cast %get3A_846 : i32 to index
        %get3A_848 = arith.constant 0 : index
        %get3A_849 = tpu.vector_load %arg12[%get3A_847, %get3A_848] {strides = array<i32>} : memref<32x16xf32, #tpu.memory_space<vmem>>, vector<16xf32>,
        %add3A_850 = arith.addf %mul3A_845, %get3A_849 : vector<16xf32>
        tpu.vector_store_idx %arg15[%add3A_118, %broadcast_in_dim3A_838], %add3A_850 : memref<128x32xf32, #tpu.memory_space<vmem>>[vector<16xi32>, vector<16xi32>], vector<16xf32>,
        %broadcast_in_dim3A_851 = arith.constant 26 : i32
        %broadcast_in_dim3A_852 = vector.broadcast %broadcast_in_dim3A_851 : i32 to vector<16xi32>
        %get3A_853 = arith.constant 26 : i32
        %get3A_854 = arith.index_cast %get3A_853 : i32 to index
        %get3A_855 = arith.constant 0 : index
        %get3A_856 = tpu.vector_load %arg11[%get3A_854, %get3A_855] {strides = array<i32>} : memref<32x16xf32, #tpu.memory_space<vmem>>, vector<16xf32>,
        %mul3A_857 = arith.mulf %mul3A_486, %get3A_856 : vector<16xf32>
        %sub3A_858 = arith.subf %add3A_396, %mul3A_452 : vector<16xf32>
        %mul3A_859 = arith.mulf %sub3A_858, %mul3A_857 : vector<16xf32>
        %get3A_860 = arith.constant 26 : i32
        %get3A_861 = arith.index_cast %get3A_860 : i32 to index
        %get3A_862 = arith.constant 0 : index
        %get3A_863 = tpu.vector_load %arg12[%get3A_861, %get3A_862] {strides = array<i32>} : memref<32x16xf32, #tpu.memory_space<vmem>>, vector<16xf32>,
        %add3A_864 = arith.addf %mul3A_859, %get3A_863 : vector<16xf32>
        tpu.vector_store_idx %arg15[%add3A_118, %broadcast_in_dim3A_852], %add3A_864 : memref<128x32xf32, #tpu.memory_space<vmem>>[vector<16xi32>, vector<16xi32>], vector<16xf32>,
        %broadcast_in_dim3A_865 = arith.constant 27 : i32
        %broadcast_in_dim3A_866 = vector.broadcast %broadcast_in_dim3A_865 : i32 to vector<16xi32>
        %get3A_867 = arith.constant 27 : i32
        %get3A_868 = arith.index_cast %get3A_867 : i32 to index
        %get3A_869 = arith.constant 0 : index
        %get3A_870 = tpu.vector_load %arg11[%get3A_868, %get3A_869] {strides = array<i32>} : memref<32x16xf32, #tpu.memory_space<vmem>>, vector<16xf32>,
        %mul3A_871 = arith.mulf %mul3A_486, %get3A_870 : vector<16xf32>
        %sub3A_872 = arith.subf %add3A_406, %mul3A_452 : vector<16xf32>
        %mul3A_873 = arith.mulf %sub3A_872, %mul3A_871 : vector<16xf32>
        %get3A_874 = arith.constant 27 : i32
        %get3A_875 = arith.index_cast %get3A_874 : i32 to index
        %get3A_876 = arith.constant 0 : index
        %get3A_877 = tpu.vector_load %arg12[%get3A_875, %get3A_876] {strides = array<i32>} : memref<32x16xf32, #tpu.memory_space<vmem>>, vector<16xf32>,
        %add3A_878 = arith.addf %mul3A_873, %get3A_877 : vector<16xf32>
        tpu.vector_store_idx %arg15[%add3A_118, %broadcast_in_dim3A_866], %add3A_878 : memref<128x32xf32, #tpu.memory_space<vmem>>[vector<16xi32>, vector<16xi32>], vector<16xf32>,
        %broadcast_in_dim3A_879 = arith.constant 28 : i32
        %broadcast_in_dim3A_880 = vector.broadcast %broadcast_in_dim3A_879 : i32 to vector<16xi32>
        %get3A_881 = arith.constant 28 : i32
        %get3A_882 = arith.index_cast %get3A_881 : i32 to index
        %get3A_883 = arith.constant 0 : index
        %get3A_884 = tpu.vector_load %arg11[%get3A_882, %get3A_883] {strides = array<i32>} : memref<32x16xf32, #tpu.memory_space<vmem>>, vector<16xf32>,
        %mul3A_885 = arith.mulf %mul3A_486, %get3A_884 : vector<16xf32>
        %sub3A_886 = arith.subf %add3A_416, %mul3A_452 : vector<16xf32>
        %mul3A_887 = arith.mulf %sub3A_886, %mul3A_885 : vector<16xf32>
        %get3A_888 = arith.constant 28 : i32
        %get3A_889 = arith.index_cast %get3A_888 : i32 to index
        %get3A_890 = arith.constant 0 : index
        %get3A_891 = tpu.vector_load %arg12[%get3A_889, %get3A_890] {strides = array<i32>} : memref<32x16xf32, #tpu.memory_space<vmem>>, vector<16xf32>,
        %add3A_892 = arith.addf %mul3A_887, %get3A_891 : vector<16xf32>
        tpu.vector_store_idx %arg15[%add3A_118, %broadcast_in_dim3A_880], %add3A_892 : memref<128x32xf32, #tpu.memory_space<vmem>>[vector<16xi32>, vector<16xi32>], vector<16xf32>,
        %broadcast_in_dim3A_893 = arith.constant 29 : i32
        %broadcast_in_dim3A_894 = vector.broadcast %broadcast_in_dim3A_893 : i32 to vector<16xi32>
        %get3A_895 = arith.constant 29 : i32
        %get3A_896 = arith.index_cast %get3A_895 : i32 to index
        %get3A_897 = arith.constant 0 : index
        %get3A_898 = tpu.vector_load %arg11[%get3A_896, %get3A_897] {strides = array<i32>} : memref<32x16xf32, #tpu.memory_space<vmem>>, vector<16xf32>,
        %mul3A_899 = arith.mulf %mul3A_486, %get3A_898 : vector<16xf32>
        %sub3A_900 = arith.subf %add3A_426, %mul3A_452 : vector<16xf32>
        %mul3A_901 = arith.mulf %sub3A_900, %mul3A_899 : vector<16xf32>
        %get3A_902 = arith.constant 29 : i32
        %get3A_903 = arith.index_cast %get3A_902 : i32 to index
        %get3A_904 = arith.constant 0 : index
        %get3A_905 = tpu.vector_load %arg12[%get3A_903, %get3A_904] {strides = array<i32>} : memref<32x16xf32, #tpu.memory_space<vmem>>, vector<16xf32>,
        %add3A_906 = arith.addf %mul3A_901, %get3A_905 : vector<16xf32>
        tpu.vector_store_idx %arg15[%add3A_118, %broadcast_in_dim3A_894], %add3A_906 : memref<128x32xf32, #tpu.memory_space<vmem>>[vector<16xi32>, vector<16xi32>], vector<16xf32>,
        %broadcast_in_dim3A_907 = arith.constant 30 : i32
        %broadcast_in_dim3A_908 = vector.broadcast %broadcast_in_dim3A_907 : i32 to vector<16xi32>
        %get3A_909 = arith.constant 30 : i32
        %get3A_910 = arith.index_cast %get3A_909 : i32 to index
        %get3A_911 = arith.constant 0 : index
        %get3A_912 = tpu.vector_load %arg11[%get3A_910, %get3A_911] {strides = array<i32>} : memref<32x16xf32, #tpu.memory_space<vmem>>, vector<16xf32>,
        %mul3A_913 = arith.mulf %mul3A_486, %get3A_912 : vector<16xf32>
        %sub3A_914 = arith.subf %add3A_436, %mul3A_452 : vector<16xf32>
        %mul3A_915 = arith.mulf %sub3A_914, %mul3A_913 : vector<16xf32>
        %get3A_916 = arith.constant 30 : i32
        %get3A_917 = arith.index_cast %get3A_916 : i32 to index
        %get3A_918 = arith.constant 0 : index
        %get3A_919 = tpu.vector_load %arg12[%get3A_917, %get3A_918] {strides = array<i32>} : memref<32x16xf32, #tpu.memory_space<vmem>>, vector<16xf32>,
        %add3A_920 = arith.addf %mul3A_915, %get3A_919 : vector<16xf32>
        tpu.vector_store_idx %arg15[%add3A_118, %broadcast_in_dim3A_908], %add3A_920 : memref<128x32xf32, #tpu.memory_space<vmem>>[vector<16xi32>, vector<16xi32>], vector<16xf32>,
        %broadcast_in_dim3A_921 = arith.constant 31 : i32
        %broadcast_in_dim3A_922 = vector.broadcast %broadcast_in_dim3A_921 : i32 to vector<16xi32>
        %get3A_923 = arith.constant 31 : i32
        %get3A_924 = arith.index_cast %get3A_923 : i32 to index
        %get3A_925 = arith.constant 0 : index
        %get3A_926 = tpu.vector_load %arg11[%get3A_924, %get3A_925] {strides = array<i32>} : memref<32x16xf32, #tpu.memory_space<vmem>>, vector<16xf32>,
        %mul3A_927 = arith.mulf %mul3A_486, %get3A_926 : vector<16xf32>
        %sub3A_928 = arith.subf %add3A_446, %mul3A_452 : vector<16xf32>
        %mul3A_929 = arith.mulf %sub3A_928, %mul3A_927 : vector<16xf32>
        %get3A_930 = arith.constant 31 : i32
        %get3A_931 = arith.index_cast %get3A_930 : i32 to index
        %get3A_932 = arith.constant 0 : index
        %get3A_933 = tpu.vector_load %arg12[%get3A_931, %get3A_932] {strides = array<i32>} : memref<32x16xf32, #tpu.memory_space<vmem>>, vector<16xf32>,
        %add3A_934 = arith.addf %mul3A_929, %get3A_933 : vector<16xf32>
        tpu.vector_store_idx %arg15[%add3A_118, %broadcast_in_dim3A_922], %add3A_934 : memref<128x32xf32, #tpu.memory_space<vmem>>[vector<16xi32>, vector<16xi32>], vector<16xf32>,
      }
      %scan3A_62 = arith.constant 8 : i32
      %mul3A_63 = arith.constant 25600 : i32
      %mul3A_64 = arith.muli %add3A, %mul3A_63 : i32
      %mul3A_65 = arith.constant 128 : i32
      %mul3A_66 = arith.muli %add3A_48, %mul3A_65 : i32
      %add3A_67 = arith.addi %mul3A_64, %mul3A_66 : i32
      %dma_start3A_68 = arith.constant 0 : i32
      %dma_start3A_69 = tpu.memref_slice %arg8[%add3A_67, %dma_start3A_68] : memref<819200x32xf32, #tpu.memory_space<hbm>> -> memref<128x32xf32, #tpu.memory_space<hbm>>
      %dma_start3A_70 = arith.constant 0 : i32
      %dma_start3A_71 = tpu.memref_slice %arg8[%add3A_67, %dma_start3A_70] : memref<819200x32xf32, #tpu.memory_space<hbm>> -> memref<128x32xf32, #tpu.memory_space<hbm>>
      tpu.enqueue_dma source(%arg15 : memref<128x32xf32, #tpu.memory_space<vmem>>) target(%dma_start3A_71 : memref<128x32xf32, #tpu.memory_space<hbm>>) target_semaphore(%arg21 : memref<!tpu.dma_semaphore, #tpu.memory_space<semaphore_mem>>)
      %lt3A_72 = arith.constant 198 : i32
      %lt3A_73 = arith.cmpi slt, %add3A_48, %lt3A_72 : i32
      %convert_element_type3A_74 = arith.extui %lt3A_73 : i1 to i32
      %cond3A_75 = arith.constant 0 : i32
      %cond3A_76 = arith.cmpi ne, %convert_element_type3A_74, %cond3A_75 : i32
      scf.if %cond3A_76 {
        %add3A_110 = arith.constant 2 : i32
        %add3A_111 = arith.addi %add3A_48, %add3A_110 : i32
        %mul3A_112 = arith.constant 25600 : i32
        %mul3A_113 = arith.muli %add3A, %mul3A_112 : i32
        %mul3A_114 = arith.constant 128 : i32
        %mul3A_115 = arith.muli %add3A_111, %mul3A_114 : i32
        %add3A_116 = arith.addi %mul3A_113, %mul3A_115 : i32
        %dma_start3A_117 = arith.constant 0 : i32
        %dma_start3A_118 = tpu.memref_slice %arg2[%dma_start3A_117, %add3A_116] : memref<3x819200xi32, #tpu.memory_space<hbm>> -> memref<3x128xi32, #tpu.memory_space<hbm>>
        %dma_start3A_119 = arith.constant 0 : i32
        %dma_start3A_120 = tpu.memref_slice %arg2[%dma_start3A_119, %add3A_116] : memref<3x819200xi32, #tpu.memory_space<hbm>> -> memref<3x128xi32, #tpu.memory_space<hbm>>
        tpu.enqueue_dma source(%dma_start3A_120 : memref<3x128xi32, #tpu.memory_space<hbm>>) target(%arg13 : memref<3x128xi32, #tpu.memory_space<vmem>>) target_semaphore(%arg17 : memref<!tpu.dma_semaphore, #tpu.memory_space<semaphore_mem>>)
      } else {
      }
      %add3A_77 = arith.constant 1 : i32
      %add3A_78 = arith.addi %add3A_48, %add3A_77 : i32
      %lt3A_79 = arith.constant 199 : i32
      %lt3A_80 = arith.cmpi slt, %add3A_78, %lt3A_79 : i32
      %convert_element_type3A_81 = arith.extui %lt3A_80 : i1 to i32
      %cond3A_82 = arith.constant 0 : i32
      %cond3A_83 = arith.cmpi ne, %convert_element_type3A_81, %cond3A_82 : i32
      scf.if %cond3A_83 {
        %dma_wait3A_110 = arith.constant 0 : i32
        %dma_wait3A_111 = arith.constant 0 : i32
        %dma_wait3A_112 = tpu.memref_slice %arg2[%dma_wait3A_110, %dma_wait3A_111] : memref<3x819200xi32, #tpu.memory_space<hbm>> -> memref<3x128xi32, #tpu.memory_space<hbm>>
        %dma_wait3A_113 = arith.constant 0 : i32
        %dma_wait3A_114 = arith.constant 0 : i32
        %dma_wait3A_115 = tpu.memref_slice %arg2[%dma_wait3A_113, %dma_wait3A_114] : memref<3x819200xi32, #tpu.memory_space<hbm>> -> memref<3x128xi32, #tpu.memory_space<hbm>>
        tpu.wait_dma2 semaphore(%arg17 : memref<!tpu.dma_semaphore, #tpu.memory_space<semaphore_mem>>) src(%dma_wait3A_115 : memref<3x128xi32, #tpu.memory_space<hbm>>) dst(%arg13 : memref<3x128xi32, #tpu.memory_space<vmem>>)
        %ge3A = arith.constant 1 : i32
        %ge3A_116 = arith.cmpi sge, %add3A_78, %ge3A : i32
        %convert_element_type3A_117 = arith.extui %ge3A_116 : i1 to i32
        %cond3A_118 = arith.constant 0 : i32
        %cond3A_119 = arith.cmpi ne, %convert_element_type3A_117, %cond3A_118 : i32
        scf.if %cond3A_119 {
          %dma_wait3A_127 = arith.constant 0 : i32
          %dma_wait3A_128 = arith.constant 0 : i32
          %dma_wait3A_129 = tpu.memref_slice %arg8[%dma_wait3A_127, %dma_wait3A_128] : memref<819200x32xf32, #tpu.memory_space<hbm>> -> memref<128x32xf32, #tpu.memory_space<hbm>>
          %dma_wait3A_130 = arith.constant 0 : i32
          %dma_wait3A_131 = arith.constant 0 : i32
          %dma_wait3A_132 = tpu.memref_slice %arg8[%dma_wait3A_130, %dma_wait3A_131] : memref<819200x32xf32, #tpu.memory_space<hbm>> -> memref<128x32xf32, #tpu.memory_space<hbm>>
          tpu.wait_dma2 semaphore(%arg21 : memref<!tpu.dma_semaphore, #tpu.memory_space<semaphore_mem>>) src(%arg15 : memref<128x32xf32, #tpu.memory_space<vmem>>) dst(%dma_wait3A_132 : memref<128x32xf32, #tpu.memory_space<hbm>>)
        } else {
        }
        %dma_start3A_120 = arith.constant 0 : i32
        %dma_start3A_121 = arith.constant 0 : i32
        %dma_start3A_122 = tpu.memref_slice %arg13[%dma_start3A_120, %dma_start3A_121] : memref<3x128xi32, #tpu.memory_space<vmem>> -> memref<1x128xi32, #tpu.memory_space<vmem>>
        %dma_start3A_123 = tpu.memref_squeeze %dma_start3A_122 : memref<1x128xi32, #tpu.memory_space<vmem>> -> memref<128xi32, #tpu.memory_space<vmem>>
        %dma_start3A_124 = arith.constant 0 : i32
        %dma_start3A_125 = arith.constant 0 : i32
        %dma_start3A_126 = tpu.memref_slice %arg3[%dma_start3A_124, %dma_start3A_125] : memref<1000000x32xf32, #tpu.memory_space<hbm>> -> memref<1000000x32xf32, #tpu.memory_space<hbm>>
        tpu.enqueue_indirect_dma source(%dma_start3A_126 : memref<1000000x32xf32, #tpu.memory_space<hbm>>) target(%arg15 : memref<128x32xf32, #tpu.memory_space<vmem>>) offsets(%dma_start3A_123 : memref<128xi32, #tpu.memory_space<vmem>>) semaphore(%arg19 : memref<!tpu.dma_semaphore, #tpu.memory_space<semaphore_mem>>)
      } else {
      }
      %dma_wait3A_84 = arith.constant 0 : i32
      %dma_wait3A_85 = arith.constant 0 : i32
      %dma_wait3A_86 = tpu.memref_slice %arg14[%dma_wait3A_84, %dma_wait3A_85] : memref<3x128xi32, #tpu.memory_space<vmem>> -> memref<1x128xi32, #tpu.memory_space<vmem>>
      %dma_wait3A_87 = tpu.memref_squeeze %dma_wait3A_86 : memref<1x128xi32, #tpu.memory_space<vmem>> -> memref<128xi32, #tpu.memory_space<vmem>>
      %dma_wait3A_88 = arith.constant 0 : i32
      %dma_wait3A_89 = arith.constant 0 : i32
      %dma_wait3A_90 = tpu.memref_slice %arg3[%dma_wait3A_88, %dma_wait3A_89] : memref<1000000x32xf32, #tpu.memory_space<hbm>> -> memref<1000000x32xf32, #tpu.memory_space<hbm>>
      tpu.wait_indirect_dma semaphore(%arg20 : memref<!tpu.dma_semaphore, #tpu.memory_space<semaphore_mem>>) src(%dma_wait3A_90 : memref<1000000x32xf32, #tpu.memory_space<hbm>>) dst(%arg16 : memref<128x32xf32, #tpu.memory_space<vmem>>)
      %scan3A_91 = arith.constant 0 : i32
      %scan3A_92 = arith.constant 8 : i32
      %scan3A_93 = arith.addi %scan3A_91, %scan3A_92 : i32
      %scan3A_94 = arith.constant 1 : i32
      scf.for %scan3A_110 = %scan3A_91 to %scan3A_93 step %scan3A_94  : i32 {
        %mul3A_111 = arith.constant 1 : i32
        %mul3A_112 = arith.muli %scan3A_110, %mul3A_111 : i32
        %add3A_113 = arith.constant 0 : i32
        %add3A_114 = arith.addi %add3A_113, %mul3A_112 : i32
        %mul3A_115 = arith.constant 16 : i32
        %mul3A_116 = arith.muli %add3A_114, %mul3A_115 : i32
        %add3A_117 = vector.broadcast %mul3A_116 : i32 to vector<16xi32>
        %add3A_118 = arith.addi %add3A_117, %iota3A : vector<16xi32>
        %mul3A_119 = arith.constant 16 : i32
        %mul3A_120 = arith.muli %add3A_114, %mul3A_119 : i32
        %get3A = arith.constant 1 : i32
        %get3A_121 = arith.index_cast %get3A : i32 to index
        %get3A_122 = arith.index_cast %mul3A_120 : i32 to index
        %get3A_123 = tpu.vector_load %arg14[%get3A_121, %get3A_122] {strides = array<i32>} : memref<3x128xi32, #tpu.memory_space<vmem>>, vector<16xi32>,
        %mul3A_124 = arith.constant 16 : i32
        %mul3A_125 = arith.muli %add3A_114, %mul3A_124 : i32
        %get3A_126 = arith.constant 2 : i32
        %get3A_127 = arith.index_cast %get3A_126 : i32 to index
        %get3A_128 = arith.index_cast %mul3A_125 : i32 to index
        %get3A_129 = tpu.vector_load %arg14[%get3A_127, %get3A_128] {strides = array<i32>} : memref<3x128xi32, #tpu.memory_space<vmem>>, vector<16xi32>,
        %broadcast_in_dim3A = arith.constant 0.000000e+00 : f32
        %broadcast_in_dim3A_130 = vector.broadcast %broadcast_in_dim3A : f32 to vector<16xf32>
        %broadcast_in_dim3A_131 = arith.constant 0 : i32
        %broadcast_in_dim3A_132 = vector.broadcast %broadcast_in_dim3A_131 : i32 to vector<16xi32>
        %gather3A = tpu.vector_load_idx %arg16[%add3A_118, %broadcast_in_dim3A_132] : memref<128x32xf32, #tpu.memory_space<vmem>>[vector<16xi32>, vector<16xi32>], vector<16xf32>,
        %gather3A_133 = tpu.vector_load_idx %arg9[%get3A_123, %broadcast_in_dim3A_132] : memref<512x32xf32, #tpu.memory_space<vmem>>[vector<16xi32>, vector<16xi32>], vector<16xf32>,
        %gather3A_134 = tpu.vector_load_idx %arg10[%get3A_129, %broadcast_in_dim3A_132] : memref<512x32xf32, #tpu.memory_space<vmem>>[vector<16xi32>, vector<16xi32>], vector<16xf32>,
        %add3A_135 = arith.addf %gather3A, %gather3A_133 : vector<16xf32>
        %add3A_136 = arith.addf %add3A_135, %gather3A_134 : vector<16xf32>
        %add3A_137 = arith.addf %broadcast_in_dim3A_130, %add3A_136 : vector<16xf32>
        %mul3A_138 = arith.mulf %add3A_136, %add3A_136 : vector<16xf32>
        %add3A_139 = arith.addf %broadcast_in_dim3A_130, %mul3A_138 : vector<16xf32>
        %broadcast_in_dim3A_140 = arith.constant 1 : i32
        %broadcast_in_dim3A_141 = vector.broadcast %broadcast_in_dim3A_140 : i32 to vector<16xi32>
        %gather3A_142 = tpu.vector_load_idx %arg16[%add3A_118, %broadcast_in_dim3A_141] : memref<128x32xf32, #tpu.memory_space<vmem>>[vector<16xi32>, vector<16xi32>], vector<16xf32>,
        %gather3A_143 = tpu.vector_load_idx %arg9[%get3A_123, %broadcast_in_dim3A_141] : memref<512x32xf32, #tpu.memory_space<vmem>>[vector<16xi32>, vector<16xi32>], vector<16xf32>,
        %gather3A_144 = tpu.vector_load_idx %arg10[%get3A_129, %broadcast_in_dim3A_141] : memref<512x32xf32, #tpu.memory_space<vmem>>[vector<16xi32>, vector<16xi32>], vector<16xf32>,
        %add3A_145 = arith.addf %gather3A_142, %gather3A_143 : vector<16xf32>
        %add3A_146 = arith.addf %add3A_145, %gather3A_144 : vector<16xf32>
        %add3A_147 = arith.addf %add3A_137, %add3A_146 : vector<16xf32>
        %mul3A_148 = arith.mulf %add3A_146, %add3A_146 : vector<16xf32>
        %add3A_149 = arith.addf %add3A_139, %mul3A_148 : vector<16xf32>
        %broadcast_in_dim3A_150 = arith.constant 2 : i32
        %broadcast_in_dim3A_151 = vector.broadcast %broadcast_in_dim3A_150 : i32 to vector<16xi32>
        %gather3A_152 = tpu.vector_load_idx %arg16[%add3A_118, %broadcast_in_dim3A_151] : memref<128x32xf32, #tpu.memory_space<vmem>>[vector<16xi32>, vector<16xi32>], vector<16xf32>,
        %gather3A_153 = tpu.vector_load_idx %arg9[%get3A_123, %broadcast_in_dim3A_151] : memref<512x32xf32, #tpu.memory_space<vmem>>[vector<16xi32>, vector<16xi32>], vector<16xf32>,
        %gather3A_154 = tpu.vector_load_idx %arg10[%get3A_129, %broadcast_in_dim3A_151] : memref<512x32xf32, #tpu.memory_space<vmem>>[vector<16xi32>, vector<16xi32>], vector<16xf32>,
        %add3A_155 = arith.addf %gather3A_152, %gather3A_153 : vector<16xf32>
        %add3A_156 = arith.addf %add3A_155, %gather3A_154 : vector<16xf32>
        %add3A_157 = arith.addf %add3A_147, %add3A_156 : vector<16xf32>
        %mul3A_158 = arith.mulf %add3A_156, %add3A_156 : vector<16xf32>
        %add3A_159 = arith.addf %add3A_149, %mul3A_158 : vector<16xf32>
        %broadcast_in_dim3A_160 = arith.constant 3 : i32
        %broadcast_in_dim3A_161 = vector.broadcast %broadcast_in_dim3A_160 : i32 to vector<16xi32>
        %gather3A_162 = tpu.vector_load_idx %arg16[%add3A_118, %broadcast_in_dim3A_161] : memref<128x32xf32, #tpu.memory_space<vmem>>[vector<16xi32>, vector<16xi32>], vector<16xf32>,
        %gather3A_163 = tpu.vector_load_idx %arg9[%get3A_123, %broadcast_in_dim3A_161] : memref<512x32xf32, #tpu.memory_space<vmem>>[vector<16xi32>, vector<16xi32>], vector<16xf32>,
        %gather3A_164 = tpu.vector_load_idx %arg10[%get3A_129, %broadcast_in_dim3A_161] : memref<512x32xf32, #tpu.memory_space<vmem>>[vector<16xi32>, vector<16xi32>], vector<16xf32>,
        %add3A_165 = arith.addf %gather3A_162, %gather3A_163 : vector<16xf32>
        %add3A_166 = arith.addf %add3A_165, %gather3A_164 : vector<16xf32>
        %add3A_167 = arith.addf %add3A_157, %add3A_166 : vector<16xf32>
        %mul3A_168 = arith.mulf %add3A_166, %add3A_166 : vector<16xf32>
        %add3A_169 = arith.addf %add3A_159, %mul3A_168 : vector<16xf32>
        %broadcast_in_dim3A_170 = arith.constant 4 : i32
        %broadcast_in_dim3A_171 = vector.broadcast %broadcast_in_dim3A_170 : i32 to vector<16xi32>
        %gather3A_172 = tpu.vector_load_idx %arg16[%add3A_118, %broadcast_in_dim3A_171] : memref<128x32xf32, #tpu.memory_space<vmem>>[vector<16xi32>, vector<16xi32>], vector<16xf32>,
        %gather3A_173 = tpu.vector_load_idx %arg9[%get3A_123, %broadcast_in_dim3A_171] : memref<512x32xf32, #tpu.memory_space<vmem>>[vector<16xi32>, vector<16xi32>], vector<16xf32>,
        %gather3A_174 = tpu.vector_load_idx %arg10[%get3A_129, %broadcast_in_dim3A_171] : memref<512x32xf32, #tpu.memory_space<vmem>>[vector<16xi32>, vector<16xi32>], vector<16xf32>,
        %add3A_175 = arith.addf %gather3A_172, %gather3A_173 : vector<16xf32>
        %add3A_176 = arith.addf %add3A_175, %gather3A_174 : vector<16xf32>
        %add3A_177 = arith.addf %add3A_167, %add3A_176 : vector<16xf32>
        %mul3A_178 = arith.mulf %add3A_176, %add3A_176 : vector<16xf32>
        %add3A_179 = arith.addf %add3A_169, %mul3A_178 : vector<16xf32>
        %broadcast_in_dim3A_180 = arith.constant 5 : i32
        %broadcast_in_dim3A_181 = vector.broadcast %broadcast_in_dim3A_180 : i32 to vector<16xi32>
        %gather3A_182 = tpu.vector_load_idx %arg16[%add3A_118, %broadcast_in_dim3A_181] : memref<128x32xf32, #tpu.memory_space<vmem>>[vector<16xi32>, vector<16xi32>], vector<16xf32>,
        %gather3A_183 = tpu.vector_load_idx %arg9[%get3A_123, %broadcast_in_dim3A_181] : memref<512x32xf32, #tpu.memory_space<vmem>>[vector<16xi32>, vector<16xi32>], vector<16xf32>,
        %gather3A_184 = tpu.vector_load_idx %arg10[%get3A_129, %broadcast_in_dim3A_181] : memref<512x32xf32, #tpu.memory_space<vmem>>[vector<16xi32>, vector<16xi32>], vector<16xf32>,
        %add3A_185 = arith.addf %gather3A_182, %gather3A_183 : vector<16xf32>
        %add3A_186 = arith.addf %add3A_185, %gather3A_184 : vector<16xf32>
        %add3A_187 = arith.addf %add3A_177, %add3A_186 : vector<16xf32>
        %mul3A_188 = arith.mulf %add3A_186, %add3A_186 : vector<16xf32>
        %add3A_189 = arith.addf %add3A_179, %mul3A_188 : vector<16xf32>
        %broadcast_in_dim3A_190 = arith.constant 6 : i32
        %broadcast_in_dim3A_191 = vector.broadcast %broadcast_in_dim3A_190 : i32 to vector<16xi32>
        %gather3A_192 = tpu.vector_load_idx %arg16[%add3A_118, %broadcast_in_dim3A_191] : memref<128x32xf32, #tpu.memory_space<vmem>>[vector<16xi32>, vector<16xi32>], vector<16xf32>,
        %gather3A_193 = tpu.vector_load_idx %arg9[%get3A_123, %broadcast_in_dim3A_191] : memref<512x32xf32, #tpu.memory_space<vmem>>[vector<16xi32>, vector<16xi32>], vector<16xf32>,
        %gather3A_194 = tpu.vector_load_idx %arg10[%get3A_129, %broadcast_in_dim3A_191] : memref<512x32xf32, #tpu.memory_space<vmem>>[vector<16xi32>, vector<16xi32>], vector<16xf32>,
        %add3A_195 = arith.addf %gather3A_192, %gather3A_193 : vector<16xf32>
        %add3A_196 = arith.addf %add3A_195, %gather3A_194 : vector<16xf32>
        %add3A_197 = arith.addf %add3A_187, %add3A_196 : vector<16xf32>
        %mul3A_198 = arith.mulf %add3A_196, %add3A_196 : vector<16xf32>
        %add3A_199 = arith.addf %add3A_189, %mul3A_198 : vector<16xf32>
        %broadcast_in_dim3A_200 = arith.constant 7 : i32
        %broadcast_in_dim3A_201 = vector.broadcast %broadcast_in_dim3A_200 : i32 to vector<16xi32>
        %gather3A_202 = tpu.vector_load_idx %arg16[%add3A_118, %broadcast_in_dim3A_201] : memref<128x32xf32, #tpu.memory_space<vmem>>[vector<16xi32>, vector<16xi32>], vector<16xf32>,
        %gather3A_203 = tpu.vector_load_idx %arg9[%get3A_123, %broadcast_in_dim3A_201] : memref<512x32xf32, #tpu.memory_space<vmem>>[vector<16xi32>, vector<16xi32>], vector<16xf32>,
        %gather3A_204 = tpu.vector_load_idx %arg10[%get3A_129, %broadcast_in_dim3A_201] : memref<512x32xf32, #tpu.memory_space<vmem>>[vector<16xi32>, vector<16xi32>], vector<16xf32>,
        %add3A_205 = arith.addf %gather3A_202, %gather3A_203 : vector<16xf32>
        %add3A_206 = arith.addf %add3A_205, %gather3A_204 : vector<16xf32>
        %add3A_207 = arith.addf %add3A_197, %add3A_206 : vector<16xf32>
        %mul3A_208 = arith.mulf %add3A_206, %add3A_206 : vector<16xf32>
        %add3A_209 = arith.addf %add3A_199, %mul3A_208 : vector<16xf32>
        %broadcast_in_dim3A_210 = arith.constant 8 : i32
        %broadcast_in_dim3A_211 = vector.broadcast %broadcast_in_dim3A_210 : i32 to vector<16xi32>
        %gather3A_212 = tpu.vector_load_idx %arg16[%add3A_118, %broadcast_in_dim3A_211] : memref<128x32xf32, #tpu.memory_space<vmem>>[vector<16xi32>, vector<16xi32>], vector<16xf32>,
        %gather3A_213 = tpu.vector_load_idx %arg9[%get3A_123, %broadcast_in_dim3A_211] : memref<512x32xf32, #tpu.memory_space<vmem>>[vector<16xi32>, vector<16xi32>], vector<16xf32>,
        %gather3A_214 = tpu.vector_load_idx %arg10[%get3A_129, %broadcast_in_dim3A_211] : memref<512x32xf32, #tpu.memory_space<vmem>>[vector<16xi32>, vector<16xi32>], vector<16xf32>,
        %add3A_215 = arith.addf %gather3A_212, %gather3A_213 : vector<16xf32>
        %add3A_216 = arith.addf %add3A_215, %gather3A_214 : vector<16xf32>
        %add3A_217 = arith.addf %add3A_207, %add3A_216 : vector<16xf32>
        %mul3A_218 = arith.mulf %add3A_216, %add3A_216 : vector<16xf32>
        %add3A_219 = arith.addf %add3A_209, %mul3A_218 : vector<16xf32>
        %broadcast_in_dim3A_220 = arith.constant 9 : i32
        %broadcast_in_dim3A_221 = vector.broadcast %broadcast_in_dim3A_220 : i32 to vector<16xi32>
        %gather3A_222 = tpu.vector_load_idx %arg16[%add3A_118, %broadcast_in_dim3A_221] : memref<128x32xf32, #tpu.memory_space<vmem>>[vector<16xi32>, vector<16xi32>], vector<16xf32>,
        %gather3A_223 = tpu.vector_load_idx %arg9[%get3A_123, %broadcast_in_dim3A_221] : memref<512x32xf32, #tpu.memory_space<vmem>>[vector<16xi32>, vector<16xi32>], vector<16xf32>,
        %gather3A_224 = tpu.vector_load_idx %arg10[%get3A_129, %broadcast_in_dim3A_221] : memref<512x32xf32, #tpu.memory_space<vmem>>[vector<16xi32>, vector<16xi32>], vector<16xf32>,
        %add3A_225 = arith.addf %gather3A_222, %gather3A_223 : vector<16xf32>
        %add3A_226 = arith.addf %add3A_225, %gather3A_224 : vector<16xf32>
        %add3A_227 = arith.addf %add3A_217, %add3A_226 : vector<16xf32>
        %mul3A_228 = arith.mulf %add3A_226, %add3A_226 : vector<16xf32>
        %add3A_229 = arith.addf %add3A_219, %mul3A_228 : vector<16xf32>
        %broadcast_in_dim3A_230 = arith.constant 10 : i32
        %broadcast_in_dim3A_231 = vector.broadcast %broadcast_in_dim3A_230 : i32 to vector<16xi32>
        %gather3A_232 = tpu.vector_load_idx %arg16[%add3A_118, %broadcast_in_dim3A_231] : memref<128x32xf32, #tpu.memory_space<vmem>>[vector<16xi32>, vector<16xi32>], vector<16xf32>,
        %gather3A_233 = tpu.vector_load_idx %arg9[%get3A_123, %broadcast_in_dim3A_231] : memref<512x32xf32, #tpu.memory_space<vmem>>[vector<16xi32>, vector<16xi32>], vector<16xf32>,
        %gather3A_234 = tpu.vector_load_idx %arg10[%get3A_129, %broadcast_in_dim3A_231] : memref<512x32xf32, #tpu.memory_space<vmem>>[vector<16xi32>, vector<16xi32>], vector<16xf32>,
        %add3A_235 = arith.addf %gather3A_232, %gather3A_233 : vector<16xf32>
        %add3A_236 = arith.addf %add3A_235, %gather3A_234 : vector<16xf32>
        %add3A_237 = arith.addf %add3A_227, %add3A_236 : vector<16xf32>
        %mul3A_238 = arith.mulf %add3A_236, %add3A_236 : vector<16xf32>
        %add3A_239 = arith.addf %add3A_229, %mul3A_238 : vector<16xf32>
        %broadcast_in_dim3A_240 = arith.constant 11 : i32
        %broadcast_in_dim3A_241 = vector.broadcast %broadcast_in_dim3A_240 : i32 to vector<16xi32>
        %gather3A_242 = tpu.vector_load_idx %arg16[%add3A_118, %broadcast_in_dim3A_241] : memref<128x32xf32, #tpu.memory_space<vmem>>[vector<16xi32>, vector<16xi32>], vector<16xf32>,
        %gather3A_243 = tpu.vector_load_idx %arg9[%get3A_123, %broadcast_in_dim3A_241] : memref<512x32xf32, #tpu.memory_space<vmem>>[vector<16xi32>, vector<16xi32>], vector<16xf32>,
        %gather3A_244 = tpu.vector_load_idx %arg10[%get3A_129, %broadcast_in_dim3A_241] : memref<512x32xf32, #tpu.memory_space<vmem>>[vector<16xi32>, vector<16xi32>], vector<16xf32>,
        %add3A_245 = arith.addf %gather3A_242, %gather3A_243 : vector<16xf32>
        %add3A_246 = arith.addf %add3A_245, %gather3A_244 : vector<16xf32>
        %add3A_247 = arith.addf %add3A_237, %add3A_246 : vector<16xf32>
        %mul3A_248 = arith.mulf %add3A_246, %add3A_246 : vector<16xf32>
        %add3A_249 = arith.addf %add3A_239, %mul3A_248 : vector<16xf32>
        %broadcast_in_dim3A_250 = arith.constant 12 : i32
        %broadcast_in_dim3A_251 = vector.broadcast %broadcast_in_dim3A_250 : i32 to vector<16xi32>
        %gather3A_252 = tpu.vector_load_idx %arg16[%add3A_118, %broadcast_in_dim3A_251] : memref<128x32xf32, #tpu.memory_space<vmem>>[vector<16xi32>, vector<16xi32>], vector<16xf32>,
        %gather3A_253 = tpu.vector_load_idx %arg9[%get3A_123, %broadcast_in_dim3A_251] : memref<512x32xf32, #tpu.memory_space<vmem>>[vector<16xi32>, vector<16xi32>], vector<16xf32>,
        %gather3A_254 = tpu.vector_load_idx %arg10[%get3A_129, %broadcast_in_dim3A_251] : memref<512x32xf32, #tpu.memory_space<vmem>>[vector<16xi32>, vector<16xi32>], vector<16xf32>,
        %add3A_255 = arith.addf %gather3A_252, %gather3A_253 : vector<16xf32>
        %add3A_256 = arith.addf %add3A_255, %gather3A_254 : vector<16xf32>
        %add3A_257 = arith.addf %add3A_247, %add3A_256 : vector<16xf32>
        %mul3A_258 = arith.mulf %add3A_256, %add3A_256 : vector<16xf32>
        %add3A_259 = arith.addf %add3A_249, %mul3A_258 : vector<16xf32>
        %broadcast_in_dim3A_260 = arith.constant 13 : i32
        %broadcast_in_dim3A_261 = vector.broadcast %broadcast_in_dim3A_260 : i32 to vector<16xi32>
        %gather3A_262 = tpu.vector_load_idx %arg16[%add3A_118, %broadcast_in_dim3A_261] : memref<128x32xf32, #tpu.memory_space<vmem>>[vector<16xi32>, vector<16xi32>], vector<16xf32>,
        %gather3A_263 = tpu.vector_load_idx %arg9[%get3A_123, %broadcast_in_dim3A_261] : memref<512x32xf32, #tpu.memory_space<vmem>>[vector<16xi32>, vector<16xi32>], vector<16xf32>,
        %gather3A_264 = tpu.vector_load_idx %arg10[%get3A_129, %broadcast_in_dim3A_261] : memref<512x32xf32, #tpu.memory_space<vmem>>[vector<16xi32>, vector<16xi32>], vector<16xf32>,
        %add3A_265 = arith.addf %gather3A_262, %gather3A_263 : vector<16xf32>
        %add3A_266 = arith.addf %add3A_265, %gather3A_264 : vector<16xf32>
        %add3A_267 = arith.addf %add3A_257, %add3A_266 : vector<16xf32>
        %mul3A_268 = arith.mulf %add3A_266, %add3A_266 : vector<16xf32>
        %add3A_269 = arith.addf %add3A_259, %mul3A_268 : vector<16xf32>
        %broadcast_in_dim3A_270 = arith.constant 14 : i32
        %broadcast_in_dim3A_271 = vector.broadcast %broadcast_in_dim3A_270 : i32 to vector<16xi32>
        %gather3A_272 = tpu.vector_load_idx %arg16[%add3A_118, %broadcast_in_dim3A_271] : memref<128x32xf32, #tpu.memory_space<vmem>>[vector<16xi32>, vector<16xi32>], vector<16xf32>,
        %gather3A_273 = tpu.vector_load_idx %arg9[%get3A_123, %broadcast_in_dim3A_271] : memref<512x32xf32, #tpu.memory_space<vmem>>[vector<16xi32>, vector<16xi32>], vector<16xf32>,
        %gather3A_274 = tpu.vector_load_idx %arg10[%get3A_129, %broadcast_in_dim3A_271] : memref<512x32xf32, #tpu.memory_space<vmem>>[vector<16xi32>, vector<16xi32>], vector<16xf32>,
        %add3A_275 = arith.addf %gather3A_272, %gather3A_273 : vector<16xf32>
        %add3A_276 = arith.addf %add3A_275, %gather3A_274 : vector<16xf32>
        %add3A_277 = arith.addf %add3A_267, %add3A_276 : vector<16xf32>
        %mul3A_278 = arith.mulf %add3A_276, %add3A_276 : vector<16xf32>
        %add3A_279 = arith.addf %add3A_269, %mul3A_278 : vector<16xf32>
        %broadcast_in_dim3A_280 = arith.constant 15 : i32
        %broadcast_in_dim3A_281 = vector.broadcast %broadcast_in_dim3A_280 : i32 to vector<16xi32>
        %gather3A_282 = tpu.vector_load_idx %arg16[%add3A_118, %broadcast_in_dim3A_281] : memref<128x32xf32, #tpu.memory_space<vmem>>[vector<16xi32>, vector<16xi32>], vector<16xf32>,
        %gather3A_283 = tpu.vector_load_idx %arg9[%get3A_123, %broadcast_in_dim3A_281] : memref<512x32xf32, #tpu.memory_space<vmem>>[vector<16xi32>, vector<16xi32>], vector<16xf32>,
        %gather3A_284 = tpu.vector_load_idx %arg10[%get3A_129, %broadcast_in_dim3A_281] : memref<512x32xf32, #tpu.memory_space<vmem>>[vector<16xi32>, vector<16xi32>], vector<16xf32>,
        %add3A_285 = arith.addf %gather3A_282, %gather3A_283 : vector<16xf32>
        %add3A_286 = arith.addf %add3A_285, %gather3A_284 : vector<16xf32>
        %add3A_287 = arith.addf %add3A_277, %add3A_286 : vector<16xf32>
        %mul3A_288 = arith.mulf %add3A_286, %add3A_286 : vector<16xf32>
        %add3A_289 = arith.addf %add3A_279, %mul3A_288 : vector<16xf32>
        %broadcast_in_dim3A_290 = arith.constant 16 : i32
        %broadcast_in_dim3A_291 = vector.broadcast %broadcast_in_dim3A_290 : i32 to vector<16xi32>
        %gather3A_292 = tpu.vector_load_idx %arg16[%add3A_118, %broadcast_in_dim3A_291] : memref<128x32xf32, #tpu.memory_space<vmem>>[vector<16xi32>, vector<16xi32>], vector<16xf32>,
        %gather3A_293 = tpu.vector_load_idx %arg9[%get3A_123, %broadcast_in_dim3A_291] : memref<512x32xf32, #tpu.memory_space<vmem>>[vector<16xi32>, vector<16xi32>], vector<16xf32>,
        %gather3A_294 = tpu.vector_load_idx %arg10[%get3A_129, %broadcast_in_dim3A_291] : memref<512x32xf32, #tpu.memory_space<vmem>>[vector<16xi32>, vector<16xi32>], vector<16xf32>,
        %add3A_295 = arith.addf %gather3A_292, %gather3A_293 : vector<16xf32>
        %add3A_296 = arith.addf %add3A_295, %gather3A_294 : vector<16xf32>
        %add3A_297 = arith.addf %add3A_287, %add3A_296 : vector<16xf32>
        %mul3A_298 = arith.mulf %add3A_296, %add3A_296 : vector<16xf32>
        %add3A_299 = arith.addf %add3A_289, %mul3A_298 : vector<16xf32>
        %broadcast_in_dim3A_300 = arith.constant 17 : i32
        %broadcast_in_dim3A_301 = vector.broadcast %broadcast_in_dim3A_300 : i32 to vector<16xi32>
        %gather3A_302 = tpu.vector_load_idx %arg16[%add3A_118, %broadcast_in_dim3A_301] : memref<128x32xf32, #tpu.memory_space<vmem>>[vector<16xi32>, vector<16xi32>], vector<16xf32>,
        %gather3A_303 = tpu.vector_load_idx %arg9[%get3A_123, %broadcast_in_dim3A_301] : memref<512x32xf32, #tpu.memory_space<vmem>>[vector<16xi32>, vector<16xi32>], vector<16xf32>,
        %gather3A_304 = tpu.vector_load_idx %arg10[%get3A_129, %broadcast_in_dim3A_301] : memref<512x32xf32, #tpu.memory_space<vmem>>[vector<16xi32>, vector<16xi32>], vector<16xf32>,
        %add3A_305 = arith.addf %gather3A_302, %gather3A_303 : vector<16xf32>
        %add3A_306 = arith.addf %add3A_305, %gather3A_304 : vector<16xf32>
        %add3A_307 = arith.addf %add3A_297, %add3A_306 : vector<16xf32>
        %mul3A_308 = arith.mulf %add3A_306, %add3A_306 : vector<16xf32>
        %add3A_309 = arith.addf %add3A_299, %mul3A_308 : vector<16xf32>
        %broadcast_in_dim3A_310 = arith.constant 18 : i32
        %broadcast_in_dim3A_311 = vector.broadcast %broadcast_in_dim3A_310 : i32 to vector<16xi32>
        %gather3A_312 = tpu.vector_load_idx %arg16[%add3A_118, %broadcast_in_dim3A_311] : memref<128x32xf32, #tpu.memory_space<vmem>>[vector<16xi32>, vector<16xi32>], vector<16xf32>,
        %gather3A_313 = tpu.vector_load_idx %arg9[%get3A_123, %broadcast_in_dim3A_311] : memref<512x32xf32, #tpu.memory_space<vmem>>[vector<16xi32>, vector<16xi32>], vector<16xf32>,
        %gather3A_314 = tpu.vector_load_idx %arg10[%get3A_129, %broadcast_in_dim3A_311] : memref<512x32xf32, #tpu.memory_space<vmem>>[vector<16xi32>, vector<16xi32>], vector<16xf32>,
        %add3A_315 = arith.addf %gather3A_312, %gather3A_313 : vector<16xf32>
        %add3A_316 = arith.addf %add3A_315, %gather3A_314 : vector<16xf32>
        %add3A_317 = arith.addf %add3A_307, %add3A_316 : vector<16xf32>
        %mul3A_318 = arith.mulf %add3A_316, %add3A_316 : vector<16xf32>
        %add3A_319 = arith.addf %add3A_309, %mul3A_318 : vector<16xf32>
        %broadcast_in_dim3A_320 = arith.constant 19 : i32
        %broadcast_in_dim3A_321 = vector.broadcast %broadcast_in_dim3A_320 : i32 to vector<16xi32>
        %gather3A_322 = tpu.vector_load_idx %arg16[%add3A_118, %broadcast_in_dim3A_321] : memref<128x32xf32, #tpu.memory_space<vmem>>[vector<16xi32>, vector<16xi32>], vector<16xf32>,
        %gather3A_323 = tpu.vector_load_idx %arg9[%get3A_123, %broadcast_in_dim3A_321] : memref<512x32xf32, #tpu.memory_space<vmem>>[vector<16xi32>, vector<16xi32>], vector<16xf32>,
        %gather3A_324 = tpu.vector_load_idx %arg10[%get3A_129, %broadcast_in_dim3A_321] : memref<512x32xf32, #tpu.memory_space<vmem>>[vector<16xi32>, vector<16xi32>], vector<16xf32>,
        %add3A_325 = arith.addf %gather3A_322, %gather3A_323 : vector<16xf32>
        %add3A_326 = arith.addf %add3A_325, %gather3A_324 : vector<16xf32>
        %add3A_327 = arith.addf %add3A_317, %add3A_326 : vector<16xf32>
        %mul3A_328 = arith.mulf %add3A_326, %add3A_326 : vector<16xf32>
        %add3A_329 = arith.addf %add3A_319, %mul3A_328 : vector<16xf32>
        %broadcast_in_dim3A_330 = arith.constant 20 : i32
        %broadcast_in_dim3A_331 = vector.broadcast %broadcast_in_dim3A_330 : i32 to vector<16xi32>
        %gather3A_332 = tpu.vector_load_idx %arg16[%add3A_118, %broadcast_in_dim3A_331] : memref<128x32xf32, #tpu.memory_space<vmem>>[vector<16xi32>, vector<16xi32>], vector<16xf32>,
        %gather3A_333 = tpu.vector_load_idx %arg9[%get3A_123, %broadcast_in_dim3A_331] : memref<512x32xf32, #tpu.memory_space<vmem>>[vector<16xi32>, vector<16xi32>], vector<16xf32>,
        %gather3A_334 = tpu.vector_load_idx %arg10[%get3A_129, %broadcast_in_dim3A_331] : memref<512x32xf32, #tpu.memory_space<vmem>>[vector<16xi32>, vector<16xi32>], vector<16xf32>,
        %add3A_335 = arith.addf %gather3A_332, %gather3A_333 : vector<16xf32>
        %add3A_336 = arith.addf %add3A_335, %gather3A_334 : vector<16xf32>
        %add3A_337 = arith.addf %add3A_327, %add3A_336 : vector<16xf32>
        %mul3A_338 = arith.mulf %add3A_336, %add3A_336 : vector<16xf32>
        %add3A_339 = arith.addf %add3A_329, %mul3A_338 : vector<16xf32>
        %broadcast_in_dim3A_340 = arith.constant 21 : i32
        %broadcast_in_dim3A_341 = vector.broadcast %broadcast_in_dim3A_340 : i32 to vector<16xi32>
        %gather3A_342 = tpu.vector_load_idx %arg16[%add3A_118, %broadcast_in_dim3A_341] : memref<128x32xf32, #tpu.memory_space<vmem>>[vector<16xi32>, vector<16xi32>], vector<16xf32>,
        %gather3A_343 = tpu.vector_load_idx %arg9[%get3A_123, %broadcast_in_dim3A_341] : memref<512x32xf32, #tpu.memory_space<vmem>>[vector<16xi32>, vector<16xi32>], vector<16xf32>,
        %gather3A_344 = tpu.vector_load_idx %arg10[%get3A_129, %broadcast_in_dim3A_341] : memref<512x32xf32, #tpu.memory_space<vmem>>[vector<16xi32>, vector<16xi32>], vector<16xf32>,
        %add3A_345 = arith.addf %gather3A_342, %gather3A_343 : vector<16xf32>
        %add3A_346 = arith.addf %add3A_345, %gather3A_344 : vector<16xf32>
        %add3A_347 = arith.addf %add3A_337, %add3A_346 : vector<16xf32>
        %mul3A_348 = arith.mulf %add3A_346, %add3A_346 : vector<16xf32>
        %add3A_349 = arith.addf %add3A_339, %mul3A_348 : vector<16xf32>
        %broadcast_in_dim3A_350 = arith.constant 22 : i32
        %broadcast_in_dim3A_351 = vector.broadcast %broadcast_in_dim3A_350 : i32 to vector<16xi32>
        %gather3A_352 = tpu.vector_load_idx %arg16[%add3A_118, %broadcast_in_dim3A_351] : memref<128x32xf32, #tpu.memory_space<vmem>>[vector<16xi32>, vector<16xi32>], vector<16xf32>,
        %gather3A_353 = tpu.vector_load_idx %arg9[%get3A_123, %broadcast_in_dim3A_351] : memref<512x32xf32, #tpu.memory_space<vmem>>[vector<16xi32>, vector<16xi32>], vector<16xf32>,
        %gather3A_354 = tpu.vector_load_idx %arg10[%get3A_129, %broadcast_in_dim3A_351] : memref<512x32xf32, #tpu.memory_space<vmem>>[vector<16xi32>, vector<16xi32>], vector<16xf32>,
        %add3A_355 = arith.addf %gather3A_352, %gather3A_353 : vector<16xf32>
        %add3A_356 = arith.addf %add3A_355, %gather3A_354 : vector<16xf32>
        %add3A_357 = arith.addf %add3A_347, %add3A_356 : vector<16xf32>
        %mul3A_358 = arith.mulf %add3A_356, %add3A_356 : vector<16xf32>
        %add3A_359 = arith.addf %add3A_349, %mul3A_358 : vector<16xf32>
        %broadcast_in_dim3A_360 = arith.constant 23 : i32
        %broadcast_in_dim3A_361 = vector.broadcast %broadcast_in_dim3A_360 : i32 to vector<16xi32>
        %gather3A_362 = tpu.vector_load_idx %arg16[%add3A_118, %broadcast_in_dim3A_361] : memref<128x32xf32, #tpu.memory_space<vmem>>[vector<16xi32>, vector<16xi32>], vector<16xf32>,
        %gather3A_363 = tpu.vector_load_idx %arg9[%get3A_123, %broadcast_in_dim3A_361] : memref<512x32xf32, #tpu.memory_space<vmem>>[vector<16xi32>, vector<16xi32>], vector<16xf32>,
        %gather3A_364 = tpu.vector_load_idx %arg10[%get3A_129, %broadcast_in_dim3A_361] : memref<512x32xf32, #tpu.memory_space<vmem>>[vector<16xi32>, vector<16xi32>], vector<16xf32>,
        %add3A_365 = arith.addf %gather3A_362, %gather3A_363 : vector<16xf32>
        %add3A_366 = arith.addf %add3A_365, %gather3A_364 : vector<16xf32>
        %add3A_367 = arith.addf %add3A_357, %add3A_366 : vector<16xf32>
        %mul3A_368 = arith.mulf %add3A_366, %add3A_366 : vector<16xf32>
        %add3A_369 = arith.addf %add3A_359, %mul3A_368 : vector<16xf32>
        %broadcast_in_dim3A_370 = arith.constant 24 : i32
        %broadcast_in_dim3A_371 = vector.broadcast %broadcast_in_dim3A_370 : i32 to vector<16xi32>
        %gather3A_372 = tpu.vector_load_idx %arg16[%add3A_118, %broadcast_in_dim3A_371] : memref<128x32xf32, #tpu.memory_space<vmem>>[vector<16xi32>, vector<16xi32>], vector<16xf32>,
        %gather3A_373 = tpu.vector_load_idx %arg9[%get3A_123, %broadcast_in_dim3A_371] : memref<512x32xf32, #tpu.memory_space<vmem>>[vector<16xi32>, vector<16xi32>], vector<16xf32>,
        %gather3A_374 = tpu.vector_load_idx %arg10[%get3A_129, %broadcast_in_dim3A_371] : memref<512x32xf32, #tpu.memory_space<vmem>>[vector<16xi32>, vector<16xi32>], vector<16xf32>,
        %add3A_375 = arith.addf %gather3A_372, %gather3A_373 : vector<16xf32>
        %add3A_376 = arith.addf %add3A_375, %gather3A_374 : vector<16xf32>
        %add3A_377 = arith.addf %add3A_367, %add3A_376 : vector<16xf32>
        %mul3A_378 = arith.mulf %add3A_376, %add3A_376 : vector<16xf32>
        %add3A_379 = arith.addf %add3A_369, %mul3A_378 : vector<16xf32>
        %broadcast_in_dim3A_380 = arith.constant 25 : i32
        %broadcast_in_dim3A_381 = vector.broadcast %broadcast_in_dim3A_380 : i32 to vector<16xi32>
        %gather3A_382 = tpu.vector_load_idx %arg16[%add3A_118, %broadcast_in_dim3A_381] : memref<128x32xf32, #tpu.memory_space<vmem>>[vector<16xi32>, vector<16xi32>], vector<16xf32>,
        %gather3A_383 = tpu.vector_load_idx %arg9[%get3A_123, %broadcast_in_dim3A_381] : memref<512x32xf32, #tpu.memory_space<vmem>>[vector<16xi32>, vector<16xi32>], vector<16xf32>,
        %gather3A_384 = tpu.vector_load_idx %arg10[%get3A_129, %broadcast_in_dim3A_381] : memref<512x32xf32, #tpu.memory_space<vmem>>[vector<16xi32>, vector<16xi32>], vector<16xf32>,
        %add3A_385 = arith.addf %gather3A_382, %gather3A_383 : vector<16xf32>
        %add3A_386 = arith.addf %add3A_385, %gather3A_384 : vector<16xf32>
        %add3A_387 = arith.addf %add3A_377, %add3A_386 : vector<16xf32>
        %mul3A_388 = arith.mulf %add3A_386, %add3A_386 : vector<16xf32>
        %add3A_389 = arith.addf %add3A_379, %mul3A_388 : vector<16xf32>
        %broadcast_in_dim3A_390 = arith.constant 26 : i32
        %broadcast_in_dim3A_391 = vector.broadcast %broadcast_in_dim3A_390 : i32 to vector<16xi32>
        %gather3A_392 = tpu.vector_load_idx %arg16[%add3A_118, %broadcast_in_dim3A_391] : memref<128x32xf32, #tpu.memory_space<vmem>>[vector<16xi32>, vector<16xi32>], vector<16xf32>,
        %gather3A_393 = tpu.vector_load_idx %arg9[%get3A_123, %broadcast_in_dim3A_391] : memref<512x32xf32, #tpu.memory_space<vmem>>[vector<16xi32>, vector<16xi32>], vector<16xf32>,
        %gather3A_394 = tpu.vector_load_idx %arg10[%get3A_129, %broadcast_in_dim3A_391] : memref<512x32xf32, #tpu.memory_space<vmem>>[vector<16xi32>, vector<16xi32>], vector<16xf32>,
        %add3A_395 = arith.addf %gather3A_392, %gather3A_393 : vector<16xf32>
        %add3A_396 = arith.addf %add3A_395, %gather3A_394 : vector<16xf32>
        %add3A_397 = arith.addf %add3A_387, %add3A_396 : vector<16xf32>
        %mul3A_398 = arith.mulf %add3A_396, %add3A_396 : vector<16xf32>
        %add3A_399 = arith.addf %add3A_389, %mul3A_398 : vector<16xf32>
        %broadcast_in_dim3A_400 = arith.constant 27 : i32
        %broadcast_in_dim3A_401 = vector.broadcast %broadcast_in_dim3A_400 : i32 to vector<16xi32>
        %gather3A_402 = tpu.vector_load_idx %arg16[%add3A_118, %broadcast_in_dim3A_401] : memref<128x32xf32, #tpu.memory_space<vmem>>[vector<16xi32>, vector<16xi32>], vector<16xf32>,
        %gather3A_403 = tpu.vector_load_idx %arg9[%get3A_123, %broadcast_in_dim3A_401] : memref<512x32xf32, #tpu.memory_space<vmem>>[vector<16xi32>, vector<16xi32>], vector<16xf32>,
        %gather3A_404 = tpu.vector_load_idx %arg10[%get3A_129, %broadcast_in_dim3A_401] : memref<512x32xf32, #tpu.memory_space<vmem>>[vector<16xi32>, vector<16xi32>], vector<16xf32>,
        %add3A_405 = arith.addf %gather3A_402, %gather3A_403 : vector<16xf32>
        %add3A_406 = arith.addf %add3A_405, %gather3A_404 : vector<16xf32>
        %add3A_407 = arith.addf %add3A_397, %add3A_406 : vector<16xf32>
        %mul3A_408 = arith.mulf %add3A_406, %add3A_406 : vector<16xf32>
        %add3A_409 = arith.addf %add3A_399, %mul3A_408 : vector<16xf32>
        %broadcast_in_dim3A_410 = arith.constant 28 : i32
        %broadcast_in_dim3A_411 = vector.broadcast %broadcast_in_dim3A_410 : i32 to vector<16xi32>
        %gather3A_412 = tpu.vector_load_idx %arg16[%add3A_118, %broadcast_in_dim3A_411] : memref<128x32xf32, #tpu.memory_space<vmem>>[vector<16xi32>, vector<16xi32>], vector<16xf32>,
        %gather3A_413 = tpu.vector_load_idx %arg9[%get3A_123, %broadcast_in_dim3A_411] : memref<512x32xf32, #tpu.memory_space<vmem>>[vector<16xi32>, vector<16xi32>], vector<16xf32>,
        %gather3A_414 = tpu.vector_load_idx %arg10[%get3A_129, %broadcast_in_dim3A_411] : memref<512x32xf32, #tpu.memory_space<vmem>>[vector<16xi32>, vector<16xi32>], vector<16xf32>,
        %add3A_415 = arith.addf %gather3A_412, %gather3A_413 : vector<16xf32>
        %add3A_416 = arith.addf %add3A_415, %gather3A_414 : vector<16xf32>
        %add3A_417 = arith.addf %add3A_407, %add3A_416 : vector<16xf32>
        %mul3A_418 = arith.mulf %add3A_416, %add3A_416 : vector<16xf32>
        %add3A_419 = arith.addf %add3A_409, %mul3A_418 : vector<16xf32>
        %broadcast_in_dim3A_420 = arith.constant 29 : i32
        %broadcast_in_dim3A_421 = vector.broadcast %broadcast_in_dim3A_420 : i32 to vector<16xi32>
        %gather3A_422 = tpu.vector_load_idx %arg16[%add3A_118, %broadcast_in_dim3A_421] : memref<128x32xf32, #tpu.memory_space<vmem>>[vector<16xi32>, vector<16xi32>], vector<16xf32>,
        %gather3A_423 = tpu.vector_load_idx %arg9[%get3A_123, %broadcast_in_dim3A_421] : memref<512x32xf32, #tpu.memory_space<vmem>>[vector<16xi32>, vector<16xi32>], vector<16xf32>,
        %gather3A_424 = tpu.vector_load_idx %arg10[%get3A_129, %broadcast_in_dim3A_421] : memref<512x32xf32, #tpu.memory_space<vmem>>[vector<16xi32>, vector<16xi32>], vector<16xf32>,
        %add3A_425 = arith.addf %gather3A_422, %gather3A_423 : vector<16xf32>
        %add3A_426 = arith.addf %add3A_425, %gather3A_424 : vector<16xf32>
        %add3A_427 = arith.addf %add3A_417, %add3A_426 : vector<16xf32>
        %mul3A_428 = arith.mulf %add3A_426, %add3A_426 : vector<16xf32>
        %add3A_429 = arith.addf %add3A_419, %mul3A_428 : vector<16xf32>
        %broadcast_in_dim3A_430 = arith.constant 30 : i32
        %broadcast_in_dim3A_431 = vector.broadcast %broadcast_in_dim3A_430 : i32 to vector<16xi32>
        %gather3A_432 = tpu.vector_load_idx %arg16[%add3A_118, %broadcast_in_dim3A_431] : memref<128x32xf32, #tpu.memory_space<vmem>>[vector<16xi32>, vector<16xi32>], vector<16xf32>,
        %gather3A_433 = tpu.vector_load_idx %arg9[%get3A_123, %broadcast_in_dim3A_431] : memref<512x32xf32, #tpu.memory_space<vmem>>[vector<16xi32>, vector<16xi32>], vector<16xf32>,
        %gather3A_434 = tpu.vector_load_idx %arg10[%get3A_129, %broadcast_in_dim3A_431] : memref<512x32xf32, #tpu.memory_space<vmem>>[vector<16xi32>, vector<16xi32>], vector<16xf32>,
        %add3A_435 = arith.addf %gather3A_432, %gather3A_433 : vector<16xf32>
        %add3A_436 = arith.addf %add3A_435, %gather3A_434 : vector<16xf32>
        %add3A_437 = arith.addf %add3A_427, %add3A_436 : vector<16xf32>
        %mul3A_438 = arith.mulf %add3A_436, %add3A_436 : vector<16xf32>
        %add3A_439 = arith.addf %add3A_429, %mul3A_438 : vector<16xf32>
        %broadcast_in_dim3A_440 = arith.constant 31 : i32
        %broadcast_in_dim3A_441 = vector.broadcast %broadcast_in_dim3A_440 : i32 to vector<16xi32>
        %gather3A_442 = tpu.vector_load_idx %arg16[%add3A_118, %broadcast_in_dim3A_441] : memref<128x32xf32, #tpu.memory_space<vmem>>[vector<16xi32>, vector<16xi32>], vector<16xf32>,
        %gather3A_443 = tpu.vector_load_idx %arg9[%get3A_123, %broadcast_in_dim3A_441] : memref<512x32xf32, #tpu.memory_space<vmem>>[vector<16xi32>, vector<16xi32>], vector<16xf32>,
        %gather3A_444 = tpu.vector_load_idx %arg10[%get3A_129, %broadcast_in_dim3A_441] : memref<512x32xf32, #tpu.memory_space<vmem>>[vector<16xi32>, vector<16xi32>], vector<16xf32>,
        %add3A_445 = arith.addf %gather3A_442, %gather3A_443 : vector<16xf32>
        %add3A_446 = arith.addf %add3A_445, %gather3A_444 : vector<16xf32>
        %add3A_447 = arith.addf %add3A_437, %add3A_446 : vector<16xf32>
        %mul3A_448 = arith.mulf %add3A_446, %add3A_446 : vector<16xf32>
        %add3A_449 = arith.addf %add3A_439, %mul3A_448 : vector<16xf32>
        %mul3A_450 = arith.constant 3.125000e-02 : f32
        %mul3A_451 = vector.broadcast %mul3A_450 : f32 to vector<16xf32>
        %mul3A_452 = arith.mulf %add3A_447, %mul3A_451 : vector<16xf32>
        %mul3A_453 = arith.constant 3.125000e-02 : f32
        %mul3A_454 = vector.broadcast %mul3A_453 : f32 to vector<16xf32>
        %mul3A_455 = arith.mulf %add3A_449, %mul3A_454 : vector<16xf32>
        %mul3A_456 = arith.mulf %mul3A_452, %mul3A_452 : vector<16xf32>
        %sub3A = arith.subf %mul3A_455, %mul3A_456 : vector<16xf32>
        %add3A_457 = arith.constant 9.99999974E-6 : f32
        %add3A_458 = vector.broadcast %add3A_457 : f32 to vector<16xf32>
        %add3A_459 = arith.addf %sub3A, %add3A_458 : vector<16xf32>
        %bitcast3A = vector.bitcast %add3A_459 : vector<16xf32> to vector<16xi32>
        %shift_right_arithmetic3A = arith.constant 1 : i32
        %shift_right_arithmetic3A_460 = vector.broadcast %shift_right_arithmetic3A : i32 to vector<16xi32>
        %shift_right_arithmetic3A_461 = arith.shrsi %bitcast3A, %shift_right_arithmetic3A_460 : vector<16xi32>
        %sub3A_462 = arith.constant 1597463007 : i32
        %sub3A_463 = vector.broadcast %sub3A_462 : i32 to vector<16xi32>
        %sub3A_464 = arith.subi %sub3A_463, %shift_right_arithmetic3A_461 : vector<16xi32>
        %bitcast3A_465 = vector.bitcast %sub3A_464 : vector<16xi32> to vector<16xf32>
        %mul3A_466 = arith.constant 5.000000e-01 : f32
        %mul3A_467 = vector.broadcast %mul3A_466 : f32 to vector<16xf32>
        %mul3A_468 = arith.mulf %add3A_459, %mul3A_467 : vector<16xf32>
        %mul3A_469 = arith.mulf %mul3A_468, %bitcast3A_465 : vector<16xf32>
        %mul3A_470 = arith.mulf %mul3A_469, %bitcast3A_465 : vector<16xf32>
        %sub3A_471 = arith.constant 1.500000e+00 : f32
        %sub3A_472 = vector.broadcast %sub3A_471 : f32 to vector<16xf32>
        %sub3A_473 = arith.subf %sub3A_472, %mul3A_470 : vector<16xf32>
        %mul3A_474 = arith.mulf %bitcast3A_465, %sub3A_473 : vector<16xf32>
        %mul3A_475 = arith.mulf %mul3A_468, %mul3A_474 : vector<16xf32>
        %mul3A_476 = arith.mulf %mul3A_475, %mul3A_474 : vector<16xf32>
        %sub3A_477 = arith.constant 1.500000e+00 : f32
        %sub3A_478 = vector.broadcast %sub3A_477 : f32 to vector<16xf32>
        %sub3A_479 = arith.subf %sub3A_478, %mul3A_476 : vector<16xf32>
        %mul3A_480 = arith.mulf %mul3A_474, %sub3A_479 : vector<16xf32>
        %mul3A_481 = arith.mulf %mul3A_468, %mul3A_480 : vector<16xf32>
        %mul3A_482 = arith.mulf %mul3A_481, %mul3A_480 : vector<16xf32>
        %sub3A_483 = arith.constant 1.500000e+00 : f32
        %sub3A_484 = vector.broadcast %sub3A_483 : f32 to vector<16xf32>
        %sub3A_485 = arith.subf %sub3A_484, %mul3A_482 : vector<16xf32>
        %mul3A_486 = arith.mulf %mul3A_480, %sub3A_485 : vector<16xf32>
        %broadcast_in_dim3A_487 = arith.constant 0 : i32
        %broadcast_in_dim3A_488 = vector.broadcast %broadcast_in_dim3A_487 : i32 to vector<16xi32>
        %get3A_489 = arith.constant 0 : i32
        %get3A_490 = arith.index_cast %get3A_489 : i32 to index
        %get3A_491 = arith.constant 0 : index
        %get3A_492 = tpu.vector_load %arg11[%get3A_490, %get3A_491] {strides = array<i32>} : memref<32x16xf32, #tpu.memory_space<vmem>>, vector<16xf32>,
        %mul3A_493 = arith.mulf %mul3A_486, %get3A_492 : vector<16xf32>
        %sub3A_494 = arith.subf %add3A_136, %mul3A_452 : vector<16xf32>
        %mul3A_495 = arith.mulf %sub3A_494, %mul3A_493 : vector<16xf32>
        %get3A_496 = arith.constant 0 : i32
        %get3A_497 = arith.index_cast %get3A_496 : i32 to index
        %get3A_498 = arith.constant 0 : index
        %get3A_499 = tpu.vector_load %arg12[%get3A_497, %get3A_498] {strides = array<i32>} : memref<32x16xf32, #tpu.memory_space<vmem>>, vector<16xf32>,
        %add3A_500 = arith.addf %mul3A_495, %get3A_499 : vector<16xf32>
        tpu.vector_store_idx %arg16[%add3A_118, %broadcast_in_dim3A_488], %add3A_500 : memref<128x32xf32, #tpu.memory_space<vmem>>[vector<16xi32>, vector<16xi32>], vector<16xf32>,
        %broadcast_in_dim3A_501 = arith.constant 1 : i32
        %broadcast_in_dim3A_502 = vector.broadcast %broadcast_in_dim3A_501 : i32 to vector<16xi32>
        %get3A_503 = arith.constant 1 : i32
        %get3A_504 = arith.index_cast %get3A_503 : i32 to index
        %get3A_505 = arith.constant 0 : index
        %get3A_506 = tpu.vector_load %arg11[%get3A_504, %get3A_505] {strides = array<i32>} : memref<32x16xf32, #tpu.memory_space<vmem>>, vector<16xf32>,
        %mul3A_507 = arith.mulf %mul3A_486, %get3A_506 : vector<16xf32>
        %sub3A_508 = arith.subf %add3A_146, %mul3A_452 : vector<16xf32>
        %mul3A_509 = arith.mulf %sub3A_508, %mul3A_507 : vector<16xf32>
        %get3A_510 = arith.constant 1 : i32
        %get3A_511 = arith.index_cast %get3A_510 : i32 to index
        %get3A_512 = arith.constant 0 : index
        %get3A_513 = tpu.vector_load %arg12[%get3A_511, %get3A_512] {strides = array<i32>} : memref<32x16xf32, #tpu.memory_space<vmem>>, vector<16xf32>,
        %add3A_514 = arith.addf %mul3A_509, %get3A_513 : vector<16xf32>
        tpu.vector_store_idx %arg16[%add3A_118, %broadcast_in_dim3A_502], %add3A_514 : memref<128x32xf32, #tpu.memory_space<vmem>>[vector<16xi32>, vector<16xi32>], vector<16xf32>,
        %broadcast_in_dim3A_515 = arith.constant 2 : i32
        %broadcast_in_dim3A_516 = vector.broadcast %broadcast_in_dim3A_515 : i32 to vector<16xi32>
        %get3A_517 = arith.constant 2 : i32
        %get3A_518 = arith.index_cast %get3A_517 : i32 to index
        %get3A_519 = arith.constant 0 : index
        %get3A_520 = tpu.vector_load %arg11[%get3A_518, %get3A_519] {strides = array<i32>} : memref<32x16xf32, #tpu.memory_space<vmem>>, vector<16xf32>,
        %mul3A_521 = arith.mulf %mul3A_486, %get3A_520 : vector<16xf32>
        %sub3A_522 = arith.subf %add3A_156, %mul3A_452 : vector<16xf32>
        %mul3A_523 = arith.mulf %sub3A_522, %mul3A_521 : vector<16xf32>
        %get3A_524 = arith.constant 2 : i32
        %get3A_525 = arith.index_cast %get3A_524 : i32 to index
        %get3A_526 = arith.constant 0 : index
        %get3A_527 = tpu.vector_load %arg12[%get3A_525, %get3A_526] {strides = array<i32>} : memref<32x16xf32, #tpu.memory_space<vmem>>, vector<16xf32>,
        %add3A_528 = arith.addf %mul3A_523, %get3A_527 : vector<16xf32>
        tpu.vector_store_idx %arg16[%add3A_118, %broadcast_in_dim3A_516], %add3A_528 : memref<128x32xf32, #tpu.memory_space<vmem>>[vector<16xi32>, vector<16xi32>], vector<16xf32>,
        %broadcast_in_dim3A_529 = arith.constant 3 : i32
        %broadcast_in_dim3A_530 = vector.broadcast %broadcast_in_dim3A_529 : i32 to vector<16xi32>
        %get3A_531 = arith.constant 3 : i32
        %get3A_532 = arith.index_cast %get3A_531 : i32 to index
        %get3A_533 = arith.constant 0 : index
        %get3A_534 = tpu.vector_load %arg11[%get3A_532, %get3A_533] {strides = array<i32>} : memref<32x16xf32, #tpu.memory_space<vmem>>, vector<16xf32>,
        %mul3A_535 = arith.mulf %mul3A_486, %get3A_534 : vector<16xf32>
        %sub3A_536 = arith.subf %add3A_166, %mul3A_452 : vector<16xf32>
        %mul3A_537 = arith.mulf %sub3A_536, %mul3A_535 : vector<16xf32>
        %get3A_538 = arith.constant 3 : i32
        %get3A_539 = arith.index_cast %get3A_538 : i32 to index
        %get3A_540 = arith.constant 0 : index
        %get3A_541 = tpu.vector_load %arg12[%get3A_539, %get3A_540] {strides = array<i32>} : memref<32x16xf32, #tpu.memory_space<vmem>>, vector<16xf32>,
        %add3A_542 = arith.addf %mul3A_537, %get3A_541 : vector<16xf32>
        tpu.vector_store_idx %arg16[%add3A_118, %broadcast_in_dim3A_530], %add3A_542 : memref<128x32xf32, #tpu.memory_space<vmem>>[vector<16xi32>, vector<16xi32>], vector<16xf32>,
        %broadcast_in_dim3A_543 = arith.constant 4 : i32
        %broadcast_in_dim3A_544 = vector.broadcast %broadcast_in_dim3A_543 : i32 to vector<16xi32>
        %get3A_545 = arith.constant 4 : i32
        %get3A_546 = arith.index_cast %get3A_545 : i32 to index
        %get3A_547 = arith.constant 0 : index
        %get3A_548 = tpu.vector_load %arg11[%get3A_546, %get3A_547] {strides = array<i32>} : memref<32x16xf32, #tpu.memory_space<vmem>>, vector<16xf32>,
        %mul3A_549 = arith.mulf %mul3A_486, %get3A_548 : vector<16xf32>
        %sub3A_550 = arith.subf %add3A_176, %mul3A_452 : vector<16xf32>
        %mul3A_551 = arith.mulf %sub3A_550, %mul3A_549 : vector<16xf32>
        %get3A_552 = arith.constant 4 : i32
        %get3A_553 = arith.index_cast %get3A_552 : i32 to index
        %get3A_554 = arith.constant 0 : index
        %get3A_555 = tpu.vector_load %arg12[%get3A_553, %get3A_554] {strides = array<i32>} : memref<32x16xf32, #tpu.memory_space<vmem>>, vector<16xf32>,
        %add3A_556 = arith.addf %mul3A_551, %get3A_555 : vector<16xf32>
        tpu.vector_store_idx %arg16[%add3A_118, %broadcast_in_dim3A_544], %add3A_556 : memref<128x32xf32, #tpu.memory_space<vmem>>[vector<16xi32>, vector<16xi32>], vector<16xf32>,
        %broadcast_in_dim3A_557 = arith.constant 5 : i32
        %broadcast_in_dim3A_558 = vector.broadcast %broadcast_in_dim3A_557 : i32 to vector<16xi32>
        %get3A_559 = arith.constant 5 : i32
        %get3A_560 = arith.index_cast %get3A_559 : i32 to index
        %get3A_561 = arith.constant 0 : index
        %get3A_562 = tpu.vector_load %arg11[%get3A_560, %get3A_561] {strides = array<i32>} : memref<32x16xf32, #tpu.memory_space<vmem>>, vector<16xf32>,
        %mul3A_563 = arith.mulf %mul3A_486, %get3A_562 : vector<16xf32>
        %sub3A_564 = arith.subf %add3A_186, %mul3A_452 : vector<16xf32>
        %mul3A_565 = arith.mulf %sub3A_564, %mul3A_563 : vector<16xf32>
        %get3A_566 = arith.constant 5 : i32
        %get3A_567 = arith.index_cast %get3A_566 : i32 to index
        %get3A_568 = arith.constant 0 : index
        %get3A_569 = tpu.vector_load %arg12[%get3A_567, %get3A_568] {strides = array<i32>} : memref<32x16xf32, #tpu.memory_space<vmem>>, vector<16xf32>,
        %add3A_570 = arith.addf %mul3A_565, %get3A_569 : vector<16xf32>
        tpu.vector_store_idx %arg16[%add3A_118, %broadcast_in_dim3A_558], %add3A_570 : memref<128x32xf32, #tpu.memory_space<vmem>>[vector<16xi32>, vector<16xi32>], vector<16xf32>,
        %broadcast_in_dim3A_571 = arith.constant 6 : i32
        %broadcast_in_dim3A_572 = vector.broadcast %broadcast_in_dim3A_571 : i32 to vector<16xi32>
        %get3A_573 = arith.constant 6 : i32
        %get3A_574 = arith.index_cast %get3A_573 : i32 to index
        %get3A_575 = arith.constant 0 : index
        %get3A_576 = tpu.vector_load %arg11[%get3A_574, %get3A_575] {strides = array<i32>} : memref<32x16xf32, #tpu.memory_space<vmem>>, vector<16xf32>,
        %mul3A_577 = arith.mulf %mul3A_486, %get3A_576 : vector<16xf32>
        %sub3A_578 = arith.subf %add3A_196, %mul3A_452 : vector<16xf32>
        %mul3A_579 = arith.mulf %sub3A_578, %mul3A_577 : vector<16xf32>
        %get3A_580 = arith.constant 6 : i32
        %get3A_581 = arith.index_cast %get3A_580 : i32 to index
        %get3A_582 = arith.constant 0 : index
        %get3A_583 = tpu.vector_load %arg12[%get3A_581, %get3A_582] {strides = array<i32>} : memref<32x16xf32, #tpu.memory_space<vmem>>, vector<16xf32>,
        %add3A_584 = arith.addf %mul3A_579, %get3A_583 : vector<16xf32>
        tpu.vector_store_idx %arg16[%add3A_118, %broadcast_in_dim3A_572], %add3A_584 : memref<128x32xf32, #tpu.memory_space<vmem>>[vector<16xi32>, vector<16xi32>], vector<16xf32>,
        %broadcast_in_dim3A_585 = arith.constant 7 : i32
        %broadcast_in_dim3A_586 = vector.broadcast %broadcast_in_dim3A_585 : i32 to vector<16xi32>
        %get3A_587 = arith.constant 7 : i32
        %get3A_588 = arith.index_cast %get3A_587 : i32 to index
        %get3A_589 = arith.constant 0 : index
        %get3A_590 = tpu.vector_load %arg11[%get3A_588, %get3A_589] {strides = array<i32>} : memref<32x16xf32, #tpu.memory_space<vmem>>, vector<16xf32>,
        %mul3A_591 = arith.mulf %mul3A_486, %get3A_590 : vector<16xf32>
        %sub3A_592 = arith.subf %add3A_206, %mul3A_452 : vector<16xf32>
        %mul3A_593 = arith.mulf %sub3A_592, %mul3A_591 : vector<16xf32>
        %get3A_594 = arith.constant 7 : i32
        %get3A_595 = arith.index_cast %get3A_594 : i32 to index
        %get3A_596 = arith.constant 0 : index
        %get3A_597 = tpu.vector_load %arg12[%get3A_595, %get3A_596] {strides = array<i32>} : memref<32x16xf32, #tpu.memory_space<vmem>>, vector<16xf32>,
        %add3A_598 = arith.addf %mul3A_593, %get3A_597 : vector<16xf32>
        tpu.vector_store_idx %arg16[%add3A_118, %broadcast_in_dim3A_586], %add3A_598 : memref<128x32xf32, #tpu.memory_space<vmem>>[vector<16xi32>, vector<16xi32>], vector<16xf32>,
        %broadcast_in_dim3A_599 = arith.constant 8 : i32
        %broadcast_in_dim3A_600 = vector.broadcast %broadcast_in_dim3A_599 : i32 to vector<16xi32>
        %get3A_601 = arith.constant 8 : i32
        %get3A_602 = arith.index_cast %get3A_601 : i32 to index
        %get3A_603 = arith.constant 0 : index
        %get3A_604 = tpu.vector_load %arg11[%get3A_602, %get3A_603] {strides = array<i32>} : memref<32x16xf32, #tpu.memory_space<vmem>>, vector<16xf32>,
        %mul3A_605 = arith.mulf %mul3A_486, %get3A_604 : vector<16xf32>
        %sub3A_606 = arith.subf %add3A_216, %mul3A_452 : vector<16xf32>
        %mul3A_607 = arith.mulf %sub3A_606, %mul3A_605 : vector<16xf32>
        %get3A_608 = arith.constant 8 : i32
        %get3A_609 = arith.index_cast %get3A_608 : i32 to index
        %get3A_610 = arith.constant 0 : index
        %get3A_611 = tpu.vector_load %arg12[%get3A_609, %get3A_610] {strides = array<i32>} : memref<32x16xf32, #tpu.memory_space<vmem>>, vector<16xf32>,
        %add3A_612 = arith.addf %mul3A_607, %get3A_611 : vector<16xf32>
        tpu.vector_store_idx %arg16[%add3A_118, %broadcast_in_dim3A_600], %add3A_612 : memref<128x32xf32, #tpu.memory_space<vmem>>[vector<16xi32>, vector<16xi32>], vector<16xf32>,
        %broadcast_in_dim3A_613 = arith.constant 9 : i32
        %broadcast_in_dim3A_614 = vector.broadcast %broadcast_in_dim3A_613 : i32 to vector<16xi32>
        %get3A_615 = arith.constant 9 : i32
        %get3A_616 = arith.index_cast %get3A_615 : i32 to index
        %get3A_617 = arith.constant 0 : index
        %get3A_618 = tpu.vector_load %arg11[%get3A_616, %get3A_617] {strides = array<i32>} : memref<32x16xf32, #tpu.memory_space<vmem>>, vector<16xf32>,
        %mul3A_619 = arith.mulf %mul3A_486, %get3A_618 : vector<16xf32>
        %sub3A_620 = arith.subf %add3A_226, %mul3A_452 : vector<16xf32>
        %mul3A_621 = arith.mulf %sub3A_620, %mul3A_619 : vector<16xf32>
        %get3A_622 = arith.constant 9 : i32
        %get3A_623 = arith.index_cast %get3A_622 : i32 to index
        %get3A_624 = arith.constant 0 : index
        %get3A_625 = tpu.vector_load %arg12[%get3A_623, %get3A_624] {strides = array<i32>} : memref<32x16xf32, #tpu.memory_space<vmem>>, vector<16xf32>,
        %add3A_626 = arith.addf %mul3A_621, %get3A_625 : vector<16xf32>
        tpu.vector_store_idx %arg16[%add3A_118, %broadcast_in_dim3A_614], %add3A_626 : memref<128x32xf32, #tpu.memory_space<vmem>>[vector<16xi32>, vector<16xi32>], vector<16xf32>,
        %broadcast_in_dim3A_627 = arith.constant 10 : i32
        %broadcast_in_dim3A_628 = vector.broadcast %broadcast_in_dim3A_627 : i32 to vector<16xi32>
        %get3A_629 = arith.constant 10 : i32
        %get3A_630 = arith.index_cast %get3A_629 : i32 to index
        %get3A_631 = arith.constant 0 : index
        %get3A_632 = tpu.vector_load %arg11[%get3A_630, %get3A_631] {strides = array<i32>} : memref<32x16xf32, #tpu.memory_space<vmem>>, vector<16xf32>,
        %mul3A_633 = arith.mulf %mul3A_486, %get3A_632 : vector<16xf32>
        %sub3A_634 = arith.subf %add3A_236, %mul3A_452 : vector<16xf32>
        %mul3A_635 = arith.mulf %sub3A_634, %mul3A_633 : vector<16xf32>
        %get3A_636 = arith.constant 10 : i32
        %get3A_637 = arith.index_cast %get3A_636 : i32 to index
        %get3A_638 = arith.constant 0 : index
        %get3A_639 = tpu.vector_load %arg12[%get3A_637, %get3A_638] {strides = array<i32>} : memref<32x16xf32, #tpu.memory_space<vmem>>, vector<16xf32>,
        %add3A_640 = arith.addf %mul3A_635, %get3A_639 : vector<16xf32>
        tpu.vector_store_idx %arg16[%add3A_118, %broadcast_in_dim3A_628], %add3A_640 : memref<128x32xf32, #tpu.memory_space<vmem>>[vector<16xi32>, vector<16xi32>], vector<16xf32>,
        %broadcast_in_dim3A_641 = arith.constant 11 : i32
        %broadcast_in_dim3A_642 = vector.broadcast %broadcast_in_dim3A_641 : i32 to vector<16xi32>
        %get3A_643 = arith.constant 11 : i32
        %get3A_644 = arith.index_cast %get3A_643 : i32 to index
        %get3A_645 = arith.constant 0 : index
        %get3A_646 = tpu.vector_load %arg11[%get3A_644, %get3A_645] {strides = array<i32>} : memref<32x16xf32, #tpu.memory_space<vmem>>, vector<16xf32>,
        %mul3A_647 = arith.mulf %mul3A_486, %get3A_646 : vector<16xf32>
        %sub3A_648 = arith.subf %add3A_246, %mul3A_452 : vector<16xf32>
        %mul3A_649 = arith.mulf %sub3A_648, %mul3A_647 : vector<16xf32>
        %get3A_650 = arith.constant 11 : i32
        %get3A_651 = arith.index_cast %get3A_650 : i32 to index
        %get3A_652 = arith.constant 0 : index
        %get3A_653 = tpu.vector_load %arg12[%get3A_651, %get3A_652] {strides = array<i32>} : memref<32x16xf32, #tpu.memory_space<vmem>>, vector<16xf32>,
        %add3A_654 = arith.addf %mul3A_649, %get3A_653 : vector<16xf32>
        tpu.vector_store_idx %arg16[%add3A_118, %broadcast_in_dim3A_642], %add3A_654 : memref<128x32xf32, #tpu.memory_space<vmem>>[vector<16xi32>, vector<16xi32>], vector<16xf32>,
        %broadcast_in_dim3A_655 = arith.constant 12 : i32
        %broadcast_in_dim3A_656 = vector.broadcast %broadcast_in_dim3A_655 : i32 to vector<16xi32>
        %get3A_657 = arith.constant 12 : i32
        %get3A_658 = arith.index_cast %get3A_657 : i32 to index
        %get3A_659 = arith.constant 0 : index
        %get3A_660 = tpu.vector_load %arg11[%get3A_658, %get3A_659] {strides = array<i32>} : memref<32x16xf32, #tpu.memory_space<vmem>>, vector<16xf32>,
        %mul3A_661 = arith.mulf %mul3A_486, %get3A_660 : vector<16xf32>
        %sub3A_662 = arith.subf %add3A_256, %mul3A_452 : vector<16xf32>
        %mul3A_663 = arith.mulf %sub3A_662, %mul3A_661 : vector<16xf32>
        %get3A_664 = arith.constant 12 : i32
        %get3A_665 = arith.index_cast %get3A_664 : i32 to index
        %get3A_666 = arith.constant 0 : index
        %get3A_667 = tpu.vector_load %arg12[%get3A_665, %get3A_666] {strides = array<i32>} : memref<32x16xf32, #tpu.memory_space<vmem>>, vector<16xf32>,
        %add3A_668 = arith.addf %mul3A_663, %get3A_667 : vector<16xf32>
        tpu.vector_store_idx %arg16[%add3A_118, %broadcast_in_dim3A_656], %add3A_668 : memref<128x32xf32, #tpu.memory_space<vmem>>[vector<16xi32>, vector<16xi32>], vector<16xf32>,
        %broadcast_in_dim3A_669 = arith.constant 13 : i32
        %broadcast_in_dim3A_670 = vector.broadcast %broadcast_in_dim3A_669 : i32 to vector<16xi32>
        %get3A_671 = arith.constant 13 : i32
        %get3A_672 = arith.index_cast %get3A_671 : i32 to index
        %get3A_673 = arith.constant 0 : index
        %get3A_674 = tpu.vector_load %arg11[%get3A_672, %get3A_673] {strides = array<i32>} : memref<32x16xf32, #tpu.memory_space<vmem>>, vector<16xf32>,
        %mul3A_675 = arith.mulf %mul3A_486, %get3A_674 : vector<16xf32>
        %sub3A_676 = arith.subf %add3A_266, %mul3A_452 : vector<16xf32>
        %mul3A_677 = arith.mulf %sub3A_676, %mul3A_675 : vector<16xf32>
        %get3A_678 = arith.constant 13 : i32
        %get3A_679 = arith.index_cast %get3A_678 : i32 to index
        %get3A_680 = arith.constant 0 : index
        %get3A_681 = tpu.vector_load %arg12[%get3A_679, %get3A_680] {strides = array<i32>} : memref<32x16xf32, #tpu.memory_space<vmem>>, vector<16xf32>,
        %add3A_682 = arith.addf %mul3A_677, %get3A_681 : vector<16xf32>
        tpu.vector_store_idx %arg16[%add3A_118, %broadcast_in_dim3A_670], %add3A_682 : memref<128x32xf32, #tpu.memory_space<vmem>>[vector<16xi32>, vector<16xi32>], vector<16xf32>,
        %broadcast_in_dim3A_683 = arith.constant 14 : i32
        %broadcast_in_dim3A_684 = vector.broadcast %broadcast_in_dim3A_683 : i32 to vector<16xi32>
        %get3A_685 = arith.constant 14 : i32
        %get3A_686 = arith.index_cast %get3A_685 : i32 to index
        %get3A_687 = arith.constant 0 : index
        %get3A_688 = tpu.vector_load %arg11[%get3A_686, %get3A_687] {strides = array<i32>} : memref<32x16xf32, #tpu.memory_space<vmem>>, vector<16xf32>,
        %mul3A_689 = arith.mulf %mul3A_486, %get3A_688 : vector<16xf32>
        %sub3A_690 = arith.subf %add3A_276, %mul3A_452 : vector<16xf32>
        %mul3A_691 = arith.mulf %sub3A_690, %mul3A_689 : vector<16xf32>
        %get3A_692 = arith.constant 14 : i32
        %get3A_693 = arith.index_cast %get3A_692 : i32 to index
        %get3A_694 = arith.constant 0 : index
        %get3A_695 = tpu.vector_load %arg12[%get3A_693, %get3A_694] {strides = array<i32>} : memref<32x16xf32, #tpu.memory_space<vmem>>, vector<16xf32>,
        %add3A_696 = arith.addf %mul3A_691, %get3A_695 : vector<16xf32>
        tpu.vector_store_idx %arg16[%add3A_118, %broadcast_in_dim3A_684], %add3A_696 : memref<128x32xf32, #tpu.memory_space<vmem>>[vector<16xi32>, vector<16xi32>], vector<16xf32>,
        %broadcast_in_dim3A_697 = arith.constant 15 : i32
        %broadcast_in_dim3A_698 = vector.broadcast %broadcast_in_dim3A_697 : i32 to vector<16xi32>
        %get3A_699 = arith.constant 15 : i32
        %get3A_700 = arith.index_cast %get3A_699 : i32 to index
        %get3A_701 = arith.constant 0 : index
        %get3A_702 = tpu.vector_load %arg11[%get3A_700, %get3A_701] {strides = array<i32>} : memref<32x16xf32, #tpu.memory_space<vmem>>, vector<16xf32>,
        %mul3A_703 = arith.mulf %mul3A_486, %get3A_702 : vector<16xf32>
        %sub3A_704 = arith.subf %add3A_286, %mul3A_452 : vector<16xf32>
        %mul3A_705 = arith.mulf %sub3A_704, %mul3A_703 : vector<16xf32>
        %get3A_706 = arith.constant 15 : i32
        %get3A_707 = arith.index_cast %get3A_706 : i32 to index
        %get3A_708 = arith.constant 0 : index
        %get3A_709 = tpu.vector_load %arg12[%get3A_707, %get3A_708] {strides = array<i32>} : memref<32x16xf32, #tpu.memory_space<vmem>>, vector<16xf32>,
        %add3A_710 = arith.addf %mul3A_705, %get3A_709 : vector<16xf32>
        tpu.vector_store_idx %arg16[%add3A_118, %broadcast_in_dim3A_698], %add3A_710 : memref<128x32xf32, #tpu.memory_space<vmem>>[vector<16xi32>, vector<16xi32>], vector<16xf32>,
        %broadcast_in_dim3A_711 = arith.constant 16 : i32
        %broadcast_in_dim3A_712 = vector.broadcast %broadcast_in_dim3A_711 : i32 to vector<16xi32>
        %get3A_713 = arith.constant 16 : i32
        %get3A_714 = arith.index_cast %get3A_713 : i32 to index
        %get3A_715 = arith.constant 0 : index
        %get3A_716 = tpu.vector_load %arg11[%get3A_714, %get3A_715] {strides = array<i32>} : memref<32x16xf32, #tpu.memory_space<vmem>>, vector<16xf32>,
        %mul3A_717 = arith.mulf %mul3A_486, %get3A_716 : vector<16xf32>
        %sub3A_718 = arith.subf %add3A_296, %mul3A_452 : vector<16xf32>
        %mul3A_719 = arith.mulf %sub3A_718, %mul3A_717 : vector<16xf32>
        %get3A_720 = arith.constant 16 : i32
        %get3A_721 = arith.index_cast %get3A_720 : i32 to index
        %get3A_722 = arith.constant 0 : index
        %get3A_723 = tpu.vector_load %arg12[%get3A_721, %get3A_722] {strides = array<i32>} : memref<32x16xf32, #tpu.memory_space<vmem>>, vector<16xf32>,
        %add3A_724 = arith.addf %mul3A_719, %get3A_723 : vector<16xf32>
        tpu.vector_store_idx %arg16[%add3A_118, %broadcast_in_dim3A_712], %add3A_724 : memref<128x32xf32, #tpu.memory_space<vmem>>[vector<16xi32>, vector<16xi32>], vector<16xf32>,
        %broadcast_in_dim3A_725 = arith.constant 17 : i32
        %broadcast_in_dim3A_726 = vector.broadcast %broadcast_in_dim3A_725 : i32 to vector<16xi32>
        %get3A_727 = arith.constant 17 : i32
        %get3A_728 = arith.index_cast %get3A_727 : i32 to index
        %get3A_729 = arith.constant 0 : index
        %get3A_730 = tpu.vector_load %arg11[%get3A_728, %get3A_729] {strides = array<i32>} : memref<32x16xf32, #tpu.memory_space<vmem>>, vector<16xf32>,
        %mul3A_731 = arith.mulf %mul3A_486, %get3A_730 : vector<16xf32>
        %sub3A_732 = arith.subf %add3A_306, %mul3A_452 : vector<16xf32>
        %mul3A_733 = arith.mulf %sub3A_732, %mul3A_731 : vector<16xf32>
        %get3A_734 = arith.constant 17 : i32
        %get3A_735 = arith.index_cast %get3A_734 : i32 to index
        %get3A_736 = arith.constant 0 : index
        %get3A_737 = tpu.vector_load %arg12[%get3A_735, %get3A_736] {strides = array<i32>} : memref<32x16xf32, #tpu.memory_space<vmem>>, vector<16xf32>,
        %add3A_738 = arith.addf %mul3A_733, %get3A_737 : vector<16xf32>
        tpu.vector_store_idx %arg16[%add3A_118, %broadcast_in_dim3A_726], %add3A_738 : memref<128x32xf32, #tpu.memory_space<vmem>>[vector<16xi32>, vector<16xi32>], vector<16xf32>,
        %broadcast_in_dim3A_739 = arith.constant 18 : i32
        %broadcast_in_dim3A_740 = vector.broadcast %broadcast_in_dim3A_739 : i32 to vector<16xi32>
        %get3A_741 = arith.constant 18 : i32
        %get3A_742 = arith.index_cast %get3A_741 : i32 to index
        %get3A_743 = arith.constant 0 : index
        %get3A_744 = tpu.vector_load %arg11[%get3A_742, %get3A_743] {strides = array<i32>} : memref<32x16xf32, #tpu.memory_space<vmem>>, vector<16xf32>,
        %mul3A_745 = arith.mulf %mul3A_486, %get3A_744 : vector<16xf32>
        %sub3A_746 = arith.subf %add3A_316, %mul3A_452 : vector<16xf32>
        %mul3A_747 = arith.mulf %sub3A_746, %mul3A_745 : vector<16xf32>
        %get3A_748 = arith.constant 18 : i32
        %get3A_749 = arith.index_cast %get3A_748 : i32 to index
        %get3A_750 = arith.constant 0 : index
        %get3A_751 = tpu.vector_load %arg12[%get3A_749, %get3A_750] {strides = array<i32>} : memref<32x16xf32, #tpu.memory_space<vmem>>, vector<16xf32>,
        %add3A_752 = arith.addf %mul3A_747, %get3A_751 : vector<16xf32>
        tpu.vector_store_idx %arg16[%add3A_118, %broadcast_in_dim3A_740], %add3A_752 : memref<128x32xf32, #tpu.memory_space<vmem>>[vector<16xi32>, vector<16xi32>], vector<16xf32>,
        %broadcast_in_dim3A_753 = arith.constant 19 : i32
        %broadcast_in_dim3A_754 = vector.broadcast %broadcast_in_dim3A_753 : i32 to vector<16xi32>
        %get3A_755 = arith.constant 19 : i32
        %get3A_756 = arith.index_cast %get3A_755 : i32 to index
        %get3A_757 = arith.constant 0 : index
        %get3A_758 = tpu.vector_load %arg11[%get3A_756, %get3A_757] {strides = array<i32>} : memref<32x16xf32, #tpu.memory_space<vmem>>, vector<16xf32>,
        %mul3A_759 = arith.mulf %mul3A_486, %get3A_758 : vector<16xf32>
        %sub3A_760 = arith.subf %add3A_326, %mul3A_452 : vector<16xf32>
        %mul3A_761 = arith.mulf %sub3A_760, %mul3A_759 : vector<16xf32>
        %get3A_762 = arith.constant 19 : i32
        %get3A_763 = arith.index_cast %get3A_762 : i32 to index
        %get3A_764 = arith.constant 0 : index
        %get3A_765 = tpu.vector_load %arg12[%get3A_763, %get3A_764] {strides = array<i32>} : memref<32x16xf32, #tpu.memory_space<vmem>>, vector<16xf32>,
        %add3A_766 = arith.addf %mul3A_761, %get3A_765 : vector<16xf32>
        tpu.vector_store_idx %arg16[%add3A_118, %broadcast_in_dim3A_754], %add3A_766 : memref<128x32xf32, #tpu.memory_space<vmem>>[vector<16xi32>, vector<16xi32>], vector<16xf32>,
        %broadcast_in_dim3A_767 = arith.constant 20 : i32
        %broadcast_in_dim3A_768 = vector.broadcast %broadcast_in_dim3A_767 : i32 to vector<16xi32>
        %get3A_769 = arith.constant 20 : i32
        %get3A_770 = arith.index_cast %get3A_769 : i32 to index
        %get3A_771 = arith.constant 0 : index
        %get3A_772 = tpu.vector_load %arg11[%get3A_770, %get3A_771] {strides = array<i32>} : memref<32x16xf32, #tpu.memory_space<vmem>>, vector<16xf32>,
        %mul3A_773 = arith.mulf %mul3A_486, %get3A_772 : vector<16xf32>
        %sub3A_774 = arith.subf %add3A_336, %mul3A_452 : vector<16xf32>
        %mul3A_775 = arith.mulf %sub3A_774, %mul3A_773 : vector<16xf32>
        %get3A_776 = arith.constant 20 : i32
        %get3A_777 = arith.index_cast %get3A_776 : i32 to index
        %get3A_778 = arith.constant 0 : index
        %get3A_779 = tpu.vector_load %arg12[%get3A_777, %get3A_778] {strides = array<i32>} : memref<32x16xf32, #tpu.memory_space<vmem>>, vector<16xf32>,
        %add3A_780 = arith.addf %mul3A_775, %get3A_779 : vector<16xf32>
        tpu.vector_store_idx %arg16[%add3A_118, %broadcast_in_dim3A_768], %add3A_780 : memref<128x32xf32, #tpu.memory_space<vmem>>[vector<16xi32>, vector<16xi32>], vector<16xf32>,
        %broadcast_in_dim3A_781 = arith.constant 21 : i32
        %broadcast_in_dim3A_782 = vector.broadcast %broadcast_in_dim3A_781 : i32 to vector<16xi32>
        %get3A_783 = arith.constant 21 : i32
        %get3A_784 = arith.index_cast %get3A_783 : i32 to index
        %get3A_785 = arith.constant 0 : index
        %get3A_786 = tpu.vector_load %arg11[%get3A_784, %get3A_785] {strides = array<i32>} : memref<32x16xf32, #tpu.memory_space<vmem>>, vector<16xf32>,
        %mul3A_787 = arith.mulf %mul3A_486, %get3A_786 : vector<16xf32>
        %sub3A_788 = arith.subf %add3A_346, %mul3A_452 : vector<16xf32>
        %mul3A_789 = arith.mulf %sub3A_788, %mul3A_787 : vector<16xf32>
        %get3A_790 = arith.constant 21 : i32
        %get3A_791 = arith.index_cast %get3A_790 : i32 to index
        %get3A_792 = arith.constant 0 : index
        %get3A_793 = tpu.vector_load %arg12[%get3A_791, %get3A_792] {strides = array<i32>} : memref<32x16xf32, #tpu.memory_space<vmem>>, vector<16xf32>,
        %add3A_794 = arith.addf %mul3A_789, %get3A_793 : vector<16xf32>
        tpu.vector_store_idx %arg16[%add3A_118, %broadcast_in_dim3A_782], %add3A_794 : memref<128x32xf32, #tpu.memory_space<vmem>>[vector<16xi32>, vector<16xi32>], vector<16xf32>,
        %broadcast_in_dim3A_795 = arith.constant 22 : i32
        %broadcast_in_dim3A_796 = vector.broadcast %broadcast_in_dim3A_795 : i32 to vector<16xi32>
        %get3A_797 = arith.constant 22 : i32
        %get3A_798 = arith.index_cast %get3A_797 : i32 to index
        %get3A_799 = arith.constant 0 : index
        %get3A_800 = tpu.vector_load %arg11[%get3A_798, %get3A_799] {strides = array<i32>} : memref<32x16xf32, #tpu.memory_space<vmem>>, vector<16xf32>,
        %mul3A_801 = arith.mulf %mul3A_486, %get3A_800 : vector<16xf32>
        %sub3A_802 = arith.subf %add3A_356, %mul3A_452 : vector<16xf32>
        %mul3A_803 = arith.mulf %sub3A_802, %mul3A_801 : vector<16xf32>
        %get3A_804 = arith.constant 22 : i32
        %get3A_805 = arith.index_cast %get3A_804 : i32 to index
        %get3A_806 = arith.constant 0 : index
        %get3A_807 = tpu.vector_load %arg12[%get3A_805, %get3A_806] {strides = array<i32>} : memref<32x16xf32, #tpu.memory_space<vmem>>, vector<16xf32>,
        %add3A_808 = arith.addf %mul3A_803, %get3A_807 : vector<16xf32>
        tpu.vector_store_idx %arg16[%add3A_118, %broadcast_in_dim3A_796], %add3A_808 : memref<128x32xf32, #tpu.memory_space<vmem>>[vector<16xi32>, vector<16xi32>], vector<16xf32>,
        %broadcast_in_dim3A_809 = arith.constant 23 : i32
        %broadcast_in_dim3A_810 = vector.broadcast %broadcast_in_dim3A_809 : i32 to vector<16xi32>
        %get3A_811 = arith.constant 23 : i32
        %get3A_812 = arith.index_cast %get3A_811 : i32 to index
        %get3A_813 = arith.constant 0 : index
        %get3A_814 = tpu.vector_load %arg11[%get3A_812, %get3A_813] {strides = array<i32>} : memref<32x16xf32, #tpu.memory_space<vmem>>, vector<16xf32>,
        %mul3A_815 = arith.mulf %mul3A_486, %get3A_814 : vector<16xf32>
        %sub3A_816 = arith.subf %add3A_366, %mul3A_452 : vector<16xf32>
        %mul3A_817 = arith.mulf %sub3A_816, %mul3A_815 : vector<16xf32>
        %get3A_818 = arith.constant 23 : i32
        %get3A_819 = arith.index_cast %get3A_818 : i32 to index
        %get3A_820 = arith.constant 0 : index
        %get3A_821 = tpu.vector_load %arg12[%get3A_819, %get3A_820] {strides = array<i32>} : memref<32x16xf32, #tpu.memory_space<vmem>>, vector<16xf32>,
        %add3A_822 = arith.addf %mul3A_817, %get3A_821 : vector<16xf32>
        tpu.vector_store_idx %arg16[%add3A_118, %broadcast_in_dim3A_810], %add3A_822 : memref<128x32xf32, #tpu.memory_space<vmem>>[vector<16xi32>, vector<16xi32>], vector<16xf32>,
        %broadcast_in_dim3A_823 = arith.constant 24 : i32
        %broadcast_in_dim3A_824 = vector.broadcast %broadcast_in_dim3A_823 : i32 to vector<16xi32>
        %get3A_825 = arith.constant 24 : i32
        %get3A_826 = arith.index_cast %get3A_825 : i32 to index
        %get3A_827 = arith.constant 0 : index
        %get3A_828 = tpu.vector_load %arg11[%get3A_826, %get3A_827] {strides = array<i32>} : memref<32x16xf32, #tpu.memory_space<vmem>>, vector<16xf32>,
        %mul3A_829 = arith.mulf %mul3A_486, %get3A_828 : vector<16xf32>
        %sub3A_830 = arith.subf %add3A_376, %mul3A_452 : vector<16xf32>
        %mul3A_831 = arith.mulf %sub3A_830, %mul3A_829 : vector<16xf32>
        %get3A_832 = arith.constant 24 : i32
        %get3A_833 = arith.index_cast %get3A_832 : i32 to index
        %get3A_834 = arith.constant 0 : index
        %get3A_835 = tpu.vector_load %arg12[%get3A_833, %get3A_834] {strides = array<i32>} : memref<32x16xf32, #tpu.memory_space<vmem>>, vector<16xf32>,
        %add3A_836 = arith.addf %mul3A_831, %get3A_835 : vector<16xf32>
        tpu.vector_store_idx %arg16[%add3A_118, %broadcast_in_dim3A_824], %add3A_836 : memref<128x32xf32, #tpu.memory_space<vmem>>[vector<16xi32>, vector<16xi32>], vector<16xf32>,
        %broadcast_in_dim3A_837 = arith.constant 25 : i32
        %broadcast_in_dim3A_838 = vector.broadcast %broadcast_in_dim3A_837 : i32 to vector<16xi32>
        %get3A_839 = arith.constant 25 : i32
        %get3A_840 = arith.index_cast %get3A_839 : i32 to index
        %get3A_841 = arith.constant 0 : index
        %get3A_842 = tpu.vector_load %arg11[%get3A_840, %get3A_841] {strides = array<i32>} : memref<32x16xf32, #tpu.memory_space<vmem>>, vector<16xf32>,
        %mul3A_843 = arith.mulf %mul3A_486, %get3A_842 : vector<16xf32>
        %sub3A_844 = arith.subf %add3A_386, %mul3A_452 : vector<16xf32>
        %mul3A_845 = arith.mulf %sub3A_844, %mul3A_843 : vector<16xf32>
        %get3A_846 = arith.constant 25 : i32
        %get3A_847 = arith.index_cast %get3A_846 : i32 to index
        %get3A_848 = arith.constant 0 : index
        %get3A_849 = tpu.vector_load %arg12[%get3A_847, %get3A_848] {strides = array<i32>} : memref<32x16xf32, #tpu.memory_space<vmem>>, vector<16xf32>,
        %add3A_850 = arith.addf %mul3A_845, %get3A_849 : vector<16xf32>
        tpu.vector_store_idx %arg16[%add3A_118, %broadcast_in_dim3A_838], %add3A_850 : memref<128x32xf32, #tpu.memory_space<vmem>>[vector<16xi32>, vector<16xi32>], vector<16xf32>,
        %broadcast_in_dim3A_851 = arith.constant 26 : i32
        %broadcast_in_dim3A_852 = vector.broadcast %broadcast_in_dim3A_851 : i32 to vector<16xi32>
        %get3A_853 = arith.constant 26 : i32
        %get3A_854 = arith.index_cast %get3A_853 : i32 to index
        %get3A_855 = arith.constant 0 : index
        %get3A_856 = tpu.vector_load %arg11[%get3A_854, %get3A_855] {strides = array<i32>} : memref<32x16xf32, #tpu.memory_space<vmem>>, vector<16xf32>,
        %mul3A_857 = arith.mulf %mul3A_486, %get3A_856 : vector<16xf32>
        %sub3A_858 = arith.subf %add3A_396, %mul3A_452 : vector<16xf32>
        %mul3A_859 = arith.mulf %sub3A_858, %mul3A_857 : vector<16xf32>
        %get3A_860 = arith.constant 26 : i32
        %get3A_861 = arith.index_cast %get3A_860 : i32 to index
        %get3A_862 = arith.constant 0 : index
        %get3A_863 = tpu.vector_load %arg12[%get3A_861, %get3A_862] {strides = array<i32>} : memref<32x16xf32, #tpu.memory_space<vmem>>, vector<16xf32>,
        %add3A_864 = arith.addf %mul3A_859, %get3A_863 : vector<16xf32>
        tpu.vector_store_idx %arg16[%add3A_118, %broadcast_in_dim3A_852], %add3A_864 : memref<128x32xf32, #tpu.memory_space<vmem>>[vector<16xi32>, vector<16xi32>], vector<16xf32>,
        %broadcast_in_dim3A_865 = arith.constant 27 : i32
        %broadcast_in_dim3A_866 = vector.broadcast %broadcast_in_dim3A_865 : i32 to vector<16xi32>
        %get3A_867 = arith.constant 27 : i32
        %get3A_868 = arith.index_cast %get3A_867 : i32 to index
        %get3A_869 = arith.constant 0 : index
        %get3A_870 = tpu.vector_load %arg11[%get3A_868, %get3A_869] {strides = array<i32>} : memref<32x16xf32, #tpu.memory_space<vmem>>, vector<16xf32>,
        %mul3A_871 = arith.mulf %mul3A_486, %get3A_870 : vector<16xf32>
        %sub3A_872 = arith.subf %add3A_406, %mul3A_452 : vector<16xf32>
        %mul3A_873 = arith.mulf %sub3A_872, %mul3A_871 : vector<16xf32>
        %get3A_874 = arith.constant 27 : i32
        %get3A_875 = arith.index_cast %get3A_874 : i32 to index
        %get3A_876 = arith.constant 0 : index
        %get3A_877 = tpu.vector_load %arg12[%get3A_875, %get3A_876] {strides = array<i32>} : memref<32x16xf32, #tpu.memory_space<vmem>>, vector<16xf32>,
        %add3A_878 = arith.addf %mul3A_873, %get3A_877 : vector<16xf32>
        tpu.vector_store_idx %arg16[%add3A_118, %broadcast_in_dim3A_866], %add3A_878 : memref<128x32xf32, #tpu.memory_space<vmem>>[vector<16xi32>, vector<16xi32>], vector<16xf32>,
        %broadcast_in_dim3A_879 = arith.constant 28 : i32
        %broadcast_in_dim3A_880 = vector.broadcast %broadcast_in_dim3A_879 : i32 to vector<16xi32>
        %get3A_881 = arith.constant 28 : i32
        %get3A_882 = arith.index_cast %get3A_881 : i32 to index
        %get3A_883 = arith.constant 0 : index
        %get3A_884 = tpu.vector_load %arg11[%get3A_882, %get3A_883] {strides = array<i32>} : memref<32x16xf32, #tpu.memory_space<vmem>>, vector<16xf32>,
        %mul3A_885 = arith.mulf %mul3A_486, %get3A_884 : vector<16xf32>
        %sub3A_886 = arith.subf %add3A_416, %mul3A_452 : vector<16xf32>
        %mul3A_887 = arith.mulf %sub3A_886, %mul3A_885 : vector<16xf32>
        %get3A_888 = arith.constant 28 : i32
        %get3A_889 = arith.index_cast %get3A_888 : i32 to index
        %get3A_890 = arith.constant 0 : index
        %get3A_891 = tpu.vector_load %arg12[%get3A_889, %get3A_890] {strides = array<i32>} : memref<32x16xf32, #tpu.memory_space<vmem>>, vector<16xf32>,
        %add3A_892 = arith.addf %mul3A_887, %get3A_891 : vector<16xf32>
        tpu.vector_store_idx %arg16[%add3A_118, %broadcast_in_dim3A_880], %add3A_892 : memref<128x32xf32, #tpu.memory_space<vmem>>[vector<16xi32>, vector<16xi32>], vector<16xf32>,
        %broadcast_in_dim3A_893 = arith.constant 29 : i32
        %broadcast_in_dim3A_894 = vector.broadcast %broadcast_in_dim3A_893 : i32 to vector<16xi32>
        %get3A_895 = arith.constant 29 : i32
        %get3A_896 = arith.index_cast %get3A_895 : i32 to index
        %get3A_897 = arith.constant 0 : index
        %get3A_898 = tpu.vector_load %arg11[%get3A_896, %get3A_897] {strides = array<i32>} : memref<32x16xf32, #tpu.memory_space<vmem>>, vector<16xf32>,
        %mul3A_899 = arith.mulf %mul3A_486, %get3A_898 : vector<16xf32>
        %sub3A_900 = arith.subf %add3A_426, %mul3A_452 : vector<16xf32>
        %mul3A_901 = arith.mulf %sub3A_900, %mul3A_899 : vector<16xf32>
        %get3A_902 = arith.constant 29 : i32
        %get3A_903 = arith.index_cast %get3A_902 : i32 to index
        %get3A_904 = arith.constant 0 : index
        %get3A_905 = tpu.vector_load %arg12[%get3A_903, %get3A_904] {strides = array<i32>} : memref<32x16xf32, #tpu.memory_space<vmem>>, vector<16xf32>,
        %add3A_906 = arith.addf %mul3A_901, %get3A_905 : vector<16xf32>
        tpu.vector_store_idx %arg16[%add3A_118, %broadcast_in_dim3A_894], %add3A_906 : memref<128x32xf32, #tpu.memory_space<vmem>>[vector<16xi32>, vector<16xi32>], vector<16xf32>,
        %broadcast_in_dim3A_907 = arith.constant 30 : i32
        %broadcast_in_dim3A_908 = vector.broadcast %broadcast_in_dim3A_907 : i32 to vector<16xi32>
        %get3A_909 = arith.constant 30 : i32
        %get3A_910 = arith.index_cast %get3A_909 : i32 to index
        %get3A_911 = arith.constant 0 : index
        %get3A_912 = tpu.vector_load %arg11[%get3A_910, %get3A_911] {strides = array<i32>} : memref<32x16xf32, #tpu.memory_space<vmem>>, vector<16xf32>,
        %mul3A_913 = arith.mulf %mul3A_486, %get3A_912 : vector<16xf32>
        %sub3A_914 = arith.subf %add3A_436, %mul3A_452 : vector<16xf32>
        %mul3A_915 = arith.mulf %sub3A_914, %mul3A_913 : vector<16xf32>
        %get3A_916 = arith.constant 30 : i32
        %get3A_917 = arith.index_cast %get3A_916 : i32 to index
        %get3A_918 = arith.constant 0 : index
        %get3A_919 = tpu.vector_load %arg12[%get3A_917, %get3A_918] {strides = array<i32>} : memref<32x16xf32, #tpu.memory_space<vmem>>, vector<16xf32>,
        %add3A_920 = arith.addf %mul3A_915, %get3A_919 : vector<16xf32>
        tpu.vector_store_idx %arg16[%add3A_118, %broadcast_in_dim3A_908], %add3A_920 : memref<128x32xf32, #tpu.memory_space<vmem>>[vector<16xi32>, vector<16xi32>], vector<16xf32>,
        %broadcast_in_dim3A_921 = arith.constant 31 : i32
        %broadcast_in_dim3A_922 = vector.broadcast %broadcast_in_dim3A_921 : i32 to vector<16xi32>
        %get3A_923 = arith.constant 31 : i32
        %get3A_924 = arith.index_cast %get3A_923 : i32 to index
        %get3A_925 = arith.constant 0 : index
        %get3A_926 = tpu.vector_load %arg11[%get3A_924, %get3A_925] {strides = array<i32>} : memref<32x16xf32, #tpu.memory_space<vmem>>, vector<16xf32>,
        %mul3A_927 = arith.mulf %mul3A_486, %get3A_926 : vector<16xf32>
        %sub3A_928 = arith.subf %add3A_446, %mul3A_452 : vector<16xf32>
        %mul3A_929 = arith.mulf %sub3A_928, %mul3A_927 : vector<16xf32>
        %get3A_930 = arith.constant 31 : i32
        %get3A_931 = arith.index_cast %get3A_930 : i32 to index
        %get3A_932 = arith.constant 0 : index
        %get3A_933 = tpu.vector_load %arg12[%get3A_931, %get3A_932] {strides = array<i32>} : memref<32x16xf32, #tpu.memory_space<vmem>>, vector<16xf32>,
        %add3A_934 = arith.addf %mul3A_929, %get3A_933 : vector<16xf32>
        tpu.vector_store_idx %arg16[%add3A_118, %broadcast_in_dim3A_922], %add3A_934 : memref<128x32xf32, #tpu.memory_space<vmem>>[vector<16xi32>, vector<16xi32>], vector<16xf32>,
      }
      %scan3A_95 = arith.constant 8 : i32
      %mul3A_96 = arith.constant 25600 : i32
      %mul3A_97 = arith.muli %add3A, %mul3A_96 : i32
      %mul3A_98 = arith.constant 128 : i32
      %mul3A_99 = arith.muli %add3A_78, %mul3A_98 : i32
      %add3A_100 = arith.addi %mul3A_97, %mul3A_99 : i32
      %dma_start3A_101 = arith.constant 0 : i32
      %dma_start3A_102 = tpu.memref_slice %arg8[%add3A_100, %dma_start3A_101] : memref<819200x32xf32, #tpu.memory_space<hbm>> -> memref<128x32xf32, #tpu.memory_space<hbm>>
      %dma_start3A_103 = arith.constant 0 : i32
      %dma_start3A_104 = tpu.memref_slice %arg8[%add3A_100, %dma_start3A_103] : memref<819200x32xf32, #tpu.memory_space<hbm>> -> memref<128x32xf32, #tpu.memory_space<hbm>>
      tpu.enqueue_dma source(%arg16 : memref<128x32xf32, #tpu.memory_space<vmem>>) target(%dma_start3A_104 : memref<128x32xf32, #tpu.memory_space<hbm>>) target_semaphore(%arg22 : memref<!tpu.dma_semaphore, #tpu.memory_space<semaphore_mem>>)
      %lt3A_105 = arith.constant 198 : i32
      %lt3A_106 = arith.cmpi slt, %add3A_78, %lt3A_105 : i32
      %convert_element_type3A_107 = arith.extui %lt3A_106 : i1 to i32
      %cond3A_108 = arith.constant 0 : i32
      %cond3A_109 = arith.cmpi ne, %convert_element_type3A_107, %cond3A_108 : i32
      scf.if %cond3A_109 {
        %add3A_110 = arith.constant 2 : i32
        %add3A_111 = arith.addi %add3A_78, %add3A_110 : i32
        %mul3A_112 = arith.constant 25600 : i32
        %mul3A_113 = arith.muli %add3A, %mul3A_112 : i32
        %mul3A_114 = arith.constant 128 : i32
        %mul3A_115 = arith.muli %add3A_111, %mul3A_114 : i32
        %add3A_116 = arith.addi %mul3A_113, %mul3A_115 : i32
        %dma_start3A_117 = arith.constant 0 : i32
        %dma_start3A_118 = tpu.memref_slice %arg2[%dma_start3A_117, %add3A_116] : memref<3x819200xi32, #tpu.memory_space<hbm>> -> memref<3x128xi32, #tpu.memory_space<hbm>>
        %dma_start3A_119 = arith.constant 0 : i32
        %dma_start3A_120 = tpu.memref_slice %arg2[%dma_start3A_119, %add3A_116] : memref<3x819200xi32, #tpu.memory_space<hbm>> -> memref<3x128xi32, #tpu.memory_space<hbm>>
        tpu.enqueue_dma source(%dma_start3A_120 : memref<3x128xi32, #tpu.memory_space<hbm>>) target(%arg14 : memref<3x128xi32, #tpu.memory_space<vmem>>) target_semaphore(%arg18 : memref<!tpu.dma_semaphore, #tpu.memory_space<semaphore_mem>>)
      } else {
      }
    }
    %scan3A_31 = arith.constant 100 : i32
    %dma_wait3A_32 = arith.constant 0 : i32
    %dma_wait3A_33 = arith.constant 0 : i32
    %dma_wait3A_34 = tpu.memref_slice %arg8[%dma_wait3A_32, %dma_wait3A_33] : memref<819200x32xf32, #tpu.memory_space<hbm>> -> memref<128x32xf32, #tpu.memory_space<hbm>>
    %dma_wait3A_35 = arith.constant 0 : i32
    %dma_wait3A_36 = arith.constant 0 : i32
    %dma_wait3A_37 = tpu.memref_slice %arg8[%dma_wait3A_35, %dma_wait3A_36] : memref<819200x32xf32, #tpu.memory_space<hbm>> -> memref<128x32xf32, #tpu.memory_space<hbm>>
    tpu.wait_dma2 semaphore(%arg21 : memref<!tpu.dma_semaphore, #tpu.memory_space<semaphore_mem>>) src(%arg15 : memref<128x32xf32, #tpu.memory_space<vmem>>) dst(%dma_wait3A_37 : memref<128x32xf32, #tpu.memory_space<hbm>>)
    %dma_wait3A_38 = arith.constant 0 : i32
    %dma_wait3A_39 = arith.constant 0 : i32
    %dma_wait3A_40 = tpu.memref_slice %arg8[%dma_wait3A_38, %dma_wait3A_39] : memref<819200x32xf32, #tpu.memory_space<hbm>> -> memref<128x32xf32, #tpu.memory_space<hbm>>
    %dma_wait3A_41 = arith.constant 0 : i32
    %dma_wait3A_42 = arith.constant 0 : i32
    %dma_wait3A_43 = tpu.memref_slice %arg8[%dma_wait3A_41, %dma_wait3A_42] : memref<819200x32xf32, #tpu.memory_space<hbm>> -> memref<128x32xf32, #tpu.memory_space<hbm>>
    tpu.wait_dma2 semaphore(%arg22 : memref<!tpu.dma_semaphore, #tpu.memory_space<semaphore_mem>>) src(%arg16 : memref<128x32xf32, #tpu.memory_space<vmem>>) dst(%dma_wait3A_43 : memref<128x32xf32, #tpu.memory_space<hbm>>)
    return
  }
}

</mosaic_0001>

<sc_bundles>
// kernel: kernel.3.cloned.1.call-start
scs
__scs_entry_jumppad:
0x0: {  	(pc) =	sbr.rel $0x88, $3  }
0x1: {  	(tag) =	ssettag $0x0;
	lr =	simm.s32 $0x1  }
0x2: {  	[smem:$0x3F99] =	sst lr;
	_ =	strace $0xD0000000  }
0x3: {  	_ = 	snop  }
0x4: {  	_ = 	snop  }
0x5: {  	_ = 	snop  }
0x6: {  	_ = 	snop  }
0x7: {  	_ = 	snop  }
__scs_overlays_trampoline_lowered:
0x8: {  	[smem:$0x3FA8] =	sst s0  }
0x9: {  	[smem:$0x3FA9] =	sst s1  }
0xa: {  	[smem:$0x3FAA] =	sst s2  }
0xb: {  	[smem:$0x3FAB] =	sst s3  }
0xc: {  	[smem:$0x3FAC] =	sst s4  }
0xd: {  	[smem:$0x3FAD] =	sst s5  }
0xe: {  	[smem:$0x3FAE] =	sst s6  }
0xf: {  	[smem:$0x3FAF] =	sst s7  }
0x10: {  	[smem:$0x3FB0] =	sst s8  }
0x11: {  	[smem:$0x3FB1] =	sst s9;
	s0 =	simm.s32 @!p0 $0x0  }
0x12: {  	s1 =	sld [smem:$0x3F97];
	s0 =	simm.s32 @p0 $0x1  }
0x13: {  	[smem:$0x3FB2] =	sst s0;
	s0 =	simm.s32 @!p1 $0x0  }
0x14: {  	s2 =	sld [smem:$0x3F96];
	s0 =	simm.s32 @p1 $0x1  }
0x15: {  	[smem:$0x3FB3] =	sst s0;
	s0 =	simm.s32 @!p2 $0x0  }
0x16: {  	s3 =	sld [smem:$0x3FDB];
	s0 =	simm.s32 @p2 $0x1  }
0x17: {  	s4 =	simm.s32 $0x1BF5;
	[smem:$0x3FB5] =	sst s0  }
0x18: {  	s0 =	sld [smem:$0x3F98];
	_ =	swait.ge [sflag:s4], $0x0  }
0x19: {  	s7 =	sld [smem:$0x3F99]  }
0x1a: {  	s8 =	sadd.s32 $0xFFFFE003, lr  }
0x1b: {  	s9 =	sadd.s32 $0xFFFFFEF7, lr;
	s5 =	simm.s32 $0xFFFFFFFF;
	p2 =	slt.u32 s8, $0xFFFFF086  }
0x1c: {  	p1 =	slt.u32 s9, $0xF7A;
	s5 =	simm.s32 @!p2 $0x0  }
0x1d: {  	s5 =	simm.s32 @p1 $0x1;
	p0 =	seq.s32 s7, s2  }
0x1e: {  	s7 =	smul.u32 @!p0 $0xF7A, s2;
	p2 =	seq.s32 @!p0 s5, $0x0  }
0x1f: {  	s9 =	smul.u32 $0xF7A, s1;
	s8 =	simm.s32 @!p0 $0x1BF5;
	p2 =	por !p2, p0  }
0x20: {  	[sflag:s8] =	ssyncset.s32 @!p0 $0xFFFFF086;
	s6 =	sadd.s32 @!p0 s3, s7;
	s7 =	simm.s32 @!p0 $0x108  }
0x21: {  	s3 =	sadd.s32 s3, s9;
	s6 =	sadd.s32 @!p0 $0x88, s6;
	s7 =	simm.s32 @p2 $0x1082  }
0x22: {  	[simem:s7], [sflag:s8] =	dma.local @!p0 [hbm:s6], $0xF7A  }
0x23: {  	s9 =	sor.u32 $0xD0000000, s2;
	s6 =	simm.s32 $0x108;
	_ =	swait.ge @!p0 [sflag:s8], $0x0  }
0x24: {  	s3 =	sadd.s32 $0x88, s3;
	s6 =	simm.s32 @!p1 $0x1082;
	[sflag:s4] =	ssyncset.s32 $0xFFFFF086  }
0x25: {  	[simem:s6], [sflag:s4] =	dma.local [hbm:s3], $0xF7A  }
0x26: {  	[smem:$0x3F99] =	sst s1;
	(tag) =	ssettag s2;
	_ =	strace s9  }
0x27: {  	s1 =	sld [smem:$0x3FA9]  }
0x28: {  	s2 =	sld [smem:$0x3FAA]  }
0x29: {  	s4 =	sld [smem:$0x3FAC]  }
0x2a: {  	p0 =	seq.s32 s5, $0x0;
	s5 =	sld [smem:$0x3FAD]  }
0x2b: {  	s6 =	sld [smem:$0x3FAE]  }
0x2c: {  	s7 =	sld [smem:$0x3FAF]  }
0x2d: {  	s3 =	simm.s32 $0x108;
	s8 =	sld [smem:$0x3FB0]  }
0x2e: {  	s3 =	simm.s32 @!p0 $0x1082;
	s9 =	sld [smem:$0x3FB1]  }
0x2f: {  	lr =	sadd.s32 s0, s3;
	s0 =	sld [smem:$0x3FA8]  }
0x30: {  	s3 =	sld [smem:$0x3FAB]  }
0x31: {  	[smem:$0x3FB4] =	sst s10  }
0x32: {  	s10 =	sld [smem:$0x3FB2];
	_ =	sdelay $0x3  }
0x33: {  	p0 =	seq.s32 s10, $0x1;
	s10 =	sld [smem:$0x3FB4];
	_ =	sdelay $0x3  }
0x34: {  	[smem:$0x3FB4] =	sst s10  }
0x35: {  	s10 =	sld [smem:$0x3FB3];
	_ =	sdelay $0x3  }
0x36: {  	p1 =	seq.s32 s10, $0x1;
	s10 =	sld [smem:$0x3FB4];
	_ =	sdelay $0x3  }
0x37: {  	[smem:$0x3FB4] =	sst s10  }
0x38: {  	s10 =	sld [smem:$0x3FB5]  }
0x39: {  	_ = 	snop;
	(pc) =	sbr.ind lr, $3  }
0x3a: {  	_ = 	snop  }
0x3b: {  	_ = 	snop  }
0x3c: {  	p2 =	seq.s32 s10, $0x1;
	s10 =	sld [smem:$0x3FB4]  }
0x3d: {  	_ =	shalt  }
0x3e: {  	_ =	shalt  }
0x3f: {  	_ =	shalt  }
0x40: {  	_ =	shalt  }
0x41: {  	_ =	shalt  }
0x42: {  	_ =	shalt  }
0x43: {  	_ =	shalt  }
0x44: {  	_ =	shalt  }
0x45: {  	_ =	shalt  }
0x46: {  	_ =	shalt  }
0x47: {  	_ =	shalt  }
0x48: {  	_ =	shalt  }
0x49: {  	_ =	shalt  }
0x4a: {  	_ =	shalt  }
0x4b: {  	_ =	shalt  }
0x4c: {  	_ =	shalt  }
0x4d: {  	_ =	shalt  }
0x4e: {  	_ =	shalt  }
0x4f: {  	_ =	shalt  }
0x50: {  	_ =	shalt  }
0x51: {  	_ =	shalt  }
0x52: {  	_ =	shalt  }
0x53: {  	_ =	shalt  }
0x54: {  	_ =	shalt  }
0x55: {  	_ =	shalt  }
0x56: {  	_ =	shalt  }
0x57: {  	_ =	shalt  }
0x58: {  	_ =	shalt  }
0x59: {  	_ =	shalt  }
0x5a: {  	_ =	shalt  }
0x5b: {  	_ =	shalt  }
0x5c: {  	_ =	shalt  }
0x5d: {  	_ =	shalt  }
0x5e: {  	_ =	shalt  }
0x5f: {  	_ =	shalt  }
0x60: {  	_ =	shalt  }
0x61: {  	_ =	shalt  }
0x62: {  	_ =	shalt  }
0x63: {  	_ =	shalt  }
0x64: {  	_ =	shalt  }
0x65: {  	_ =	shalt  }
0x66: {  	_ =	shalt  }
0x67: {  	_ =	shalt  }
0x68: {  	_ =	shalt  }
0x69: {  	_ =	shalt  }
0x6a: {  	_ =	shalt  }
0x6b: {  	_ =	shalt  }
0x6c: {  	_ =	shalt  }
0x6d: {  	_ =	shalt  }
0x6e: {  	_ =	shalt  }
0x6f: {  	_ =	shalt  }
0x70: {  	_ =	shalt  }
0x71: {  	_ =	shalt  }
0x72: {  	_ =	shalt  }
0x73: {  	_ =	shalt  }
0x74: {  	_ =	shalt  }
0x75: {  	_ =	shalt  }
0x76: {  	_ =	shalt  }
0x77: {  	_ =	shalt  }
0x78: {  	_ =	shalt  }
0x79: {  	_ =	shalt  }
0x7a: {  	_ =	shalt  }
0x7b: {  	_ =	shalt  }
0x7c: {  	_ =	shalt  }
0x7d: {  	_ =	shalt  }
0x7e: {  	_ =	shalt  }
0x7f: {  	_ =	shalt  }
0x80: {  	_ =	shalt  }
0x81: {  	_ =	shalt  }
0x82: {  	_ =	shalt  }
0x83: {  	_ =	shalt  }
0x84: {  	_ =	shalt  }
0x85: {  	_ =	shalt  }
0x86: {  	_ =	shalt  }
0x87: {  	_ =	shalt  }
.Lfunc_end0:
.L_simem_size_0:
called_computation.1_lowered:
.L_overlay_start_0:
0x88: {  	s2 =	sld [smem:$0x3FD9]  }
0x89: {  	s3 =	sld [smem:$0x3FFE];
	_ =	sdelay $0x1  }
0x8a: {  	s1 =	srdreg.scid  }
0x8b: {  	s0 =	sand.u32 $0x1, s1  }
0x8c: {  	s17 =	sshll.u32 s0, $0xA;
	s2 =	sadd.s32 s3, s2  }
0x8d: {  	s2 =	sadd.s32 s2, s17  }
0x8e: {  	[smem:$0x3FC0] =	sst s2  }
0x8f: {  	_ = 	snop  }
0x90: {  	s2 =	sld [smem:$0x3FD0];
	(tm) =	ssettm $0x1  }
0x91: {  	s18 =	sld [smem:$0x3FFB];
	_ =	sdelay $0x3  }
0x92: {  	_ =	strace s18  }
0x93: {  	s3 =	sld [smem:$0x3FFC];
	_ =	sdelay $0x3  }
0x94: {  	_ =	strace s3  }
0x95: {  	s3 =	sld [smem:$0x3FFD];
	_ =	sdelay $0x3  }
0x96: {  	_ =	strace s3  }
0x97: {  	_ =	strace $0x8FFFFFFF  }
0x98: {  	s19 =	sld [smem:$0x3FDB];
	_ =	sdelay $0x1  }
0x99: {  	s4 =	simm.s32 $_scs_section_size  }
0x9a: {  	s5 =	simm.s32 $_size__tile_overlayer_lowered;
	s6 =	simm.s32 $_tile_overlayer_lowered  }
0x9b: {  	s22 =	simm.s32 $0x1BFF;
	s21 =	sshll.u32 s6, $0x1;
	s3 =	sadd.s32 s4, s19  }
0x9c: {  	s7 =	simm.s32 $0x0;
	s20 =	sshll.u32 s5, $0x1;
	s5 =	sadd.s32 s21, s3  }
0x9d: {  	[timem:s7], [sflag:s22] =	dma.local [hbm:s5], s20  }
0x9e: {  	_ =	swait.ge [sflag:s22], s20  }
0x9f: {  	s4 =	ssub.s32 $0x0, s20;
	[sflag:s22] =	ssyncset.done $0x0  }
0xa0: {  	[sflag:s22] =	ssyncadd.s32 s4;
	_ =	sdelay $0x1  }
0xa1: {  	s23 =	simm.s32 $0x1B8B  }
0xa2: {  	_ =	swait.ge [sflag:s23], $0x1  }
0xa3: {  	[sflag:s23] =	ssyncset.done $0x0  }
0xa4: {  	s25 =	simm.s32 $0x1B8E;
	s24 =	sld [smem:$0x3FFE];
	[sflag:s23] =	ssyncadd.s32 $0xFFFFFFFF  }
0xa5: {  	s26 =	simm.s32 $execute0_lowered;
	[smem:$0x3FD2] =	sst s25  }
0xa6: {  	s5 =	sshll.u32 s26, $0x1;
	_ =	strace $0x80000046;
	[dreg:$0x1] =	wrdreg $0xFFFFFFFF  }
0xa7: {  	s28 =	simm.s32 $_size_execute0_lowered;
	s3 =	sadd.s32 s3, s5;
	[dreg:$0x0] =	wrdreg $0x0  }
0xa8: {  	s5 =	sshll.u32 s28, $0x1;
	[dreg:$0x2] =	wrdreg s3  }
0xa9: {  	[dreg:$0x3] =	wrdreg s5  }
0xaa: {  	[dreg:$0x4] =	wrdreg $0xC0  }
0xab: {  	_ =	task [dreg:s7], $0x5FFFF  }
0xac: {  	[dreg:$0x1] =	wrdreg $0xFFFFFFFF  }
0xad: {  	[dreg:$0x0] =	wrdreg $0x60  }
0xae: {  	[dreg:$0x2] =	wrdreg s24  }
0xaf: {  	[dreg:$0x3] =	wrdreg s2  }
0xb0: {  	[dreg:$0x4] =	wrdreg $0x9  }
0xb1: {  	_ =	task.clear_ibuf [dreg:s7], $0x5FFFF;
	_ =	strace $0x90000046  }
0xb2: {  	s29 =	simm.s32 $0x9;
	_ =	strace $0x80000048  }
0xb3: {  	_ =	swait.ge [sflag:s29], $0x1  }
0xb4: {  	[sflag:s29] =	ssyncadd.s32 $0xFFFFFFFF  }
0xb5: {  	_ =	strace $0x90000048  }
0xb6: {  	_ =	sfence  }
0xb7: {  	s30 =	sld [smem:$0x0];
	_ =	sdelay $0x2  }
0xb8: {  	s31 =	sshll.u32 s1, $0xD;
	s1 =	sshrl.u32 s1, $0x2  }
0xb9: {  	s3 =	sand.u32 $0x4000, s31;
	s1 =	sadd.s32 s1, s30  }
0xba: {  	s0 =	sor.u32 s3, s0;
	s1 =	sshll.u32 s1, $0x11  }
0xbb: {  	s0 =	sor.u32 s1, s0  }
0xbc: {  	s0 =	sadd.s32 $0x8F2B, s0  }
0xbd: {  	[sflag:s0] =	ssyncadd.remote.s32 $0x1  }
0xbe: {  	_ =	sfence.sel $0xFFFF  }
0xbf: {  	[dreg:$0x0] =	wrdreg $0xFFFFFFFF;
	(pc) =	sbr.abs _section_cstart, $3  }
0xc0: {  	[dreg:$0x1] =	wrdreg $0xFFFFFFFF  }
0xc1: {  	_ =	task.clear_ibuf [dreg:s7], $0x2FFFF;
	_ =	strace $0x9FFFFFFF  }
0xc2: {  	(tm) =	ssettm $0x7FFFFFFF  }
0xc3: {  	_ =	shalt  }
tec
execute0_lowered:
.L_overlay_start_1:
0x0: {  	(tag) =	ssettag $0x1  }
0x1: {  	s0 =	rddreg [dreg:$0x0]  }
0x2: {  	s2 =	rddreg [dreg:$0x1];
	s1 =	srdreg.scid  }
0x3: {  	s4 =	stileid.u32;
	s3 =	simm.s32 $0x0;
	s16 =	simm.s32 $0x7  }
0x4: {  	s17 =	simm.s32 $0x4000;
	s20 =	simm.s32 $0x80;
	s21 =	simm.s32 $0xC8000  }
0x5: {  	s23 =	simm.s32 $0x8580;
	s28 =	simm.s32 $0x9700;
	s29 =	simm.s32 $0x3  }
0x6: {  	s30 =	simm.s32 $0x4;
	s31 =	simm.s32 $0x5;
	s1 =	sand.u32 $0x1, s1  }
0x7: {  	s4 =	sshll.u32 s4, $0x1;
	[smem:$0x7FF] =	sst s3;
	s5 =	sadd.s32 $0xF43A00, s0  }
0x8: {  	s7 =	sadd.s32 $0x4CE00, s0;
	s24 =	sadd.s32 $0x4C600, s0;
	s25 =	sadd.s32 $0x4D800, s0  }
0x9: {  	s10 =	sadd.s32 $0x4D600, s0;
	_ =	strace $0x80000047;
	[dreg:$0x3] =	wrdreg s7  }
0xa: {  	s6 =	sor.u32 s1, s4;
	s4 =	sadd.s32 $0x1600, s0;
	[dreg:$0x4] =	wrdreg s24  }
0xb: {  	s1 =	ssub.s32 $0x2, s1;
	[dreg:$0x5] =	wrdreg s25;
	s14 =	smul.u32 $0x6400, s6  }
.Ltmp0:
0xc: {  	s24 =	simm.s32 $0x1;
	s25 =	simm.s32 $0x8700;
	(pc) =	sbr.rel .LBB2_1-.Ltmp0, $4  }
0xd: {  	v0 =	vlaneseq.u32;
	s0 =	simm.s32 $0x6;
	s11 =	sshrl.u32 s1, $0x1;
	s12 =	smul.u32 $0xC8000, s6  }
0xe: {  	v3 =	vmul.u32 $0x20, v0;
	s26 =	ssub.s32 s1, s11;
	s1 =	simm.s32 $0x0;
	s9 =	sshrl.u32 s14, $0x3  }
0xf: {  	s13 =	sor.u32 $0x100, s14;
	s14 =	sor.u32 $0x180, s14;
	s9 =	sadd.s32 s4, s9  }
0x10: {  	[tilespmem:$0x1FFF0] =	vst v3;
	s15 =	smax.u32 s26, $0x1;
	s26 =	simm.s32 $0x2;
	s11 =	sadd.s32 $0x10, s9  }
.LBB2_8:
0x11: {  	s1 =	sadd.s32 $0x1, s1  }
0x12: {  	_ =	swait.ge [sflag:s31], $0x1000;
	p0 =	sne.s32 s1, s15  }
.Ltmp1:
0x13: {  	[sflag:s31] =	ssyncset.done $0x0;
	(pc) =	sbr.rel @!p0 .LBB2_9-.Ltmp1, $4  }
0x14: {  	[sflag:s31] =	ssyncadd.s32 $0xFFFFF000  }
0x15: {  	_ =	swait.ge [sflag:s0], $0x1000  }
0x16: {  	[sflag:s0] =	ssyncset.done $0x0  }
0x17: {  	[sflag:s0] =	ssyncadd.s32 $0xFFFFF000  }
.LBB2_1:
0x18: {  	s6 =	rddreg [dreg:$0x3]  }
0x19: {  	[tilespmem:s3], [sflag:$0x7] =	stream.linear.gather [hbm4b:s6+s3], $0x4000, $0x38;
	[tilespmem:$0xA700] =	vst v63  }
0x1a: {  	_ =	swait.ge [sflag:s16], $0x4000  }
0x1b: {  	[sflag:s16] =	ssyncset.done $0x0  }
0x1c: {  	s8 =	rddreg [dreg:$0x4];
	[sflag:s16] =	ssyncadd.s32 $0xFFFFC000  }
0x1d: {  	[tilespmem:s17], [sflag:$0x7] =	stream.linear.gather [hbm4b:s8+s3], $0x4000, $0x38;
	[tilespmem:$0xA700] =	vst v63  }
0x1e: {  	_ =	swait.ge [sflag:s16], $0x4000  }
0x1f: {  	[sflag:s16] =	ssyncset.done $0x0  }
0x20: {  	s7 =	simm.s32 $0x8000;
	s18 =	rddreg [dreg:$0x5];
	[sflag:s16] =	ssyncadd.s32 $0xFFFFC000  }
0x21: {  	[tilespmem:s7], [sflag:$0x7] =	stream.linear.gather [hbm4b:s18+s3], $0x200, $0x38;
	[tilespmem:$0xA700] =	vst v63  }
0x22: {  	_ =	swait.ge [sflag:s16], $0x200  }
0x23: {  	[sflag:s16] =	ssyncset.done $0x0  }
0x24: {  	s19 =	simm.s32 $0x8200;
	[sflag:s16] =	ssyncadd.s32 $0xFFFFFE00  }
0x25: {  	[tilespmem:s19], [sflag:$0x7] =	stream.linear.gather [hbm4b:s10+s3], $0x200, $0x38;
	[tilespmem:$0xA700] =	vst v63  }
0x26: {  	_ =	swait.ge [sflag:s16], $0x200  }
0x27: {  	[sflag:s16] =	ssyncset.done $0x0  }
0x28: {  	s22 =	simm.s32 $0x8400;
	[sflag:s16] =	ssyncadd.s32 $0xFFFFFE00  }
0x29: {  	[tilespmem:s22], [sflag:$0x1] =	stream.strided.gather [hbm4b:s9+s20], $0x180, s21, s20, $0x38;
	[tilespmem:$0xA700] =	vst v63  }
0x2a: {  	_ = 	snop  }
0x2b: {  	[tilespmem:s23], [sflag:$0x2] =	stream.strided.gather [hbm4b:s11+s20], $0x180, s21, s20, $0x38;
	[tilespmem:$0xA700] =	vst v63  }
0x2c: {  	_ =	swait.ge [sflag:s24], $0x180  }
0x2d: {  	[sflag:s24] =	ssyncset.done $0x0  }
0x2e: {  	s18 =	simm.s32 $0x0;
	[sflag:s24] =	ssyncadd.s32 $0xFFFFFE80  }
0x2f: {  	[tilespmem:s25], [sflag:$0x3] =	stream.indirect.gather [hbm4b:s5+s20], $0x20, s22, s20, $0xb8;
	[tilespmem:$0xA700] =	vst v63  }
.LBB2_2:
0x30: {  	_ =	swait.ge [sflag:s26], $0x180  }
0x31: {  	p0 =	seq.s32 s18, $0x0;
	[sflag:s26] =	ssyncset.done $0x0  }
0x32: {  	s6 =	simm.s32 @!p0 $0x6;
	[sflag:s26] =	ssyncadd.s32 $0xFFFFFE80  }
0x33: {  	_ =	swait.ge @!p0 [sflag:s6], $0x1000  }
0x34: {  	[sflag:s6] =	ssyncset.done @!p0 $0x0  }
0x35: {  	[sflag:s6] =	ssyncadd.s32 @!p0 $0xFFFFF000  }
0x36: {  	[tilespmem:s28], [sflag:$0x4] =	stream.indirect.gather [hbm4b:s5+s20], $0x20, s23, s20, $0xb8;
	[tilespmem:$0xA700] =	vst v63  }
0x37: {  	_ =	swait.ge [sflag:s29], $0x1000  }
0x38: {  	s19 =	sshll.u32 s18, $0x1;
	[sflag:s29] =	ssyncset.done $0x0  }
0x39: {  	s22 =	simm.s32 $0x0;
	s6 =	simm.s32 $0x8500;
	[sflag:s29] =	ssyncadd.s32 $0xFFFFF000  }
.LBB2_3:
0x3a: {  	v0 =	vld [tilespmem:s6+$0xFFFFFF80]  }
0x3b: {  	v1 =	vld [tilespmem:s6+$0x0]  }
0x3c: {  	v2 =	vmov s22  }
0x3d: {  	v2 =	vshll.u32 v2, $0x5  }
0x3e: {  	v12 =	vor.u32 v3, v2  }
0x3f: {  	v35 =	vshll.u32 v0, $0x5  }
0x40: {  	v30 =	vshll.u32 v1, $0x5  }
0x41: {  	v5 =	vor.u32 $0x1, v12  }
0x42: {  	v6 =	vor.u32 $0x2, v12  }
0x43: {  	v8 =	vor.u32 $0x3, v12;
	v1 =	vld.idx.msk [tilespmem:v12+s25+$0x0], $0xffff  }
0x44: {  	v43 =	vor.u32 $0x4, v12;
	v3 =	vld.idx.msk [tilespmem:v35+s3+$0x0], $0xffff  }
0x45: {  	v0 =	vor.u32 $0x1, v35;
	v7 =	vld.idx.msk [tilespmem:v30+s17+$0x0], $0xffff  }
0x46: {  	v2 =	vor.u32 $0x1, v30;
	v11 =	vld.idx.msk [tilespmem:v5+s25+$0x0], $0xffff  }
0x47: {  	v4 =	vor.u32 $0x2, v35;
	v14 =	vld.idx.msk [tilespmem:v6+s25+$0x0], $0xffff  }
0x48: {  	v13 =	vor.u32 $0x3, v35;
	v18 =	vld.idx.msk [tilespmem:v8+s25+$0x0], $0xffff  }
0x49: {  	v15 =	vor.u32 $0x3, v30;
	v21 =	vld.idx.msk [tilespmem:v43+s25+$0x0], $0xffff  }
0x4a: {  	v19 =	vor.u32 $0x4, v30;
	v0 =	vld.idx.msk [tilespmem:v0+s3+$0x0], $0xffff  }
0x4b: {  	v20 =	vor.u32 $0x5, v35;
	v2 =	vld.idx.msk [tilespmem:v2+s17+$0x0], $0xffff  }
0x4c: {  	v22 =	vor.u32 $0x5, v30;
	v16 =	vld.idx.msk [tilespmem:v4+s3+$0x0], $0xffff  }
0x4d: {  	v24 =	vor.u32 $0x6, v35;
	v13 =	vld.idx.msk [tilespmem:v13+s3+$0x0], $0xffff  }
0x4e: {  	v25 =	vor.u32 $0x6, v30;
	v15 =	vld.idx.msk [tilespmem:v15+s17+$0x0], $0xffff  }
0x4f: {  	v27 =	vor.u32 $0x7, v35;
	v19 =	vld.idx.msk [tilespmem:v19+s17+$0x0], $0xffff  }
0x50: {  	v44 =	vor.u32 $0x8, v35;
	v20 =	vld.idx.msk [tilespmem:v20+s3+$0x0], $0xffff  }
0x51: {  	v45 =	vor.u32 $0x9, v35;
	v22 =	vld.idx.msk [tilespmem:v22+s17+$0x0], $0xffff  }
0x52: {  	v49 =	vor.u32 $0xA, v35;
	v33 =	vld.idx.msk [tilespmem:v24+s3+$0x0], $0xffff  }
0x53: {  	v54 =	vor.u32 $0xB, v35;
	v34 =	vld.idx.msk [tilespmem:v25+s17+$0x0], $0xffff  }
0x54: {  	v41 =	vor.u32 $0xC, v35;
	v37 =	vld.idx.msk [tilespmem:v27+s3+$0x0], $0xffff  }
0x55: {  	[tilespmem:$0x1FF40] =	vst v5;
	v5 =	vor.u32 $0x2, v30;
	v38 =	vld.idx.msk [tilespmem:v44+s3+$0x0], $0xffff  }
0x56: {  	[tilespmem:$0x1FF70] =	vst v43;
	v43 =	vor.u32 $0xC, v30;
	v39 =	vld.idx.msk [tilespmem:v45+s3+$0x0], $0xffff  }
0x57: {  	v4 =	vor.u32 $0x4, v35;
	v58 =	vld.idx.msk [tilespmem:v49+s3+$0x0], $0xffff  }
0x58: {  	v57 =	vor.u32 $0xB, v30;
	v9 =	vld.idx.msk [tilespmem:v54+s3+$0x0], $0xffff  }
0x59: {  	v28 =	vor.u32 $0x7, v30;
	v41 =	vld.idx.msk [tilespmem:v41+s3+$0x0], $0xffff  }
0x5a: {  	v17 =	vld.idx.msk [tilespmem:v5+s17+$0x0], $0xffff;
	v5 =	vor.u32 $0x5, v12  }
0x5b: {  	v29 =	vor.u32 $0x8, v30;
	v1 =	vadd.f32 v3, v1;
	v43 =	vld.idx.msk [tilespmem:v43+s17+$0x0], $0xffff  }
0x5c: {  	v3 =	vor.u32 $0x9, v12;
	v23 =	vld.idx.msk [tilespmem:v4+s3+$0x0], $0xffff;
	v0 =	vadd.f32 v0, v11  }
0x5d: {  	v4 =	vor.u32 $0x6, v12;
	v11 =	vld.idx.msk [tilespmem:v57+s17+$0x0], $0xffff;
	v27 =	vadd.f32 v7, v1  }
0x5e: {  	v46 =	vor.u32 $0x9, v30;
	v1 =	vld.idx.msk [tilespmem:v28+s17+$0x0], $0xffff;
	v24 =	vadd.f32 v2, v0;
	v0 =	vadd.f32 v16, v14  }
0x5f: {  	[tilespmem:$0x1FF50] =	vst v6;
	v6 =	vor.u32 $0xE, v30;
	v13 =	vadd.f32 v13, v18;
	v26 =	vld.idx.msk [tilespmem:v5+s25+$0x0], $0xffff  }
0x60: {  	v63 =	vor.u32 $0xE, v35;
	v25 =	vadd.f32 v17, v0;
	v0 =	vld.idx.msk [tilespmem:v29+s17+$0x0], $0xffff  }
0x61: {  	v31 =	vor.u32 $0xA, v30;
	v28 =	vadd.f32 v15, v13;
	v13 =	vor.u32 $0xC, v12;
	v50 =	vld.idx.msk [tilespmem:v3+s25+$0x0], $0xffff  }
0x62: {  	[tilespmem:$0x1FF80] =	vst v5;
	v47 =	vmul.f32 v27, v27;
	v51 =	vadd.f32 $0.0e+00, v27;
	v5 =	vor.u32 $0x7, v12;
	v32 =	vld.idx.msk [tilespmem:v4+s25+$0x0], $0xffff  }
0x63: {  	[tilespmem:$0x1FFC0] =	vst v3;
	v48 =	vmul.f32 v24, v24;
	v3 =	vor.u32 $0xB, v12;
	v53 =	vadd.f32 v23, v21;
	v21 =	vld.idx.msk [tilespmem:v46+s17+$0x0], $0xffff  }
0x64: {  	v59 =	vor.u32 $0xD, v35;
	v45 =	vor.u32 $0xD, v30;
	[tilespmem:$0x1FF90] =	vst v4;
	v4 =	vor.u32 $0x8, v12;
	v23 =	vld.idx.msk [tilespmem:v6+s17+$0x0], $0xffff  }
0x65: {  	v54 =	vor.u32 $0xF, v30;
	v17 =	vadd.f32 v24, v51;
	v16 =	vadd.f32 v48, v47;
	v48 =	vld.idx.msk [tilespmem:v63+s3+$0x0], $0xffff  }
0x66: {  	v57 =	vor.u32 $0x10, v35;
	v14 =	vor.u32 $0xD, v12;
	v52 =	vmul.f32 v25, v25;
	v60 =	vld.idx.msk [tilespmem:v13+s25+$0x0], $0xffff  }
0x67: {  	v40 =	vmul.f32 v28, v28;
	v51 =	vor.u32 $0x11, v30;
	v17 =	vadd.f32 v25, v17;
	v36 =	vld.idx.msk [tilespmem:v5+s25+$0x0], $0xffff  }
0x68: {  	v29 =	vadd.f32 v19, v53;
	v55 =	vadd.f32 v52, v16;
	v16 =	vor.u32 $0xF, v12;
	v42 =	vld.idx.msk [tilespmem:v3+s25+$0x0], $0xffff  }
0x69: {  	[tilespmem:$0x1FFB0] =	vst v4;
	v20 =	vadd.f32 v20, v26;
	v17 =	vadd.f32 v28, v17;
	v2 =	vld.idx.msk [tilespmem:v4+s25+$0x0], $0xffff;
	v4 =	vor.u32 $0xA, v12  }
0x6a: {  	v52 =	vld.idx.msk [tilespmem:v31+s17+$0x0], $0xffff;
	v7 =	vmul.f32 v29, v29;
	v18 =	vadd.f32 v39, v50;
	v15 =	vadd.f32 v40, v55  }
0x6b: {  	[tilespmem:$0x1FF60] =	vst v8;
	v26 =	vld.idx.msk [tilespmem:v54+s17+$0x0], $0xffff;
	v8 =	vadd.f32 v33, v32;
	v53 =	vadd.f32 v29, v17;
	v17 =	vor.u32 $0x10, v12  }
0x6c: {  	v6 =	vor.u32 $0x13, v35;
	v31 =	vadd.f32 v22, v20;
	v10 =	vadd.f32 v7, v15;
	v7 =	vld.idx.msk [tilespmem:v59+s3+$0x0], $0xffff  }
0x6d: {  	v19 =	vor.u32 $0x12, v12;
	v32 =	vadd.f32 v34, v8;
	v59 =	vld.idx.msk [tilespmem:v16+s25+$0x0], $0xffff;
	v61 =	vadd.f32 v37, v36  }
0x6e: {  	v15 =	vor.u32 $0xE, v12;
	v44 =	vmul.f32 v31, v31;
	v22 =	vadd.f32 v9, v42;
	v56 =	vld.idx.msk [tilespmem:v4+s25+$0x0], $0xffff  }
0x6f: {  	v8 =	vor.u32 $0x10, v30;
	v34 =	vadd.f32 v1, v61;
	v1 =	vadd.f32 v38, v2;
	v2 =	vld.idx.msk [tilespmem:v14+s25+$0x0], $0xffff  }
0x70: {  	v62 =	vmul.f32 v32, v32;
	v9 =	vor.u32 $0x11, v35;
	v33 =	vadd.f32 v44, v10;
	v50 =	vld.idx.msk [tilespmem:v17+s25+$0x0], $0xffff  }
0x71: {  	v20 =	vadd.f32 v41, v60;
	v39 =	vadd.f32 v11, v22;
	v11 =	vld.idx.msk [tilespmem:v57+s3+$0x0], $0xffff;
	v61 =	vor.u32 $0x12, v35  }
0x72: {  	v37 =	vadd.f32 v21, v18;
	v18 =	vor.u32 $0x11, v12;
	v57 =	vld.idx.msk [tilespmem:v6+s3+$0x0], $0xffff;
	v33 =	vadd.f32 v62, v33  }
0x73: {  	v46 =	vmul.f32 v34, v34;
	v36 =	vadd.f32 v0, v1;
	v0 =	vld.idx.msk [tilespmem:v45+s17+$0x0], $0xffff;
	v1 =	vor.u32 $0xF, v35  }
0x74: {  	v40 =	vadd.f32 v43, v20;
	v20 =	vor.u32 $0x13, v12;
	v49 =	vmul.f32 v37, v37;
	v47 =	vld.idx.msk [tilespmem:v15+s25+$0x0], $0xffff  }
0x75: {  	v42 =	vld.idx.msk [tilespmem:v9+s3+$0x0], $0xffff;
	v33 =	vadd.f32 v46, v33;
	v55 =	vmul.f32 v36, v36;
	v56 =	vadd.f32 v58, v56  }
0x76: {  	v58 =	vadd.f32 v31, v53;
	v53 =	vor.u32 $0x12, v30;
	v2 =	vadd.f32 v7, v2;
	v9 =	vld.idx.msk [tilespmem:v61+s3+$0x0], $0xffff  }
0x77: {  	v63 =	vmul.f32 v40, v40;
	v33 =	vadd.f32 v55, v33;
	v38 =	vadd.f32 v52, v56;
	v52 =	vld.idx.msk [tilespmem:v18+s25+$0x0], $0xffff  }
0x78: {  	v7 =	vor.u32 $0x13, v30;
	v21 =	vadd.f32 v32, v58;
	v1 =	vld.idx.msk [tilespmem:v1+s3+$0x0], $0xffff;
	v43 =	vadd.f32 v0, v2  }
0x79: {  	v0 =	vadd.f32 v48, v47;
	v2 =	vld.idx.msk [tilespmem:v19+s25+$0x0], $0xffff;
	v33 =	vadd.f32 v49, v33;
	v10 =	vmul.f32 v38, v38  }
0x7a: {  	v62 =	vmul.f32 v39, v39;
	v55 =	vor.u32 $0x14, v30;
	v21 =	vadd.f32 v34, v21;
	v49 =	vld.idx.msk [tilespmem:v51+s17+$0x0], $0xffff  }
0x7b: {  	v54 =	vmul.f32 v43, v43;
	v45 =	vadd.f32 v23, v0;
	v0 =	vld.idx.msk [tilespmem:v53+s17+$0x0], $0xffff;
	v60 =	vadd.f32 v10, v33  }
0x7c: {  	v53 =	vld.idx.msk [tilespmem:v20+s25+$0x0], $0xffff;
	v23 =	vor.u32 $0x16, v12;
	v21 =	vadd.f32 v36, v21;
	v10 =	vor.u32 $0x14, v35  }
0x7d: {  	v41 =	vld.idx.msk [tilespmem:v7+s17+$0x0], $0xffff;
	v7 =	vor.u32 $0x16, v35;
	v42 =	vadd.f32 v42, v52;
	v22 =	vadd.f32 v62, v60  }
0x7e: {  	v33 =	vld.idx.msk [tilespmem:v8+s17+$0x0], $0xffff;
	v56 =	vmul.f32 v45, v45;
	v8 =	vadd.f32 v37, v21;
	v1 =	vadd.f32 v1, v59  }
0x7f: {  	v21 =	vor.u32 $0x14, v12;
	v2 =	vadd.f32 v9, v2;
	v51 =	vadd.f32 v49, v42  }
0x80: {  	v62 =	vor.u32 $0x15, v30;
	v22 =	vadd.f32 v63, v22;
	v48 =	vadd.f32 v38, v8  }
0x81: {  	v47 =	vld.idx.msk [tilespmem:v55+s17+$0x0], $0xffff;
	v59 =	vor.u32 $0x16, v30;
	v46 =	vadd.f32 v26, v1;
	v1 =	vadd.f32 v11, v50  }
0x82: {  	[tilespmem:$0x1FFE0] =	vst v3;
	v11 =	vor.u32 $0x15, v35;
	v26 =	vor.u32 $0x17, v12;
	v3 =	vld.idx.msk [tilespmem:v23+s25+$0x0], $0xffff;
	v54 =	vadd.f32 v54, v22  }
0x83: {  	v53 =	vadd.f32 v57, v53;
	v57 =	vld.idx.msk [tilespmem:v7+s3+$0x0], $0xffff;
	v22 =	vor.u32 $0x15, v12;
	v60 =	vadd.f32 v39, v48  }
0x84: {  	v63 =	vmul.f32 v46, v46;
	v50 =	vadd.f32 v33, v1;
	v1 =	vld.idx.msk [tilespmem:v10+s3+$0x0], $0xffff;
	v61 =	vadd.f32 v56, v54  }
0x85: {  	v52 =	vadd.f32 v0, v2;
	v2 =	vor.u32 $0x17, v30;
	v54 =	vld.idx.msk [tilespmem:v21+s25+$0x0], $0xffff;
	v6 =	vadd.f32 v40, v60  }
0x86: {  	v10 =	vor.u32 $0x17, v35;
	v59 =	vld.idx.msk [tilespmem:v59+s17+$0x0], $0xffff;
	v8 =	vmul.f32 v50, v50;
	v48 =	vadd.f32 v63, v61  }
0x87: {  	v0 =	vor.u32 $0x1A, v30;
	v7 =	vmul.f32 v52, v52;
	v42 =	vld.idx.msk [tilespmem:v11+s3+$0x0], $0xffff;
	v33 =	vadd.f32 v43, v6  }
0x88: {  	v11 =	vmul.f32 v51, v51;
	v6 =	vor.u32 $0x18, v35;
	v58 =	vld.idx.msk [tilespmem:v22+s25+$0x0], $0xffff;
	v9 =	vadd.f32 v8, v48  }
0x89: {  	v53 =	vadd.f32 v41, v53;
	v61 =	vld.idx.msk [tilespmem:v26+s25+$0x0], $0xffff;
	v60 =	vadd.f32 v45, v33;
	v33 =	vor.u32 $0x18, v12  }
0x8a: {  	v48 =	vld.idx.msk [tilespmem:v62+s17+$0x0], $0xffff;
	v8 =	vor.u32 $0x18, v30;
	v1 =	vadd.f32 v1, v54;
	v44 =	vadd.f32 v11, v9  }
0x8b: {  	v41 =	vor.u32 $0x19, v12;
	v49 =	vld.idx.msk [tilespmem:v10+s3+$0x0], $0xffff;
	v60 =	vadd.f32 v46, v60;
	v9 =	vor.u32 $0x19, v35  }
0x8c: {  	v62 =	vmul.f32 v53, v53;
	v54 =	vadd.f32 v47, v1;
	v1 =	vld.idx.msk [tilespmem:v2+s17+$0x0], $0xffff;
	v44 =	vadd.f32 v7, v44  }
0x8d: {  	v3 =	vadd.f32 v57, v3;
	v2 =	vor.u32 $0x19, v30;
	v42 =	vadd.f32 v42, v58;
	v58 =	vld.idx.msk [tilespmem:v6+s3+$0x0], $0xffff  }
0x8e: {  	v10 =	vadd.f32 v50, v60;
	v11 =	vmul.f32 v54, v54;
	v63 =	vld.idx.msk [tilespmem:v33+s25+$0x0], $0xffff;
	v44 =	vadd.f32 v62, v44  }
0x8f: {  	v56 =	vadd.f32 v59, v3;
	v60 =	vor.u32 $0x1A, v35;
	v55 =	vadd.f32 v48, v42;
	v48 =	vld.idx.msk [tilespmem:v8+s17+$0x0], $0xffff  }
0x90: {  	v47 =	vor.u32 $0x1B, v35;
	v62 =	vld.idx.msk [tilespmem:v9+s3+$0x0], $0xffff;
	v42 =	vadd.f32 v11, v44;
	v44 =	vadd.f32 v51, v10  }
0x91: {  	v6 =	vor.u32 $0x1B, v30;
	v49 =	vadd.f32 v49, v61;
	v9 =	vld.idx.msk [tilespmem:v0+s17+$0x0], $0xffff;
	v3 =	vmul.f32 v55, v55  }
0x92: {  	v0 =	vmul.f32 v56, v56;
	v8 =	vld.idx.msk [tilespmem:v2+s17+$0x0], $0xffff;
	v7 =	vadd.f32 v52, v44;
	v44 =	vor.u32 $0x1A, v12  }
0x93: {  	v57 =	vadd.f32 v1, v49;
	v49 =	vld.idx.msk [tilespmem:v41+s25+$0x0], $0xffff;
	v3 =	vadd.f32 v3, v42;
	v42 =	vor.u32 $0x1B, v12  }
0x94: {  	v61 =	vor.u32 $0x1C, v35;
	v60 =	vld.idx.msk [tilespmem:v60+s3+$0x0], $0xffff;
	v1 =	vadd.f32 v53, v7  }
0x95: {  	v2 =	vadd.f32 v0, v3;
	v3 =	vadd.f32 v58, v63;
	v63 =	vld.idx.msk [tilespmem:v47+s3+$0x0], $0xffff;
	v47 =	vor.u32 $0x1C, v30  }
0x96: {  	v59 =	vld.idx.msk [tilespmem:v6+s17+$0x0], $0xffff;
	v6 =	vor.u32 $0x1D, v35;
	v0 =	vmul.f32 v57, v57;
	v1 =	vadd.f32 v54, v1  }
0x97: {  	v10 =	vor.u32 $0x1C, v12;
	v58 =	vadd.f32 v48, v3;
	v3 =	vld.idx.msk [tilespmem:v44+s25+$0x0], $0xffff  }
0x98: {  	[tilespmem:$0x1FFA0] =	vst v5;
	v5 =	vor.u32 $0x1D, v30;
	v0 =	vadd.f32 v0, v2;
	v2 =	vld.idx.msk [tilespmem:v42+s25+$0x0], $0xffff;
	v1 =	vadd.f32 v55, v1  }
0x99: {  	v49 =	vadd.f32 v62, v49;
	v62 =	vld.idx.msk [tilespmem:v61+s3+$0x0], $0xffff;
	v48 =	vor.u32 $0x1D, v12;
	v11 =	vmul.f32 v58, v58  }
0x9a: {  	v7 =	vor.u32 $0x1E, v35;
	v47 =	vld.idx.msk [tilespmem:v47+s17+$0x0], $0xffff;
	v1 =	vadd.f32 v56, v1  }
0x9b: {  	[tilespmem:$0x1FFD0] =	vst v4;
	v4 =	vadd.f32 v11, v0;
	v11 =	vadd.f32 v8, v49;
	v8 =	vld.idx.msk [tilespmem:v6+s3+$0x0], $0xffff;
	v49 =	vor.u32 $0x1E, v12  }
0x9c: {  	v35 =	vor.u32 $0x1F, v35;
	v3 =	vadd.f32 v60, v3;
	v1 =	vadd.f32 v57, v1;
	v60 =	vld.idx.msk [tilespmem:v10+s25+$0x0], $0xffff  }
0x9d: {  	v61 =	vor.u32 $0x1E, v30;
	v2 =	vadd.f32 v63, v2;
	v63 =	vld.idx.msk [tilespmem:v5+s17+$0x0], $0xffff;
	v0 =	vmul.f32 v11, v11  }
0x9e: {  	v6 =	vor.u32 $0x1F, v12;
	v5 =	vadd.f32 v9, v3;
	v1 =	vadd.f32 v58, v1;
	v9 =	vld.idx.msk [tilespmem:v48+s25+$0x0], $0xffff  }
0x9f: {  	v0 =	vadd.f32 v0, v4;
	v3 =	vadd.f32 v59, v2;
	v4 =	vld.idx.msk [tilespmem:v7+s3+$0x0], $0xffff  }
0xa0: {  	v7 =	vor.u32 $0x1F, v30;
	v30 =	vld.idx.msk [tilespmem:v49+s25+$0x0], $0xffff;
	v1 =	vadd.f32 v11, v1;
	v2 =	vmul.f32 v5, v5  }
0xa1: {  	v35 =	vld.idx.msk [tilespmem:v35+s3+$0x0], $0xffff;
	v59 =	vadd.f32 v62, v60  }
0xa2: {  	v60 =	vld.idx.msk [tilespmem:v61+s17+$0x0], $0xffff;
	v61 =	vmul.f32 v3, v3;
	v0 =	vadd.f32 v2, v0;
	v1 =	vadd.f32 v5, v1  }
0xa3: {  	v2 =	vadd.f32 v47, v59;
	v8 =	vadd.f32 v8, v9;
	v47 =	vld.idx.msk [tilespmem:v6+s25+$0x0], $0xffff  }
0xa4: {  	v0 =	vadd.f32 v61, v0;
	v1 =	vadd.f32 v3, v1  }
0xa5: {  	v7 =	vld.idx.msk [tilespmem:v7+s17+$0x0], $0xffff;
	v4 =	vadd.f32 v4, v30;
	v63 =	vadd.f32 v63, v8;
	v59 =	vmul.f32 v2, v2  }
0xa6: {  	v1 =	vadd.f32 v2, v1  }
0xa7: {  	v62 =	vadd.f32 v60, v4;
	v0 =	vadd.f32 v59, v0;
	v4 =	vmul.f32 v63, v63  }
0xa8: {  	v60 =	vadd.f32 v35, v47;
	v1 =	vadd.f32 v63, v1  }
0xa9: {  	v0 =	vadd.f32 v4, v0  }
0xaa: {  	v4 =	vmul.f32 v62, v62;
	v30 =	vadd.f32 v7, v60;
	v1 =	vadd.f32 v62, v1;
	_ =	sdelay $0x1  }
0xab: {  	v0 =	vadd.f32 v4, v0;
	v1 =	vadd.f32 v30, v1;
	v4 =	vmul.f32 v30, v30;
	_ =	sdelay $0x1  }
0xac: {  	v0 =	vadd.f32 v4, v0;
	v1 =	vmul.f32 $3.125000000e-02, v1;
	_ =	sdelay $0x1  }
0xad: {  	v0 =	vmul.f32 $3.125000000e-02, v0;
	v4 =	vmul.f32 v1, v1;
	_ =	sdelay $0x1  }
0xae: {  	v0 =	vsub.f32 v0, v4;
	_ =	sdelay $0x1  }
0xaf: {  	v0 =	vadd.f32 $9.999999740e-06, v0;
	_ =	sdelay $0x1  }
0xb0: {  	v4 =	vshra.s32 v0, $0x1;
	v0 =	vmul.f32 $5.000000000e-01, v0  }
0xb1: {  	v4 =	vsub.s32 $0x5F3759DF, v4  }
0xb2: {  	v61 =	vmul.f32 v4, v0;
	_ =	sdelay $0x1  }
0xb3: {  	v7 =	vmul.f32 v4, v61;
	_ =	sdelay $0x1  }
0xb4: {  	v7 =	vsub.f32 $1.500000000e+00, v7;
	_ =	sdelay $0x1  }
0xb5: {  	v4 =	vmul.f32 v4, v7;
	_ =	sdelay $0x1  }
0xb6: {  	v7 =	vmul.f32 v4, v0;
	_ =	sdelay $0x1  }
0xb7: {  	v7 =	vmul.f32 v7, v4;
	_ =	sdelay $0x1  }
0xb8: {  	v7 =	vsub.f32 $1.500000000e+00, v7;
	_ =	sdelay $0x1  }
0xb9: {  	v4 =	vmul.f32 v7, v4;
	_ =	sdelay $0x1  }
0xba: {  	v0 =	vmul.f32 v4, v0;
	_ =	sdelay $0x1  }
0xbb: {  	v0 =	vmul.f32 v0, v4  }
0xbc: {  	v9 =	vld [tilespmem:$0x8000]  }
0xbd: {  	v0 =	vsub.f32 $1.500000000e+00, v0;
	_ =	sdelay $0x1  }
0xbe: {  	v0 =	vmul.f32 v0, v4  }
0xbf: {  	v4 =	vld [tilespmem:$0x8200]  }
0xc0: {  	v35 =	vsub.f32 v27, v1;
	v7 =	vmul.f32 v0, v9;
	_ =	sdelay $0x1  }
0xc1: {  	v7 =	vmul.f32 v7, v35;
	_ =	sdelay $0x1  }
0xc2: {  	v4 =	vadd.f32 v7, v4;
	_ =	sdelay $0x1  }
0xc3: {  	[tilespmem:v12+s25+$0x0] =	vst.idx.msk $0xffff, v4  }
0xc4: {  	v4 =	vld [tilespmem:$0x8010];
	_ =	sdelay $0x2  }
0xc5: {  	v60 =	vld [tilespmem:$0x1FF40]  }
0xc6: {  	v47 =	vld [tilespmem:$0x8210]  }
0xc7: {  	v59 =	vsub.f32 v24, v1;
	v4 =	vmul.f32 v0, v4;
	_ =	sdelay $0x1  }
0xc8: {  	v4 =	vmul.f32 v4, v59;
	_ =	sdelay $0x1  }
0xc9: {  	v4 =	vadd.f32 v4, v47;
	_ =	sdelay $0x1  }
0xca: {  	[tilespmem:v60+s25+$0x0] =	vst.idx.msk $0xffff, v4  }
0xcb: {  	v4 =	vld [tilespmem:$0x8020];
	_ =	sdelay $0x2  }
0xcc: {  	v9 =	vld [tilespmem:$0x1FF50]  }
0xcd: {  	v7 =	vld [tilespmem:$0x8220]  }
0xce: {  	v61 =	vsub.f32 v25, v1;
	v4 =	vmul.f32 v0, v4;
	_ =	sdelay $0x1  }
0xcf: {  	v4 =	vmul.f32 v4, v61;
	_ =	sdelay $0x1  }
0xd0: {  	v4 =	vadd.f32 v4, v7;
	_ =	sdelay $0x1  }
0xd1: {  	[tilespmem:v9+s25+$0x0] =	vst.idx.msk $0xffff, v4  }
0xd2: {  	v4 =	vld [tilespmem:$0x8030];
	_ =	sdelay $0x2  }
0xd3: {  	v24 =	vld [tilespmem:$0x1FF60]  }
0xd4: {  	v7 =	vld [tilespmem:$0x8230]  }
0xd5: {  	v12 =	vsub.f32 v28, v1;
	v4 =	vmul.f32 v0, v4;
	_ =	sdelay $0x1  }
0xd6: {  	v4 =	vmul.f32 v4, v12;
	_ =	sdelay $0x1  }
0xd7: {  	v4 =	vadd.f32 v4, v7;
	_ =	sdelay $0x1  }
0xd8: {  	[tilespmem:v24+s25+$0x0] =	vst.idx.msk $0xffff, v4  }
0xd9: {  	v4 =	vld [tilespmem:$0x8040];
	_ =	sdelay $0x2  }
0xda: {  	v27 =	vld [tilespmem:$0x1FF70]  }
0xdb: {  	v7 =	vld [tilespmem:$0x8240]  }
0xdc: {  	v25 =	vsub.f32 v29, v1;
	v4 =	vmul.f32 v0, v4;
	_ =	sdelay $0x1  }
0xdd: {  	v4 =	vmul.f32 v4, v25;
	_ =	sdelay $0x1  }
0xde: {  	v4 =	vadd.f32 v4, v7;
	_ =	sdelay $0x1  }
0xdf: {  	[tilespmem:v27+s25+$0x0] =	vst.idx.msk $0xffff, v4  }
0xe0: {  	v4 =	vld [tilespmem:$0x8050];
	_ =	sdelay $0x2  }
0xe1: {  	v29 =	vld [tilespmem:$0x1FF80]  }
0xe2: {  	v7 =	vld [tilespmem:$0x8250]  }
0xe3: {  	v28 =	vsub.f32 v31, v1;
	v4 =	vmul.f32 v0, v4;
	_ =	sdelay $0x1  }
0xe4: {  	v4 =	vmul.f32 v4, v28;
	_ =	sdelay $0x1  }
0xe5: {  	v4 =	vadd.f32 v4, v7;
	_ =	sdelay $0x1  }
0xe6: {  	[tilespmem:v29+s25+$0x0] =	vst.idx.msk $0xffff, v4  }
0xe7: {  	v4 =	vld [tilespmem:$0x8060];
	_ =	sdelay $0x2  }
0xe8: {  	v31 =	vsub.f32 v32, v1;
	v32 =	vld [tilespmem:$0x1FF90]  }
0xe9: {  	v7 =	vld [tilespmem:$0x8260]  }
0xea: {  	v4 =	vmul.f32 v0, v4;
	_ =	sdelay $0x1  }
0xeb: {  	v4 =	vmul.f32 v4, v31;
	_ =	sdelay $0x1  }
0xec: {  	v4 =	vadd.f32 v4, v7;
	_ =	sdelay $0x1  }
0xed: {  	[tilespmem:v32+s25+$0x0] =	vst.idx.msk $0xffff, v4  }
0xee: {  	v4 =	vld [tilespmem:$0x8070];
	_ =	sdelay $0x2  }
0xef: {  	v35 =	vld [tilespmem:$0x1FFA0]  }
0xf0: {  	v7 =	vld [tilespmem:$0x8270]  }
0xf1: {  	v34 =	vsub.f32 v34, v1;
	v4 =	vmul.f32 v4, v0;
	_ =	sdelay $0x1  }
0xf2: {  	v4 =	vmul.f32 v4, v34;
	_ =	sdelay $0x1  }
0xf3: {  	v4 =	vadd.f32 v4, v7;
	_ =	sdelay $0x1  }
0xf4: {  	[tilespmem:v35+s25+$0x0] =	vst.idx.msk $0xffff, v4  }
0xf5: {  	v4 =	vld [tilespmem:$0x8080];
	_ =	sdelay $0x2  }
0xf6: {  	v47 =	vld [tilespmem:$0x1FFB0]  }
0xf7: {  	v7 =	vld [tilespmem:$0x8280]  }
0xf8: {  	v36 =	vsub.f32 v36, v1;
	v4 =	vmul.f32 v4, v0;
	_ =	sdelay $0x1  }
0xf9: {  	v4 =	vmul.f32 v4, v36;
	_ =	sdelay $0x1  }
0xfa: {  	v4 =	vadd.f32 v4, v7;
	_ =	sdelay $0x1  }
0xfb: {  	[tilespmem:v47+s25+$0x0] =	vst.idx.msk $0xffff, v4  }
0xfc: {  	v4 =	vld [tilespmem:$0x8090];
	_ =	sdelay $0x2  }
0xfd: {  	v60 =	vld [tilespmem:$0x1FFC0]  }
0xfe: {  	v7 =	vld [tilespmem:$0x8290]  }
0xff: {  	v59 =	vsub.f32 v37, v1;
	v4 =	vmul.f32 v4, v0;
	_ =	sdelay $0x1  }
0x100: {  	v4 =	vmul.f32 v4, v59;
	_ =	sdelay $0x1  }
0x101: {  	v4 =	vadd.f32 v4, v7;
	_ =	sdelay $0x1  }
0x102: {  	[tilespmem:v60+s25+$0x0] =	vst.idx.msk $0xffff, v4  }
0x103: {  	v4 =	vld [tilespmem:$0x80A0];
	_ =	sdelay $0x2  }
0x104: {  	v12 =	vld [tilespmem:$0x1FFD0]  }
0x105: {  	v7 =	vld [tilespmem:$0x82A0]  }
0x106: {  	v61 =	vsub.f32 v38, v1;
	v4 =	vmul.f32 v4, v0;
	_ =	sdelay $0x1  }
0x107: {  	v4 =	vmul.f32 v4, v61;
	_ =	sdelay $0x1  }
0x108: {  	v4 =	vadd.f32 v4, v7;
	_ =	sdelay $0x1  }
0x109: {  	[tilespmem:v12+s25+$0x0] =	vst.idx.msk $0xffff, v4  }
0x10a: {  	v4 =	vld [tilespmem:$0x80B0];
	_ =	sdelay $0x2  }
0x10b: {  	v25 =	vld [tilespmem:$0x1FFE0]  }
0x10c: {  	v7 =	vld [tilespmem:$0x82B0]  }
0x10d: {  	v24 =	vsub.f32 v39, v1;
	v4 =	vmul.f32 v4, v0;
	_ =	sdelay $0x1  }
0x10e: {  	v4 =	vmul.f32 v4, v24;
	_ =	sdelay $0x1  }
0x10f: {  	v4 =	vadd.f32 v4, v7;
	_ =	sdelay $0x1  }
0x110: {  	[tilespmem:v25+s25+$0x0] =	vst.idx.msk $0xffff, v4  }
0x111: {  	v4 =	vld [tilespmem:$0x80C0];
	_ =	sdelay $0x3  }
0x112: {  	v7 =	vld [tilespmem:$0x82C0]  }
0x113: {  	v27 =	vsub.f32 v40, v1;
	v4 =	vmul.f32 v4, v0;
	_ =	sdelay $0x1  }
0x114: {  	v4 =	vmul.f32 v4, v27;
	_ =	sdelay $0x1  }
0x115: {  	v4 =	vadd.f32 v4, v7;
	_ =	sdelay $0x1  }
0x116: {  	[tilespmem:v13+s25+$0x0] =	vst.idx.msk $0xffff, v4  }
0x117: {  	v4 =	vld [tilespmem:$0x80D0];
	_ =	sdelay $0x3  }
0x118: {  	v28 =	vld [tilespmem:$0x82D0]  }
0x119: {  	v29 =	vsub.f32 v43, v1;
	v4 =	vmul.f32 v4, v0;
	_ =	sdelay $0x1  }
0x11a: {  	v4 =	vmul.f32 v4, v29;
	_ =	sdelay $0x1  }
0x11b: {  	v4 =	vadd.f32 v4, v28;
	_ =	sdelay $0x1  }
0x11c: {  	[tilespmem:v14+s25+$0x0] =	vst.idx.msk $0xffff, v4  }
0x11d: {  	v4 =	vld [tilespmem:$0x80E0];
	_ =	sdelay $0x3  }
0x11e: {  	v31 =	vld [tilespmem:$0x82E0]  }
0x11f: {  	v32 =	vsub.f32 v45, v1;
	v4 =	vmul.f32 v4, v0;
	_ =	sdelay $0x1  }
0x120: {  	v4 =	vmul.f32 v4, v32;
	_ =	sdelay $0x1  }
0x121: {  	v4 =	vadd.f32 v4, v31;
	_ =	sdelay $0x1  }
0x122: {  	[tilespmem:v15+s25+$0x0] =	vst.idx.msk $0xffff, v4  }
0x123: {  	v4 =	vld [tilespmem:$0x80F0];
	_ =	sdelay $0x3  }
0x124: {  	v34 =	vld [tilespmem:$0x82F0]  }
0x125: {  	v35 =	vsub.f32 v46, v1;
	v4 =	vmul.f32 v4, v0;
	_ =	sdelay $0x1  }
0x126: {  	v4 =	vmul.f32 v4, v35;
	_ =	sdelay $0x1  }
0x127: {  	v4 =	vadd.f32 v4, v34;
	_ =	sdelay $0x1  }
0x128: {  	[tilespmem:v16+s25+$0x0] =	vst.idx.msk $0xffff, v4  }
0x129: {  	v4 =	vld [tilespmem:$0x8100];
	_ =	sdelay $0x3  }
0x12a: {  	v36 =	vld [tilespmem:$0x8300]  }
0x12b: {  	v37 =	vsub.f32 v50, v1;
	v4 =	vmul.f32 v4, v0;
	_ =	sdelay $0x1  }
0x12c: {  	v4 =	vmul.f32 v4, v37;
	_ =	sdelay $0x1  }
0x12d: {  	v4 =	vadd.f32 v4, v36;
	_ =	sdelay $0x1  }
0x12e: {  	[tilespmem:v17+s25+$0x0] =	vst.idx.msk $0xffff, v4  }
0x12f: {  	v4 =	vld [tilespmem:$0x8110];
	_ =	sdelay $0x3  }
0x130: {  	v38 =	vld [tilespmem:$0x8310]  }
0x131: {  	v39 =	vsub.f32 v51, v1;
	v4 =	vmul.f32 v4, v0;
	_ =	sdelay $0x1  }
0x132: {  	v4 =	vmul.f32 v4, v39;
	_ =	sdelay $0x1  }
0x133: {  	v4 =	vadd.f32 v4, v38;
	_ =	sdelay $0x1  }
0x134: {  	[tilespmem:v18+s25+$0x0] =	vst.idx.msk $0xffff, v4  }
0x135: {  	v4 =	vld [tilespmem:$0x8120];
	_ =	sdelay $0x3  }
0x136: {  	v40 =	vld [tilespmem:$0x8320]  }
0x137: {  	v43 =	vsub.f32 v52, v1;
	v4 =	vmul.f32 v4, v0;
	_ =	sdelay $0x1  }
0x138: {  	v4 =	vmul.f32 v4, v43;
	_ =	sdelay $0x1  }
0x139: {  	v4 =	vadd.f32 v4, v40;
	_ =	sdelay $0x1  }
0x13a: {  	[tilespmem:v19+s25+$0x0] =	vst.idx.msk $0xffff, v4  }
0x13b: {  	v4 =	vld [tilespmem:$0x8130];
	_ =	sdelay $0x3  }
0x13c: {  	v45 =	vld [tilespmem:$0x8330]  }
0x13d: {  	v46 =	vsub.f32 v53, v1;
	v4 =	vmul.f32 v4, v0;
	_ =	sdelay $0x1  }
0x13e: {  	v4 =	vmul.f32 v4, v46;
	_ =	sdelay $0x1  }
0x13f: {  	v4 =	vadd.f32 v4, v45;
	_ =	sdelay $0x1  }
0x140: {  	[tilespmem:v20+s25+$0x0] =	vst.idx.msk $0xffff, v4  }
0x141: {  	v4 =	vld [tilespmem:$0x8140];
	_ =	sdelay $0x3  }
0x142: {  	v47 =	vld [tilespmem:$0x8340]  }
0x143: {  	v50 =	vsub.f32 v54, v1;
	v4 =	vmul.f32 v4, v0;
	_ =	sdelay $0x1  }
0x144: {  	v4 =	vmul.f32 v4, v50;
	_ =	sdelay $0x1  }
0x145: {  	v4 =	vadd.f32 v4, v47;
	_ =	sdelay $0x1  }
0x146: {  	[tilespmem:v21+s25+$0x0] =	vst.idx.msk $0xffff, v4  }
0x147: {  	v4 =	vld [tilespmem:$0x8150];
	_ =	sdelay $0x3  }
0x148: {  	v51 =	vld [tilespmem:$0x8350]  }
0x149: {  	v52 =	vsub.f32 v55, v1;
	v4 =	vmul.f32 v4, v0;
	_ =	sdelay $0x1  }
0x14a: {  	v4 =	vmul.f32 v4, v52;
	_ =	sdelay $0x1  }
0x14b: {  	v4 =	vadd.f32 v4, v51;
	_ =	sdelay $0x1  }
0x14c: {  	[tilespmem:v22+s25+$0x0] =	vst.idx.msk $0xffff, v4  }
0x14d: {  	v4 =	vld [tilespmem:$0x8160];
	_ =	sdelay $0x3  }
0x14e: {  	v53 =	vld [tilespmem:$0x8360]  }
0x14f: {  	v54 =	vsub.f32 v56, v1;
	v4 =	vmul.f32 v4, v0;
	_ =	sdelay $0x1  }
0x150: {  	v4 =	vmul.f32 v4, v54;
	_ =	sdelay $0x1  }
0x151: {  	v4 =	vadd.f32 v4, v53;
	_ =	sdelay $0x1  }
0x152: {  	[tilespmem:v23+s25+$0x0] =	vst.idx.msk $0xffff, v4  }
0x153: {  	v4 =	vld [tilespmem:$0x8170];
	_ =	sdelay $0x3  }
0x154: {  	v55 =	vld [tilespmem:$0x8370]  }
0x155: {  	v56 =	vsub.f32 v57, v1;
	v4 =	vmul.f32 v4, v0;
	_ =	sdelay $0x1  }
0x156: {  	v4 =	vmul.f32 v4, v56;
	_ =	sdelay $0x1  }
0x157: {  	v4 =	vadd.f32 v4, v55;
	_ =	sdelay $0x1  }
0x158: {  	[tilespmem:v26+s25+$0x0] =	vst.idx.msk $0xffff, v4  }
0x159: {  	v4 =	vld [tilespmem:$0x8180];
	_ =	sdelay $0x3  }
0x15a: {  	v57 =	vld [tilespmem:$0x8380]  }
0x15b: {  	v58 =	vsub.f32 v58, v1;
	v4 =	vmul.f32 v4, v0;
	_ =	sdelay $0x1  }
0x15c: {  	v4 =	vmul.f32 v4, v58;
	_ =	sdelay $0x1  }
0x15d: {  	v4 =	vadd.f32 v4, v57;
	_ =	sdelay $0x1  }
0x15e: {  	[tilespmem:v33+s25+$0x0] =	vst.idx.msk $0xffff, v4  }
0x15f: {  	v4 =	vld [tilespmem:$0x8190];
	_ =	sdelay $0x3  }
0x160: {  	v59 =	vld [tilespmem:$0x8390]  }
0x161: {  	v60 =	vsub.f32 v11, v1;
	v4 =	vmul.f32 v4, v0;
	_ =	sdelay $0x1  }
0x162: {  	v4 =	vmul.f32 v4, v60;
	_ =	sdelay $0x1  }
0x163: {  	v4 =	vadd.f32 v4, v59;
	_ =	sdelay $0x1  }
0x164: {  	[tilespmem:v41+s25+$0x0] =	vst.idx.msk $0xffff, v4  }
0x165: {  	v4 =	vld [tilespmem:$0x81A0];
	_ =	sdelay $0x3  }
0x166: {  	v61 =	vld [tilespmem:$0x83A0]  }
0x167: {  	v5 =	vsub.f32 v5, v1;
	v4 =	vmul.f32 v4, v0;
	_ =	sdelay $0x1  }
0x168: {  	v4 =	vmul.f32 v4, v5;
	_ =	sdelay $0x1  }
0x169: {  	v4 =	vadd.f32 v4, v61;
	_ =	sdelay $0x1  }
0x16a: {  	[tilespmem:v44+s25+$0x0] =	vst.idx.msk $0xffff, v4  }
0x16b: {  	v4 =	vld [tilespmem:$0x81B0];
	_ =	sdelay $0x3  }
0x16c: {  	v5 =	vld [tilespmem:$0x83B0]  }
0x16d: {  	v3 =	vsub.f32 v3, v1;
	v4 =	vmul.f32 v4, v0;
	_ =	sdelay $0x1  }
0x16e: {  	v3 =	vmul.f32 v4, v3;
	_ =	sdelay $0x1  }
0x16f: {  	v3 =	vadd.f32 v3, v5;
	_ =	sdelay $0x1  }
0x170: {  	[tilespmem:v42+s25+$0x0] =	vst.idx.msk $0xffff, v3  }
0x171: {  	v3 =	vld [tilespmem:$0x81C0];
	_ =	sdelay $0x3  }
0x172: {  	v4 =	vld [tilespmem:$0x83C0]  }
0x173: {  	v2 =	vsub.f32 v2, v1;
	v3 =	vmul.f32 v3, v0;
	_ =	sdelay $0x1  }
0x174: {  	v2 =	vmul.f32 v3, v2;
	_ =	sdelay $0x1  }
0x175: {  	v2 =	vadd.f32 v2, v4;
	_ =	sdelay $0x1  }
0x176: {  	[tilespmem:v10+s25+$0x0] =	vst.idx.msk $0xffff, v2  }
0x177: {  	v2 =	vld [tilespmem:$0x81D0];
	_ =	sdelay $0x3  }
0x178: {  	v3 =	vld [tilespmem:$0x83D0]  }
0x179: {  	v4 =	vsub.f32 v63, v1;
	v2 =	vmul.f32 v2, v0;
	_ =	sdelay $0x1  }
0x17a: {  	v2 =	vmul.f32 v2, v4;
	_ =	sdelay $0x1  }
0x17b: {  	v2 =	vadd.f32 v2, v3;
	_ =	sdelay $0x1  }
0x17c: {  	[tilespmem:v48+s25+$0x0] =	vst.idx.msk $0xffff, v2  }
0x17d: {  	v2 =	vld [tilespmem:$0x81E0];
	_ =	sdelay $0x3  }
0x17e: {  	v3 =	vld [tilespmem:$0x83E0]  }
0x17f: {  	v4 =	vsub.f32 v62, v1;
	v2 =	vmul.f32 v2, v0;
	_ =	sdelay $0x1  }
0x180: {  	v2 =	vmul.f32 v2, v4;
	_ =	sdelay $0x1  }
0x181: {  	v2 =	vadd.f32 v2, v3;
	_ =	sdelay $0x1  }
0x182: {  	[tilespmem:v49+s25+$0x0] =	vst.idx.msk $0xffff, v2  }
0x183: {  	v2 =	vld [tilespmem:$0x81F0];
	_ =	sdelay $0x3  }
0x184: {  	v3 =	vld [tilespmem:$0x83F0]  }
0x185: {  	v1 =	vsub.f32 v30, v1;
	v0 =	vmul.f32 v2, v0  }
0x186: {  	p0 =	sne.s32 s22, $0x70  }
.Ltmp2:
0x187: {  	v0 =	vmul.f32 v0, v1;
	(pc) =	sbr.rel @p0 .LBB2_3-.Ltmp2, $3  }
0x188: {  	_ = 	snop  }
0x189: {  	v0 =	vadd.f32 v0, v3;
	_ =	sdelay $0x1  }
0x18a: {  	s6 =	sadd.s32 $0x10, s6;
	s22 =	sadd.s32 $0x10, s22;
	v3 =	vld [tilespmem:$0x1FFF0];
	[tilespmem:v6+s25+$0x0] =	vst.idx.msk $0xffff, v0  }
0x18b: {  	s6 =	sshll.u32 s18, $0xD  }
0x18c: {  	s6 =	sadd.s32 s12, s6  }
0x18d: {  	s6 =	sshrl.u32 s6, $0x3  }
0x18e: {  	p0 =	seq.s32 s18, $0x63;
	s6 =	sadd.s32 s2, s6  }
0x18f: {  	[hbm4b:s6+s3] =	stream.linear.scatter [tilespmem:s25], [sflag:$0x5], $0x1000, $0x38;
	[tilespmem:$0xA700] =	vst v63  }
0x190: {  	s6 =	sshll.u32 @!p0 s18, $0x8  }
0x191: {  	s22 =	simm.s32 @!p0 $0x80;
	s19 =	sor.u32 @!p0 $0x1, s19;
	s6 =	sadd.s32 @!p0 s6, s13  }
0x192: {  	s7 =	simm.s32 @!p0 $0xC8000;
	p1 =	sgt.u32 @!p0 s19, $0xC6;
	s6 =	sshrl.u32 @!p0 s6, $0x3  }
0x193: {  	s8 =	simm.s32 @!p0 $0x8400;
	p1 =	por p1, p0;
	s6 =	sadd.s32 @!p0 s4, s6  }
0x194: {  	[tilespmem:s8], [sflag:$0x1] =	stream.strided.gather @!p0 [hbm4b:s6+s22], $0x180, s7, s22, $0x38;
	[tilespmem:$0xA700] =	vst v63  }
0x195: {  	s6 =	simm.s32 @!p1 $0x1  }
0x196: {  	_ =	swait.ge @!p1 [sflag:s6], $0x180  }
0x197: {  	[sflag:s6] =	ssyncset.done @!p1 $0x0  }
0x198: {  	[sflag:s6] =	ssyncadd.s32 @!p1 $0xFFFFFE80;
	s6 =	simm.s32 @!p1 $0x5  }
0x199: {  	_ =	swait.ge @!p1 [sflag:s6], $0x1000  }
0x19a: {  	s7 =	simm.s32 @!p1 $0x8400;
	[sflag:s6] =	ssyncset.done @!p1 $0x0  }
0x19b: {  	s8 =	simm.s32 @!p1 $0x8700;
	[sflag:s6] =	ssyncadd.s32 @!p1 $0xFFFFF000;
	s6 =	simm.s32 @!p1 $0x80  }
0x19c: {  	[tilespmem:s8], [sflag:$0x3] =	stream.indirect.gather @!p1 [hbm4b:s5+s6], $0x20, s7, s6, $0xb8;
	[tilespmem:$0xA700] =	vst v63  }
0x19d: {  	_ =	swait.ge [sflag:s30], $0x1000  }
0x19e: {  	s19 =	simm.s32 @p0 $0xC7;
	[sflag:s30] =	ssyncset.done $0x0  }
0x19f: {  	s22 =	simm.s32 $0x0;
	s6 =	simm.s32 $0x8680;
	[sflag:s30] =	ssyncadd.s32 $0xFFFFF000  }
.LBB2_5:
0x1a0: {  	v0 =	vld [tilespmem:s6+$0xFFFFFF80]  }
0x1a1: {  	v1 =	vld [tilespmem:s6+$0x0]  }
0x1a2: {  	v2 =	vmov s22  }
0x1a3: {  	v2 =	vshll.u32 v2, $0x5  }
0x1a4: {  	v12 =	vor.u32 v3, v2  }
0x1a5: {  	v35 =	vshll.u32 v0, $0x5  }
0x1a6: {  	v30 =	vshll.u32 v1, $0x5  }
0x1a7: {  	v5 =	vor.u32 $0x1, v12  }
0x1a8: {  	v6 =	vor.u32 $0x2, v12  }
0x1a9: {  	v8 =	vor.u32 $0x3, v12;
	v1 =	vld.idx.msk [tilespmem:v12+s28+$0x0], $0xffff  }
0x1aa: {  	v43 =	vor.u32 $0x4, v12;
	v3 =	vld.idx.msk [tilespmem:v35+s3+$0x0], $0xffff  }
0x1ab: {  	v0 =	vor.u32 $0x1, v35;
	v7 =	vld.idx.msk [tilespmem:v30+s17+$0x0], $0xffff  }
0x1ac: {  	v2 =	vor.u32 $0x1, v30;
	v11 =	vld.idx.msk [tilespmem:v5+s28+$0x0], $0xffff  }
0x1ad: {  	v4 =	vor.u32 $0x2, v35;
	v14 =	vld.idx.msk [tilespmem:v6+s28+$0x0], $0xffff  }
0x1ae: {  	v13 =	vor.u32 $0x3, v35;
	v18 =	vld.idx.msk [tilespmem:v8+s28+$0x0], $0xffff  }
0x1af: {  	v15 =	vor.u32 $0x3, v30;
	v21 =	vld.idx.msk [tilespmem:v43+s28+$0x0], $0xffff  }
0x1b0: {  	v19 =	vor.u32 $0x4, v30;
	v0 =	vld.idx.msk [tilespmem:v0+s3+$0x0], $0xffff  }
0x1b1: {  	v20 =	vor.u32 $0x5, v35;
	v2 =	vld.idx.msk [tilespmem:v2+s17+$0x0], $0xffff  }
0x1b2: {  	v22 =	vor.u32 $0x5, v30;
	v16 =	vld.idx.msk [tilespmem:v4+s3+$0x0], $0xffff  }
0x1b3: {  	v24 =	vor.u32 $0x6, v35;
	v13 =	vld.idx.msk [tilespmem:v13+s3+$0x0], $0xffff  }
0x1b4: {  	v25 =	vor.u32 $0x6, v30;
	v15 =	vld.idx.msk [tilespmem:v15+s17+$0x0], $0xffff  }
0x1b5: {  	v27 =	vor.u32 $0x7, v35;
	v19 =	vld.idx.msk [tilespmem:v19+s17+$0x0], $0xffff  }
0x1b6: {  	v44 =	vor.u32 $0x8, v35;
	v20 =	vld.idx.msk [tilespmem:v20+s3+$0x0], $0xffff  }
0x1b7: {  	v45 =	vor.u32 $0x9, v35;
	v22 =	vld.idx.msk [tilespmem:v22+s17+$0x0], $0xffff  }
0x1b8: {  	v49 =	vor.u32 $0xA, v35;
	v33 =	vld.idx.msk [tilespmem:v24+s3+$0x0], $0xffff  }
0x1b9: {  	v54 =	vor.u32 $0xB, v35;
	v34 =	vld.idx.msk [tilespmem:v25+s17+$0x0], $0xffff  }
0x1ba: {  	v41 =	vor.u32 $0xC, v35;
	v37 =	vld.idx.msk [tilespmem:v27+s3+$0x0], $0xffff  }
0x1bb: {  	[tilespmem:$0x1FE90] =	vst v5;
	v5 =	vor.u32 $0x2, v30;
	v38 =	vld.idx.msk [tilespmem:v44+s3+$0x0], $0xffff  }
0x1bc: {  	[tilespmem:$0x1FEC0] =	vst v43;
	v43 =	vor.u32 $0xC, v30;
	v39 =	vld.idx.msk [tilespmem:v45+s3+$0x0], $0xffff  }
0x1bd: {  	v4 =	vor.u32 $0x4, v35;
	v58 =	vld.idx.msk [tilespmem:v49+s3+$0x0], $0xffff  }
0x1be: {  	v57 =	vor.u32 $0xB, v30;
	v9 =	vld.idx.msk [tilespmem:v54+s3+$0x0], $0xffff  }
0x1bf: {  	v28 =	vor.u32 $0x7, v30;
	v41 =	vld.idx.msk [tilespmem:v41+s3+$0x0], $0xffff  }
0x1c0: {  	v17 =	vld.idx.msk [tilespmem:v5+s17+$0x0], $0xffff;
	v5 =	vor.u32 $0x5, v12  }
0x1c1: {  	v29 =	vor.u32 $0x8, v30;
	v1 =	vadd.f32 v3, v1;
	v43 =	vld.idx.msk [tilespmem:v43+s17+$0x0], $0xffff  }
0x1c2: {  	v3 =	vor.u32 $0x9, v12;
	v23 =	vld.idx.msk [tilespmem:v4+s3+$0x0], $0xffff;
	v0 =	vadd.f32 v0, v11  }
0x1c3: {  	v4 =	vor.u32 $0x6, v12;
	v11 =	vld.idx.msk [tilespmem:v57+s17+$0x0], $0xffff;
	v27 =	vadd.f32 v7, v1  }
0x1c4: {  	v46 =	vor.u32 $0x9, v30;
	v1 =	vld.idx.msk [tilespmem:v28+s17+$0x0], $0xffff;
	v24 =	vadd.f32 v2, v0;
	v0 =	vadd.f32 v16, v14  }
0x1c5: {  	[tilespmem:$0x1FEA0] =	vst v6;
	v6 =	vor.u32 $0xE, v30;
	v13 =	vadd.f32 v13, v18;
	v26 =	vld.idx.msk [tilespmem:v5+s28+$0x0], $0xffff  }
0x1c6: {  	v63 =	vor.u32 $0xE, v35;
	v25 =	vadd.f32 v17, v0;
	v0 =	vld.idx.msk [tilespmem:v29+s17+$0x0], $0xffff  }
0x1c7: {  	v31 =	vor.u32 $0xA, v30;
	v28 =	vadd.f32 v15, v13;
	v13 =	vor.u32 $0xC, v12;
	v50 =	vld.idx.msk [tilespmem:v3+s28+$0x0], $0xffff  }
0x1c8: {  	[tilespmem:$0x1FED0] =	vst v5;
	v47 =	vmul.f32 v27, v27;
	v51 =	vadd.f32 $0.0e+00, v27;
	v5 =	vor.u32 $0x7, v12;
	v32 =	vld.idx.msk [tilespmem:v4+s28+$0x0], $0xffff  }
0x1c9: {  	[tilespmem:$0x1FF10] =	vst v3;
	v48 =	vmul.f32 v24, v24;
	v3 =	vor.u32 $0xB, v12;
	v53 =	vadd.f32 v23, v21;
	v21 =	vld.idx.msk [tilespmem:v46+s17+$0x0], $0xffff  }
0x1ca: {  	v59 =	vor.u32 $0xD, v35;
	v45 =	vor.u32 $0xD, v30;
	[tilespmem:$0x1FEE0] =	vst v4;
	v4 =	vor.u32 $0x8, v12;
	v23 =	vld.idx.msk [tilespmem:v6+s17+$0x0], $0xffff  }
0x1cb: {  	v54 =	vor.u32 $0xF, v30;
	v17 =	vadd.f32 v24, v51;
	v16 =	vadd.f32 v48, v47;
	v48 =	vld.idx.msk [tilespmem:v63+s3+$0x0], $0xffff  }
0x1cc: {  	v57 =	vor.u32 $0x10, v35;
	v14 =	vor.u32 $0xD, v12;
	v52 =	vmul.f32 v25, v25;
	v60 =	vld.idx.msk [tilespmem:v13+s28+$0x0], $0xffff  }
0x1cd: {  	v40 =	vmul.f32 v28, v28;
	v51 =	vor.u32 $0x11, v30;
	v17 =	vadd.f32 v25, v17;
	v36 =	vld.idx.msk [tilespmem:v5+s28+$0x0], $0xffff  }
0x1ce: {  	v29 =	vadd.f32 v19, v53;
	v55 =	vadd.f32 v52, v16;
	v16 =	vor.u32 $0xF, v12;
	v42 =	vld.idx.msk [tilespmem:v3+s28+$0x0], $0xffff  }
0x1cf: {  	[tilespmem:$0x1FF00] =	vst v4;
	v20 =	vadd.f32 v20, v26;
	v17 =	vadd.f32 v28, v17;
	v2 =	vld.idx.msk [tilespmem:v4+s28+$0x0], $0xffff;
	v4 =	vor.u32 $0xA, v12  }
0x1d0: {  	v52 =	vld.idx.msk [tilespmem:v31+s17+$0x0], $0xffff;
	v7 =	vmul.f32 v29, v29;
	v18 =	vadd.f32 v39, v50;
	v15 =	vadd.f32 v40, v55  }
0x1d1: {  	[tilespmem:$0x1FEB0] =	vst v8;
	v26 =	vld.idx.msk [tilespmem:v54+s17+$0x0], $0xffff;
	v8 =	vadd.f32 v33, v32;
	v53 =	vadd.f32 v29, v17;
	v17 =	vor.u32 $0x10, v12  }
0x1d2: {  	v6 =	vor.u32 $0x13, v35;
	v31 =	vadd.f32 v22, v20;
	v10 =	vadd.f32 v7, v15;
	v7 =	vld.idx.msk [tilespmem:v59+s3+$0x0], $0xffff  }
0x1d3: {  	v19 =	vor.u32 $0x12, v12;
	v32 =	vadd.f32 v34, v8;
	v59 =	vld.idx.msk [tilespmem:v16+s28+$0x0], $0xffff;
	v61 =	vadd.f32 v37, v36  }
0x1d4: {  	v15 =	vor.u32 $0xE, v12;
	v44 =	vmul.f32 v31, v31;
	v22 =	vadd.f32 v9, v42;
	v56 =	vld.idx.msk [tilespmem:v4+s28+$0x0], $0xffff  }
0x1d5: {  	v8 =	vor.u32 $0x10, v30;
	v34 =	vadd.f32 v1, v61;
	v1 =	vadd.f32 v38, v2;
	v2 =	vld.idx.msk [tilespmem:v14+s28+$0x0], $0xffff  }
0x1d6: {  	v62 =	vmul.f32 v32, v32;
	v9 =	vor.u32 $0x11, v35;
	v33 =	vadd.f32 v44, v10;
	v50 =	vld.idx.msk [tilespmem:v17+s28+$0x0], $0xffff  }
0x1d7: {  	v20 =	vadd.f32 v41, v60;
	v39 =	vadd.f32 v11, v22;
	v11 =	vld.idx.msk [tilespmem:v57+s3+$0x0], $0xffff;
	v61 =	vor.u32 $0x12, v35  }
0x1d8: {  	v37 =	vadd.f32 v21, v18;
	v18 =	vor.u32 $0x11, v12;
	v57 =	vld.idx.msk [tilespmem:v6+s3+$0x0], $0xffff;
	v33 =	vadd.f32 v62, v33  }
0x1d9: {  	v46 =	vmul.f32 v34, v34;
	v36 =	vadd.f32 v0, v1;
	v0 =	vld.idx.msk [tilespmem:v45+s17+$0x0], $0xffff;
	v1 =	vor.u32 $0xF, v35  }
0x1da: {  	v40 =	vadd.f32 v43, v20;
	v20 =	vor.u32 $0x13, v12;
	v49 =	vmul.f32 v37, v37;
	v47 =	vld.idx.msk [tilespmem:v15+s28+$0x0], $0xffff  }
0x1db: {  	v42 =	vld.idx.msk [tilespmem:v9+s3+$0x0], $0xffff;
	v33 =	vadd.f32 v46, v33;
	v55 =	vmul.f32 v36, v36;
	v56 =	vadd.f32 v58, v56  }
0x1dc: {  	v58 =	vadd.f32 v31, v53;
	v53 =	vor.u32 $0x12, v30;
	v2 =	vadd.f32 v7, v2;
	v9 =	vld.idx.msk [tilespmem:v61+s3+$0x0], $0xffff  }
0x1dd: {  	v63 =	vmul.f32 v40, v40;
	v33 =	vadd.f32 v55, v33;
	v38 =	vadd.f32 v52, v56;
	v52 =	vld.idx.msk [tilespmem:v18+s28+$0x0], $0xffff  }
0x1de: {  	v7 =	vor.u32 $0x13, v30;
	v21 =	vadd.f32 v32, v58;
	v1 =	vld.idx.msk [tilespmem:v1+s3+$0x0], $0xffff;
	v43 =	vadd.f32 v0, v2  }
0x1df: {  	v0 =	vadd.f32 v48, v47;
	v2 =	vld.idx.msk [tilespmem:v19+s28+$0x0], $0xffff;
	v33 =	vadd.f32 v49, v33;
	v10 =	vmul.f32 v38, v38  }
0x1e0: {  	v62 =	vmul.f32 v39, v39;
	v55 =	vor.u32 $0x14, v30;
	v21 =	vadd.f32 v34, v21;
	v49 =	vld.idx.msk [tilespmem:v51+s17+$0x0], $0xffff  }
0x1e1: {  	v54 =	vmul.f32 v43, v43;
	v45 =	vadd.f32 v23, v0;
	v0 =	vld.idx.msk [tilespmem:v53+s17+$0x0], $0xffff;
	v60 =	vadd.f32 v10, v33  }
0x1e2: {  	v53 =	vld.idx.msk [tilespmem:v20+s28+$0x0], $0xffff;
	v23 =	vor.u32 $0x16, v12;
	v21 =	vadd.f32 v36, v21;
	v10 =	vor.u32 $0x14, v35  }
0x1e3: {  	v41 =	vld.idx.msk [tilespmem:v7+s17+$0x0], $0xffff;
	v7 =	vor.u32 $0x16, v35;
	v42 =	vadd.f32 v42, v52;
	v22 =	vadd.f32 v62, v60  }
0x1e4: {  	v33 =	vld.idx.msk [tilespmem:v8+s17+$0x0], $0xffff;
	v56 =	vmul.f32 v45, v45;
	v8 =	vadd.f32 v37, v21;
	v1 =	vadd.f32 v1, v59  }
0x1e5: {  	v21 =	vor.u32 $0x14, v12;
	v2 =	vadd.f32 v9, v2;
	v51 =	vadd.f32 v49, v42  }
0x1e6: {  	v62 =	vor.u32 $0x15, v30;
	v22 =	vadd.f32 v63, v22;
	v48 =	vadd.f32 v38, v8  }
0x1e7: {  	v47 =	vld.idx.msk [tilespmem:v55+s17+$0x0], $0xffff;
	v59 =	vor.u32 $0x16, v30;
	v46 =	vadd.f32 v26, v1;
	v1 =	vadd.f32 v11, v50  }
0x1e8: {  	[tilespmem:$0x1FF30] =	vst v3;
	v11 =	vor.u32 $0x15, v35;
	v26 =	vor.u32 $0x17, v12;
	v3 =	vld.idx.msk [tilespmem:v23+s28+$0x0], $0xffff;
	v54 =	vadd.f32 v54, v22  }
0x1e9: {  	v53 =	vadd.f32 v57, v53;
	v57 =	vld.idx.msk [tilespmem:v7+s3+$0x0], $0xffff;
	v22 =	vor.u32 $0x15, v12;
	v60 =	vadd.f32 v39, v48  }
0x1ea: {  	v63 =	vmul.f32 v46, v46;
	v50 =	vadd.f32 v33, v1;
	v1 =	vld.idx.msk [tilespmem:v10+s3+$0x0], $0xffff;
	v61 =	vadd.f32 v56, v54  }
0x1eb: {  	v52 =	vadd.f32 v0, v2;
	v2 =	vor.u32 $0x17, v30;
	v54 =	vld.idx.msk [tilespmem:v21+s28+$0x0], $0xffff;
	v6 =	vadd.f32 v40, v60  }
0x1ec: {  	v10 =	vor.u32 $0x17, v35;
	v59 =	vld.idx.msk [tilespmem:v59+s17+$0x0], $0xffff;
	v8 =	vmul.f32 v50, v50;
	v48 =	vadd.f32 v63, v61  }
0x1ed: {  	v0 =	vor.u32 $0x1A, v30;
	v7 =	vmul.f32 v52, v52;
	v42 =	vld.idx.msk [tilespmem:v11+s3+$0x0], $0xffff;
	v33 =	vadd.f32 v43, v6  }
0x1ee: {  	v11 =	vmul.f32 v51, v51;
	v6 =	vor.u32 $0x18, v35;
	v58 =	vld.idx.msk [tilespmem:v22+s28+$0x0], $0xffff;
	v9 =	vadd.f32 v8, v48  }
0x1ef: {  	v53 =	vadd.f32 v41, v53;
	v61 =	vld.idx.msk [tilespmem:v26+s28+$0x0], $0xffff;
	v60 =	vadd.f32 v45, v33;
	v33 =	vor.u32 $0x18, v12  }
0x1f0: {  	v48 =	vld.idx.msk [tilespmem:v62+s17+$0x0], $0xffff;
	v8 =	vor.u32 $0x18, v30;
	v1 =	vadd.f32 v1, v54;
	v44 =	vadd.f32 v11, v9  }
0x1f1: {  	v41 =	vor.u32 $0x19, v12;
	v49 =	vld.idx.msk [tilespmem:v10+s3+$0x0], $0xffff;
	v60 =	vadd.f32 v46, v60;
	v9 =	vor.u32 $0x19, v35  }
0x1f2: {  	v62 =	vmul.f32 v53, v53;
	v54 =	vadd.f32 v47, v1;
	v1 =	vld.idx.msk [tilespmem:v2+s17+$0x0], $0xffff;
	v44 =	vadd.f32 v7, v44  }
0x1f3: {  	v3 =	vadd.f32 v57, v3;
	v2 =	vor.u32 $0x19, v30;
	v42 =	vadd.f32 v42, v58;
	v58 =	vld.idx.msk [tilespmem:v6+s3+$0x0], $0xffff  }
0x1f4: {  	v10 =	vadd.f32 v50, v60;
	v11 =	vmul.f32 v54, v54;
	v63 =	vld.idx.msk [tilespmem:v33+s28+$0x0], $0xffff;
	v44 =	vadd.f32 v62, v44  }
0x1f5: {  	v56 =	vadd.f32 v59, v3;
	v60 =	vor.u32 $0x1A, v35;
	v55 =	vadd.f32 v48, v42;
	v48 =	vld.idx.msk [tilespmem:v8+s17+$0x0], $0xffff  }
0x1f6: {  	v47 =	vor.u32 $0x1B, v35;
	v62 =	vld.idx.msk [tilespmem:v9+s3+$0x0], $0xffff;
	v42 =	vadd.f32 v11, v44;
	v44 =	vadd.f32 v51, v10  }
0x1f7: {  	v6 =	vor.u32 $0x1B, v30;
	v49 =	vadd.f32 v49, v61;
	v9 =	vld.idx.msk [tilespmem:v0+s17+$0x0], $0xffff;
	v3 =	vmul.f32 v55, v55  }
0x1f8: {  	v0 =	vmul.f32 v56, v56;
	v8 =	vld.idx.msk [tilespmem:v2+s17+$0x0], $0xffff;
	v7 =	vadd.f32 v52, v44;
	v44 =	vor.u32 $0x1A, v12  }
0x1f9: {  	v57 =	vadd.f32 v1, v49;
	v49 =	vld.idx.msk [tilespmem:v41+s28+$0x0], $0xffff;
	v3 =	vadd.f32 v3, v42;
	v42 =	vor.u32 $0x1B, v12  }
0x1fa: {  	v61 =	vor.u32 $0x1C, v35;
	v60 =	vld.idx.msk [tilespmem:v60+s3+$0x0], $0xffff;
	v1 =	vadd.f32 v53, v7  }
0x1fb: {  	v2 =	vadd.f32 v0, v3;
	v3 =	vadd.f32 v58, v63;
	v63 =	vld.idx.msk [tilespmem:v47+s3+$0x0], $0xffff;
	v47 =	vor.u32 $0x1C, v30  }
0x1fc: {  	v59 =	vld.idx.msk [tilespmem:v6+s17+$0x0], $0xffff;
	v6 =	vor.u32 $0x1D, v35;
	v0 =	vmul.f32 v57, v57;
	v1 =	vadd.f32 v54, v1  }
0x1fd: {  	v10 =	vor.u32 $0x1C, v12;
	v58 =	vadd.f32 v48, v3;
	v3 =	vld.idx.msk [tilespmem:v44+s28+$0x0], $0xffff  }
0x1fe: {  	[tilespmem:$0x1FEF0] =	vst v5;
	v5 =	vor.u32 $0x1D, v30;
	v0 =	vadd.f32 v0, v2;
	v2 =	vld.idx.msk [tilespmem:v42+s28+$0x0], $0xffff;
	v1 =	vadd.f32 v55, v1  }
0x1ff: {  	v49 =	vadd.f32 v62, v49;
	v62 =	vld.idx.msk [tilespmem:v61+s3+$0x0], $0xffff;
	v48 =	vor.u32 $0x1D, v12;
	v11 =	vmul.f32 v58, v58  }
0x200: {  	v7 =	vor.u32 $0x1E, v35;
	v47 =	vld.idx.msk [tilespmem:v47+s17+$0x0], $0xffff;
	v1 =	vadd.f32 v56, v1  }
0x201: {  	[tilespmem:$0x1FF20] =	vst v4;
	v4 =	vadd.f32 v11, v0;
	v11 =	vadd.f32 v8, v49;
	v8 =	vld.idx.msk [tilespmem:v6+s3+$0x0], $0xffff;
	v49 =	vor.u32 $0x1E, v12  }
0x202: {  	v35 =	vor.u32 $0x1F, v35;
	v3 =	vadd.f32 v60, v3;
	v1 =	vadd.f32 v57, v1;
	v60 =	vld.idx.msk [tilespmem:v10+s28+$0x0], $0xffff  }
0x203: {  	v61 =	vor.u32 $0x1E, v30;
	v2 =	vadd.f32 v63, v2;
	v63 =	vld.idx.msk [tilespmem:v5+s17+$0x0], $0xffff;
	v0 =	vmul.f32 v11, v11  }
0x204: {  	v6 =	vor.u32 $0x1F, v12;
	v5 =	vadd.f32 v9, v3;
	v1 =	vadd.f32 v58, v1;
	v9 =	vld.idx.msk [tilespmem:v48+s28+$0x0], $0xffff  }
0x205: {  	v0 =	vadd.f32 v0, v4;
	v3 =	vadd.f32 v59, v2;
	v4 =	vld.idx.msk [tilespmem:v7+s3+$0x0], $0xffff  }
0x206: {  	v7 =	vor.u32 $0x1F, v30;
	v30 =	vld.idx.msk [tilespmem:v49+s28+$0x0], $0xffff;
	v1 =	vadd.f32 v11, v1;
	v2 =	vmul.f32 v5, v5  }
0x207: {  	v35 =	vld.idx.msk [tilespmem:v35+s3+$0x0], $0xffff;
	v59 =	vadd.f32 v62, v60  }
0x208: {  	v60 =	vld.idx.msk [tilespmem:v61+s17+$0x0], $0xffff;
	v61 =	vmul.f32 v3, v3;
	v0 =	vadd.f32 v2, v0;
	v1 =	vadd.f32 v5, v1  }
0x209: {  	v2 =	vadd.f32 v47, v59;
	v8 =	vadd.f32 v8, v9;
	v47 =	vld.idx.msk [tilespmem:v6+s28+$0x0], $0xffff  }
0x20a: {  	v0 =	vadd.f32 v61, v0;
	v1 =	vadd.f32 v3, v1  }
0x20b: {  	v7 =	vld.idx.msk [tilespmem:v7+s17+$0x0], $0xffff;
	v4 =	vadd.f32 v4, v30;
	v63 =	vadd.f32 v63, v8;
	v59 =	vmul.f32 v2, v2  }
0x20c: {  	v1 =	vadd.f32 v2, v1  }
0x20d: {  	v62 =	vadd.f32 v60, v4;
	v0 =	vadd.f32 v59, v0;
	v4 =	vmul.f32 v63, v63  }
0x20e: {  	v60 =	vadd.f32 v35, v47;
	v1 =	vadd.f32 v63, v1  }
0x20f: {  	v0 =	vadd.f32 v4, v0  }
0x210: {  	v4 =	vmul.f32 v62, v62;
	v30 =	vadd.f32 v7, v60;
	v1 =	vadd.f32 v62, v1;
	_ =	sdelay $0x1  }
0x211: {  	v0 =	vadd.f32 v4, v0;
	v1 =	vadd.f32 v30, v1;
	v4 =	vmul.f32 v30, v30;
	_ =	sdelay $0x1  }
0x212: {  	v0 =	vadd.f32 v4, v0;
	v1 =	vmul.f32 $3.125000000e-02, v1;
	_ =	sdelay $0x1  }
0x213: {  	v0 =	vmul.f32 $3.125000000e-02, v0;
	v4 =	vmul.f32 v1, v1;
	_ =	sdelay $0x1  }
0x214: {  	v0 =	vsub.f32 v0, v4;
	_ =	sdelay $0x1  }
0x215: {  	v0 =	vadd.f32 $9.999999740e-06, v0;
	_ =	sdelay $0x1  }
0x216: {  	v4 =	vshra.s32 v0, $0x1;
	v0 =	vmul.f32 $5.000000000e-01, v0  }
0x217: {  	v4 =	vsub.s32 $0x5F3759DF, v4  }
0x218: {  	v61 =	vmul.f32 v4, v0;
	_ =	sdelay $0x1  }
0x219: {  	v7 =	vmul.f32 v4, v61;
	_ =	sdelay $0x1  }
0x21a: {  	v7 =	vsub.f32 $1.500000000e+00, v7;
	_ =	sdelay $0x1  }
0x21b: {  	v4 =	vmul.f32 v4, v7;
	_ =	sdelay $0x1  }
0x21c: {  	v7 =	vmul.f32 v4, v0;
	_ =	sdelay $0x1  }
0x21d: {  	v7 =	vmul.f32 v7, v4;
	_ =	sdelay $0x1  }
0x21e: {  	v7 =	vsub.f32 $1.500000000e+00, v7;
	_ =	sdelay $0x1  }
0x21f: {  	v4 =	vmul.f32 v7, v4;
	_ =	sdelay $0x1  }
0x220: {  	v0 =	vmul.f32 v4, v0;
	_ =	sdelay $0x1  }
0x221: {  	v0 =	vmul.f32 v0, v4  }
0x222: {  	v9 =	vld [tilespmem:$0x8000]  }
0x223: {  	v0 =	vsub.f32 $1.500000000e+00, v0;
	_ =	sdelay $0x1  }
0x224: {  	v0 =	vmul.f32 v0, v4  }
0x225: {  	v4 =	vld [tilespmem:$0x8200]  }
0x226: {  	v35 =	vsub.f32 v27, v1;
	v7 =	vmul.f32 v0, v9;
	_ =	sdelay $0x1  }
0x227: {  	v7 =	vmul.f32 v7, v35;
	_ =	sdelay $0x1  }
0x228: {  	v4 =	vadd.f32 v7, v4;
	_ =	sdelay $0x1  }
0x229: {  	[tilespmem:v12+s28+$0x0] =	vst.idx.msk $0xffff, v4  }
0x22a: {  	v4 =	vld [tilespmem:$0x8010];
	_ =	sdelay $0x2  }
0x22b: {  	v60 =	vld [tilespmem:$0x1FE90]  }
0x22c: {  	v47 =	vld [tilespmem:$0x8210]  }
0x22d: {  	v59 =	vsub.f32 v24, v1;
	v4 =	vmul.f32 v0, v4;
	_ =	sdelay $0x1  }
0x22e: {  	v4 =	vmul.f32 v4, v59;
	_ =	sdelay $0x1  }
0x22f: {  	v4 =	vadd.f32 v4, v47;
	_ =	sdelay $0x1  }
0x230: {  	[tilespmem:v60+s28+$0x0] =	vst.idx.msk $0xffff, v4  }
0x231: {  	v4 =	vld [tilespmem:$0x8020];
	_ =	sdelay $0x2  }
0x232: {  	v9 =	vld [tilespmem:$0x1FEA0]  }
0x233: {  	v7 =	vld [tilespmem:$0x8220]  }
0x234: {  	v61 =	vsub.f32 v25, v1;
	v4 =	vmul.f32 v0, v4;
	_ =	sdelay $0x1  }
0x235: {  	v4 =	vmul.f32 v4, v61;
	_ =	sdelay $0x1  }
0x236: {  	v4 =	vadd.f32 v4, v7;
	_ =	sdelay $0x1  }
0x237: {  	[tilespmem:v9+s28+$0x0] =	vst.idx.msk $0xffff, v4  }
0x238: {  	v4 =	vld [tilespmem:$0x8030];
	_ =	sdelay $0x2  }
0x239: {  	v24 =	vld [tilespmem:$0x1FEB0]  }
0x23a: {  	v7 =	vld [tilespmem:$0x8230]  }
0x23b: {  	v12 =	vsub.f32 v28, v1;
	v4 =	vmul.f32 v0, v4;
	_ =	sdelay $0x1  }
0x23c: {  	v4 =	vmul.f32 v4, v12;
	_ =	sdelay $0x1  }
0x23d: {  	v4 =	vadd.f32 v4, v7;
	_ =	sdelay $0x1  }
0x23e: {  	[tilespmem:v24+s28+$0x0] =	vst.idx.msk $0xffff, v4  }
0x23f: {  	v4 =	vld [tilespmem:$0x8040];
	_ =	sdelay $0x2  }
0x240: {  	v27 =	vld [tilespmem:$0x1FEC0]  }
0x241: {  	v7 =	vld [tilespmem:$0x8240]  }
0x242: {  	v25 =	vsub.f32 v29, v1;
	v4 =	vmul.f32 v0, v4;
	_ =	sdelay $0x1  }
0x243: {  	v4 =	vmul.f32 v4, v25;
	_ =	sdelay $0x1  }
0x244: {  	v4 =	vadd.f32 v4, v7;
	_ =	sdelay $0x1  }
0x245: {  	[tilespmem:v27+s28+$0x0] =	vst.idx.msk $0xffff, v4  }
0x246: {  	v4 =	vld [tilespmem:$0x8050];
	_ =	sdelay $0x2  }
0x247: {  	v29 =	vld [tilespmem:$0x1FED0]  }
0x248: {  	v7 =	vld [tilespmem:$0x8250]  }
0x249: {  	v28 =	vsub.f32 v31, v1;
	v4 =	vmul.f32 v0, v4;
	_ =	sdelay $0x1  }
0x24a: {  	v4 =	vmul.f32 v4, v28;
	_ =	sdelay $0x1  }
0x24b: {  	v4 =	vadd.f32 v4, v7;
	_ =	sdelay $0x1  }
0x24c: {  	[tilespmem:v29+s28+$0x0] =	vst.idx.msk $0xffff, v4  }
0x24d: {  	v4 =	vld [tilespmem:$0x8060];
	_ =	sdelay $0x2  }
0x24e: {  	v31 =	vsub.f32 v32, v1;
	v32 =	vld [tilespmem:$0x1FEE0]  }
0x24f: {  	v7 =	vld [tilespmem:$0x8260]  }
0x250: {  	v4 =	vmul.f32 v0, v4;
	_ =	sdelay $0x1  }
0x251: {  	v4 =	vmul.f32 v4, v31;
	_ =	sdelay $0x1  }
0x252: {  	v4 =	vadd.f32 v4, v7;
	_ =	sdelay $0x1  }
0x253: {  	[tilespmem:v32+s28+$0x0] =	vst.idx.msk $0xffff, v4  }
0x254: {  	v4 =	vld [tilespmem:$0x8070];
	_ =	sdelay $0x2  }
0x255: {  	v35 =	vld [tilespmem:$0x1FEF0]  }
0x256: {  	v7 =	vld [tilespmem:$0x8270]  }
0x257: {  	v34 =	vsub.f32 v34, v1;
	v4 =	vmul.f32 v4, v0;
	_ =	sdelay $0x1  }
0x258: {  	v4 =	vmul.f32 v4, v34;
	_ =	sdelay $0x1  }
0x259: {  	v4 =	vadd.f32 v4, v7;
	_ =	sdelay $0x1  }
0x25a: {  	[tilespmem:v35+s28+$0x0] =	vst.idx.msk $0xffff, v4  }
0x25b: {  	v4 =	vld [tilespmem:$0x8080];
	_ =	sdelay $0x2  }
0x25c: {  	v47 =	vld [tilespmem:$0x1FF00]  }
0x25d: {  	v7 =	vld [tilespmem:$0x8280]  }
0x25e: {  	v36 =	vsub.f32 v36, v1;
	v4 =	vmul.f32 v4, v0;
	_ =	sdelay $0x1  }
0x25f: {  	v4 =	vmul.f32 v4, v36;
	_ =	sdelay $0x1  }
0x260: {  	v4 =	vadd.f32 v4, v7;
	_ =	sdelay $0x1  }
0x261: {  	[tilespmem:v47+s28+$0x0] =	vst.idx.msk $0xffff, v4  }
0x262: {  	v4 =	vld [tilespmem:$0x8090];
	_ =	sdelay $0x2  }
0x263: {  	v60 =	vld [tilespmem:$0x1FF10]  }
0x264: {  	v7 =	vld [tilespmem:$0x8290]  }
0x265: {  	v59 =	vsub.f32 v37, v1;
	v4 =	vmul.f32 v4, v0;
	_ =	sdelay $0x1  }
0x266: {  	v4 =	vmul.f32 v4, v59;
	_ =	sdelay $0x1  }
0x267: {  	v4 =	vadd.f32 v4, v7;
	_ =	sdelay $0x1  }
0x268: {  	[tilespmem:v60+s28+$0x0] =	vst.idx.msk $0xffff, v4  }
0x269: {  	v4 =	vld [tilespmem:$0x80A0];
	_ =	sdelay $0x2  }
0x26a: {  	v12 =	vld [tilespmem:$0x1FF20]  }
0x26b: {  	v7 =	vld [tilespmem:$0x82A0]  }
0x26c: {  	v61 =	vsub.f32 v38, v1;
	v4 =	vmul.f32 v4, v0;
	_ =	sdelay $0x1  }
0x26d: {  	v4 =	vmul.f32 v4, v61;
	_ =	sdelay $0x1  }
0x26e: {  	v4 =	vadd.f32 v4, v7;
	_ =	sdelay $0x1  }
0x26f: {  	[tilespmem:v12+s28+$0x0] =	vst.idx.msk $0xffff, v4  }
0x270: {  	v4 =	vld [tilespmem:$0x80B0];
	_ =	sdelay $0x2  }
0x271: {  	v25 =	vld [tilespmem:$0x1FF30]  }
0x272: {  	v7 =	vld [tilespmem:$0x82B0]  }
0x273: {  	v24 =	vsub.f32 v39, v1;
	v4 =	vmul.f32 v4, v0;
	_ =	sdelay $0x1  }
0x274: {  	v4 =	vmul.f32 v4, v24;
	_ =	sdelay $0x1  }
0x275: {  	v4 =	vadd.f32 v4, v7;
	_ =	sdelay $0x1  }
0x276: {  	[tilespmem:v25+s28+$0x0] =	vst.idx.msk $0xffff, v4  }
0x277: {  	v4 =	vld [tilespmem:$0x80C0];
	_ =	sdelay $0x3  }
0x278: {  	v7 =	vld [tilespmem:$0x82C0]  }
0x279: {  	v27 =	vsub.f32 v40, v1;
	v4 =	vmul.f32 v4, v0;
	_ =	sdelay $0x1  }
0x27a: {  	v4 =	vmul.f32 v4, v27;
	_ =	sdelay $0x1  }
0x27b: {  	v4 =	vadd.f32 v4, v7;
	_ =	sdelay $0x1  }
0x27c: {  	[tilespmem:v13+s28+$0x0] =	vst.idx.msk $0xffff, v4  }
0x27d: {  	v4 =	vld [tilespmem:$0x80D0];
	_ =	sdelay $0x3  }
0x27e: {  	v28 =	vld [tilespmem:$0x82D0]  }
0x27f: {  	v29 =	vsub.f32 v43, v1;
	v4 =	vmul.f32 v4, v0;
	_ =	sdelay $0x1  }
0x280: {  	v4 =	vmul.f32 v4, v29;
	_ =	sdelay $0x1  }
0x281: {  	v4 =	vadd.f32 v4, v28;
	_ =	sdelay $0x1  }
0x282: {  	[tilespmem:v14+s28+$0x0] =	vst.idx.msk $0xffff, v4  }
0x283: {  	v4 =	vld [tilespmem:$0x80E0];
	_ =	sdelay $0x3  }
0x284: {  	v31 =	vld [tilespmem:$0x82E0]  }
0x285: {  	v32 =	vsub.f32 v45, v1;
	v4 =	vmul.f32 v4, v0;
	_ =	sdelay $0x1  }
0x286: {  	v4 =	vmul.f32 v4, v32;
	_ =	sdelay $0x1  }
0x287: {  	v4 =	vadd.f32 v4, v31;
	_ =	sdelay $0x1  }
0x288: {  	[tilespmem:v15+s28+$0x0] =	vst.idx.msk $0xffff, v4  }
0x289: {  	v4 =	vld [tilespmem:$0x80F0];
	_ =	sdelay $0x3  }
0x28a: {  	v34 =	vld [tilespmem:$0x82F0]  }
0x28b: {  	v35 =	vsub.f32 v46, v1;
	v4 =	vmul.f32 v4, v0;
	_ =	sdelay $0x1  }
0x28c: {  	v4 =	vmul.f32 v4, v35;
	_ =	sdelay $0x1  }
0x28d: {  	v4 =	vadd.f32 v4, v34;
	_ =	sdelay $0x1  }
0x28e: {  	[tilespmem:v16+s28+$0x0] =	vst.idx.msk $0xffff, v4  }
0x28f: {  	v4 =	vld [tilespmem:$0x8100];
	_ =	sdelay $0x3  }
0x290: {  	v36 =	vld [tilespmem:$0x8300]  }
0x291: {  	v37 =	vsub.f32 v50, v1;
	v4 =	vmul.f32 v4, v0;
	_ =	sdelay $0x1  }
0x292: {  	v4 =	vmul.f32 v4, v37;
	_ =	sdelay $0x1  }
0x293: {  	v4 =	vadd.f32 v4, v36;
	_ =	sdelay $0x1  }
0x294: {  	[tilespmem:v17+s28+$0x0] =	vst.idx.msk $0xffff, v4  }
0x295: {  	v4 =	vld [tilespmem:$0x8110];
	_ =	sdelay $0x3  }
0x296: {  	v38 =	vld [tilespmem:$0x8310]  }
0x297: {  	v39 =	vsub.f32 v51, v1;
	v4 =	vmul.f32 v4, v0;
	_ =	sdelay $0x1  }
0x298: {  	v4 =	vmul.f32 v4, v39;
	_ =	sdelay $0x1  }
0x299: {  	v4 =	vadd.f32 v4, v38;
	_ =	sdelay $0x1  }
0x29a: {  	[tilespmem:v18+s28+$0x0] =	vst.idx.msk $0xffff, v4  }
0x29b: {  	v4 =	vld [tilespmem:$0x8120];
	_ =	sdelay $0x3  }
0x29c: {  	v40 =	vld [tilespmem:$0x8320]  }
0x29d: {  	v43 =	vsub.f32 v52, v1;
	v4 =	vmul.f32 v4, v0;
	_ =	sdelay $0x1  }
0x29e: {  	v4 =	vmul.f32 v4, v43;
	_ =	sdelay $0x1  }
0x29f: {  	v4 =	vadd.f32 v4, v40;
	_ =	sdelay $0x1  }
0x2a0: {  	[tilespmem:v19+s28+$0x0] =	vst.idx.msk $0xffff, v4  }
0x2a1: {  	v4 =	vld [tilespmem:$0x8130];
	_ =	sdelay $0x3  }
0x2a2: {  	v45 =	vld [tilespmem:$0x8330]  }
0x2a3: {  	v46 =	vsub.f32 v53, v1;
	v4 =	vmul.f32 v4, v0;
	_ =	sdelay $0x1  }
0x2a4: {  	v4 =	vmul.f32 v4, v46;
	_ =	sdelay $0x1  }
0x2a5: {  	v4 =	vadd.f32 v4, v45;
	_ =	sdelay $0x1  }
0x2a6: {  	[tilespmem:v20+s28+$0x0] =	vst.idx.msk $0xffff, v4  }
0x2a7: {  	v4 =	vld [tilespmem:$0x8140];
	_ =	sdelay $0x3  }
0x2a8: {  	v47 =	vld [tilespmem:$0x8340]  }
0x2a9: {  	v50 =	vsub.f32 v54, v1;
	v4 =	vmul.f32 v4, v0;
	_ =	sdelay $0x1  }
0x2aa: {  	v4 =	vmul.f32 v4, v50;
	_ =	sdelay $0x1  }
0x2ab: {  	v4 =	vadd.f32 v4, v47;
	_ =	sdelay $0x1  }
0x2ac: {  	[tilespmem:v21+s28+$0x0] =	vst.idx.msk $0xffff, v4  }
0x2ad: {  	v4 =	vld [tilespmem:$0x8150];
	_ =	sdelay $0x3  }
0x2ae: {  	v51 =	vld [tilespmem:$0x8350]  }
0x2af: {  	v52 =	vsub.f32 v55, v1;
	v4 =	vmul.f32 v4, v0;
	_ =	sdelay $0x1  }
0x2b0: {  	v4 =	vmul.f32 v4, v52;
	_ =	sdelay $0x1  }
0x2b1: {  	v4 =	vadd.f32 v4, v51;
	_ =	sdelay $0x1  }
0x2b2: {  	[tilespmem:v22+s28+$0x0] =	vst.idx.msk $0xffff, v4  }
0x2b3: {  	v4 =	vld [tilespmem:$0x8160];
	_ =	sdelay $0x3  }
0x2b4: {  	v53 =	vld [tilespmem:$0x8360]  }
0x2b5: {  	v54 =	vsub.f32 v56, v1;
	v4 =	vmul.f32 v4, v0;
	_ =	sdelay $0x1  }
0x2b6: {  	v4 =	vmul.f32 v4, v54;
	_ =	sdelay $0x1  }
0x2b7: {  	v4 =	vadd.f32 v4, v53;
	_ =	sdelay $0x1  }
0x2b8: {  	[tilespmem:v23+s28+$0x0] =	vst.idx.msk $0xffff, v4  }
0x2b9: {  	v4 =	vld [tilespmem:$0x8170];
	_ =	sdelay $0x3  }
0x2ba: {  	v55 =	vld [tilespmem:$0x8370]  }
0x2bb: {  	v56 =	vsub.f32 v57, v1;
	v4 =	vmul.f32 v4, v0;
	_ =	sdelay $0x1  }
0x2bc: {  	v4 =	vmul.f32 v4, v56;
	_ =	sdelay $0x1  }
0x2bd: {  	v4 =	vadd.f32 v4, v55;
	_ =	sdelay $0x1  }
0x2be: {  	[tilespmem:v26+s28+$0x0] =	vst.idx.msk $0xffff, v4  }
0x2bf: {  	v4 =	vld [tilespmem:$0x8180];
	_ =	sdelay $0x3  }
0x2c0: {  	v57 =	vld [tilespmem:$0x8380]  }
0x2c1: {  	v58 =	vsub.f32 v58, v1;
	v4 =	vmul.f32 v4, v0;
	_ =	sdelay $0x1  }
0x2c2: {  	v4 =	vmul.f32 v4, v58;
	_ =	sdelay $0x1  }
0x2c3: {  	v4 =	vadd.f32 v4, v57;
	_ =	sdelay $0x1  }
0x2c4: {  	[tilespmem:v33+s28+$0x0] =	vst.idx.msk $0xffff, v4  }
0x2c5: {  	v4 =	vld [tilespmem:$0x8190];
	_ =	sdelay $0x3  }
0x2c6: {  	v59 =	vld [tilespmem:$0x8390]  }
0x2c7: {  	v60 =	vsub.f32 v11, v1;
	v4 =	vmul.f32 v4, v0;
	_ =	sdelay $0x1  }
0x2c8: {  	v4 =	vmul.f32 v4, v60;
	_ =	sdelay $0x1  }
0x2c9: {  	v4 =	vadd.f32 v4, v59;
	_ =	sdelay $0x1  }
0x2ca: {  	[tilespmem:v41+s28+$0x0] =	vst.idx.msk $0xffff, v4  }
0x2cb: {  	v4 =	vld [tilespmem:$0x81A0];
	_ =	sdelay $0x3  }
0x2cc: {  	v61 =	vld [tilespmem:$0x83A0]  }
0x2cd: {  	v5 =	vsub.f32 v5, v1;
	v4 =	vmul.f32 v4, v0;
	_ =	sdelay $0x1  }
0x2ce: {  	v4 =	vmul.f32 v4, v5;
	_ =	sdelay $0x1  }
0x2cf: {  	v4 =	vadd.f32 v4, v61;
	_ =	sdelay $0x1  }
0x2d0: {  	[tilespmem:v44+s28+$0x0] =	vst.idx.msk $0xffff, v4  }
0x2d1: {  	v4 =	vld [tilespmem:$0x81B0];
	_ =	sdelay $0x3  }
0x2d2: {  	v5 =	vld [tilespmem:$0x83B0]  }
0x2d3: {  	v3 =	vsub.f32 v3, v1;
	v4 =	vmul.f32 v4, v0;
	_ =	sdelay $0x1  }
0x2d4: {  	v3 =	vmul.f32 v4, v3;
	_ =	sdelay $0x1  }
0x2d5: {  	v3 =	vadd.f32 v3, v5;
	_ =	sdelay $0x1  }
0x2d6: {  	[tilespmem:v42+s28+$0x0] =	vst.idx.msk $0xffff, v3  }
0x2d7: {  	v3 =	vld [tilespmem:$0x81C0];
	_ =	sdelay $0x3  }
0x2d8: {  	v4 =	vld [tilespmem:$0x83C0]  }
0x2d9: {  	v2 =	vsub.f32 v2, v1;
	v3 =	vmul.f32 v3, v0;
	_ =	sdelay $0x1  }
0x2da: {  	v2 =	vmul.f32 v3, v2;
	_ =	sdelay $0x1  }
0x2db: {  	v2 =	vadd.f32 v2, v4;
	_ =	sdelay $0x1  }
0x2dc: {  	[tilespmem:v10+s28+$0x0] =	vst.idx.msk $0xffff, v2  }
0x2dd: {  	v2 =	vld [tilespmem:$0x81D0];
	_ =	sdelay $0x3  }
0x2de: {  	v3 =	vld [tilespmem:$0x83D0]  }
0x2df: {  	v4 =	vsub.f32 v63, v1;
	v2 =	vmul.f32 v2, v0;
	_ =	sdelay $0x1  }
0x2e0: {  	v2 =	vmul.f32 v2, v4;
	_ =	sdelay $0x1  }
0x2e1: {  	v2 =	vadd.f32 v2, v3;
	_ =	sdelay $0x1  }
0x2e2: {  	[tilespmem:v48+s28+$0x0] =	vst.idx.msk $0xffff, v2  }
0x2e3: {  	v2 =	vld [tilespmem:$0x81E0];
	_ =	sdelay $0x3  }
0x2e4: {  	v3 =	vld [tilespmem:$0x83E0]  }
0x2e5: {  	v4 =	vsub.f32 v62, v1;
	v2 =	vmul.f32 v2, v0;
	_ =	sdelay $0x1  }
0x2e6: {  	v2 =	vmul.f32 v2, v4;
	_ =	sdelay $0x1  }
0x2e7: {  	v2 =	vadd.f32 v2, v3;
	_ =	sdelay $0x1  }
0x2e8: {  	[tilespmem:v49+s28+$0x0] =	vst.idx.msk $0xffff, v2  }
0x2e9: {  	v2 =	vld [tilespmem:$0x81F0];
	_ =	sdelay $0x3  }
0x2ea: {  	v3 =	vld [tilespmem:$0x83F0]  }
0x2eb: {  	v1 =	vsub.f32 v30, v1;
	v0 =	vmul.f32 v2, v0  }
0x2ec: {  	p1 =	sne.s32 s22, $0x70  }
.Ltmp3:
0x2ed: {  	v0 =	vmul.f32 v0, v1;
	(pc) =	sbr.rel @p1 .LBB2_5-.Ltmp3, $3  }
0x2ee: {  	_ = 	snop  }
0x2ef: {  	v0 =	vadd.f32 v0, v3;
	_ =	sdelay $0x1  }
0x2f0: {  	s6 =	sadd.s32 $0x10, s6;
	s22 =	sadd.s32 $0x10, s22;
	v3 =	vld [tilespmem:$0x1FFF0];
	[tilespmem:v6+s28+$0x0] =	vst.idx.msk $0xffff, v0  }
.Ltmp4:
0x2f1: {  	s6 =	sshll.u32 s19, $0xC;
	(pc) =	sbr.rel @p0 .LBB2_8-.Ltmp4, $4  }
0x2f2: {  	s6 =	sadd.s32 s12, s6  }
0x2f3: {  	s6 =	sshrl.u32 s6, $0x3  }
0x2f4: {  	s6 =	sadd.s32 s2, s6  }
0x2f5: {  	[hbm4b:s6+s3] =	stream.linear.scatter [tilespmem:s28], [sflag:$0x6], $0x1000, $0x38;
	[tilespmem:$0xA700] =	vst v63  }
.Ltmp5:
0x2f6: {  	s6 =	sshll.u32 s18, $0x8;
	(pc) =	sbr.rel .LBB2_2-.Ltmp5, $4  }
0x2f7: {  	s6 =	sadd.s32 s6, s14  }
0x2f8: {  	s6 =	sshrl.u32 s6, $0x3  }
0x2f9: {  	s18 =	sadd.s32 $0x1, s18;
	s6 =	sadd.s32 s4, s6  }
0x2fa: {  	[tilespmem:s23], [sflag:$0x2] =	stream.strided.gather [hbm4b:s6+s20], $0x180, s21, s20, $0x38;
	[tilespmem:$0xA700] =	vst v63  }
.LBB2_9:
0x2fb: {  	_ =	sfence.sel $0x180000  }
0x2fc: {  	[bflag:$0x0] =	sbarrier.arrive $0xFFFF  }
0x2fd: {  	_ =	strace $0x90000047  }
0x2fe: {  	s0 =	stileid.u32;
	[bflag:$0x2] =	sbarrier.arrive $0xFFFF  }
0x2ff: {  	p0 =	sne.s32 s0, $0x0;
	s0 =	rddreg [dreg:$0x2]  }
0x300: {  	s0 =	sadd.s32 @!p0 $0x100000, s0  }
0x301: {  	[sflag:s0] =	ssyncadd.tile.s32 @!p0 $0x1;
	_ =	shalt  }
.Lfunc_end2:
_tile_overlayer_lowered:
.L_overlay_start_2:
0x302: {  	(tag) =	ssettag $0x2  }
0x303: {  	s0 =	rddreg [dreg:$0x0];
	s2 =	stileid.u32  }
0x304: {  	s1 =	rddreg [dreg:$0x1];
	p0 =	sne.s32 s2, $0x0  }
0x305: {  	s3 =	rddreg [dreg:$0x2];
	[bflag:$0x3] =	sbarrier.arrive $0xFFFF;
	s2 =	simm.s32 @!p0 $0x1C07  }
0x306: {  	[timem:s3], [sflag:s2] =	dma.local @!p0 [hbm:s0], s1  }
0x307: {  	s0 =	simm.s32 @!p0 $0x7  }
0x308: {  	_ =	swait.ge @!p0 [sflag:s0], s1  }
0x309: {  	s1 =	ssub.s32 @!p0 $0x0, s1;
	[sflag:s0] =	ssyncset.done @!p0 $0x0  }
0x30a: {  	[sflag:s0] =	ssyncadd.s32 @!p0 s1  }
0x30b: {  	[bflag:$0x3] =	sbarrier.arrive $0xFFFF  }
0x30c: {  	_ =	shalt  }

// kernel: sparse-core-data-format-call.cloned.1.call-start
scs
called_computation_lowered:
.L_overlay_start_0:
0x0: {  	s2 =	sld [smem:$0x3FD9]  }
0x1: {  	s3 =	sld [smem:$0x3FFE];
	_ =	sdelay $0x1  }
0x2: {  	s1 =	srdreg.scid  }
0x3: {  	s0 =	sand.u32 $0x1, s1  }
0x4: {  	s18 =	sshll.u32 s0, $0xA;
	s2 =	sadd.s32 s3, s2  }
0x5: {  	s2 =	sadd.s32 s2, s18  }
0x6: {  	[smem:$0x3FC0] =	sst s2  }
0x7: {  	_ = 	snop  }
0x8: {  	s2 =	sld [smem:$0x3FD0];
	(tm) =	ssettm $0x1  }
0x9: {  	s19 =	sld [smem:$0x3FFB];
	_ =	sdelay $0x3  }
0xa: {  	_ =	strace s19  }
0xb: {  	s3 =	sld [smem:$0x3FFC];
	_ =	sdelay $0x3  }
0xc: {  	_ =	strace s3  }
0xd: {  	s3 =	sld [smem:$0x3FFD];
	_ =	sdelay $0x3  }
0xe: {  	_ =	strace s3  }
0xf: {  	_ =	strace $0x8FFFFFFF  }
0x10: {  	s20 =	sld [smem:$0x3FDB];
	_ =	sdelay $0x1  }
0x11: {  	s4 =	simm.s32 $_scs_section_size  }
0x12: {  	s5 =	simm.s32 $_size__tile_overlayer_lowered;
	s6 =	simm.s32 $_tile_overlayer_lowered  }
0x13: {  	s23 =	simm.s32 $0x1BFF;
	s22 =	sshll.u32 s6, $0x1;
	s3 =	sadd.s32 s4, s20  }
0x14: {  	s7 =	simm.s32 $0x0;
	s21 =	sshll.u32 s5, $0x1;
	s5 =	sadd.s32 s22, s3  }
0x15: {  	[timem:s7], [sflag:s23] =	dma.local [hbm:s5], s21  }
0x16: {  	_ =	swait.ge [sflag:s23], s21  }
0x17: {  	s4 =	ssub.s32 $0x0, s21;
	[sflag:s23] =	ssyncset.done $0x0  }
0x18: {  	[sflag:s23] =	ssyncadd.s32 s4;
	_ =	sdelay $0x1  }
0x19: {  	s24 =	simm.s32 $0x1B8B  }
0x1a: {  	_ =	swait.ge [sflag:s24], $0x1  }
0x1b: {  	[sflag:s24] =	ssyncset.done $0x0  }
0x1c: {  	s26 =	simm.s32 $0x1B8E;
	s25 =	sld [smem:$0x3FFE];
	[sflag:s24] =	ssyncadd.s32 $0xFFFFFFFF  }
0x1d: {  	s27 =	simm.s32 $execute0_lowered;
	[smem:$0x3FD2] =	sst s26  }
0x1e: {  	s5 =	sshll.u32 s27, $0x1;
	_ =	strace $0x80000049;
	[dreg:$0x1] =	wrdreg $0xFFFFFFFF  }
0x1f: {  	s28 =	simm.s32 $_size_execute0_lowered;
	s3 =	sadd.s32 s3, s5;
	[dreg:$0x0] =	wrdreg $0x0  }
0x20: {  	s5 =	sshll.u32 s28, $0x1;
	[dreg:$0x2] =	wrdreg s3  }
0x21: {  	[dreg:$0x3] =	wrdreg s5  }
0x22: {  	[dreg:$0x4] =	wrdreg $0xC0  }
0x23: {  	_ =	task [dreg:s7], $0x5FFFF  }
0x24: {  	[dreg:$0x1] =	wrdreg $0xFFFFFFFF  }
0x25: {  	[dreg:$0x0] =	wrdreg $0x60  }
0x26: {  	[dreg:$0x2] =	wrdreg s25  }
0x27: {  	[dreg:$0x3] =	wrdreg s2  }
0x28: {  	[dreg:$0x4] =	wrdreg $0x9  }
0x29: {  	_ =	task.clear_ibuf [dreg:s7], $0x5FFFF;
	_ =	strace $0x90000049  }
0x2a: {  	s29 =	simm.s32 $0x9;
	_ =	strace $0x8000004B  }
0x2b: {  	_ =	swait.ge [sflag:s29], $0x1  }
0x2c: {  	[sflag:s29] =	ssyncadd.s32 $0xFFFFFFFF  }
0x2d: {  	_ =	strace $0x9000004B  }
0x2e: {  	_ =	sfence  }
0x2f: {  	s30 =	sld [smem:$0x0];
	_ =	sdelay $0x2  }
0x30: {  	s31 =	sshll.u32 s1, $0xD;
	s1 =	sshrl.u32 s1, $0x2  }
0x31: {  	s3 =	sand.u32 $0x4000, s31;
	s1 =	sadd.s32 s1, s30  }
0x32: {  	s0 =	sor.u32 s3, s0;
	s1 =	sshll.u32 s1, $0x11  }
0x33: {  	s0 =	sor.u32 s1, s0  }
0x34: {  	s0 =	sadd.s32 $0x8F2B, s0  }
0x35: {  	[sflag:s0] =	ssyncadd.remote.s32 $0x1  }
0x36: {  	_ =	sfence.sel $0xFFFF  }
0x37: {  	[dreg:$0x0] =	wrdreg $0xFFFFFFFF;
	(pc) =	sbr.abs _section_cstart, $3  }
0x38: {  	[dreg:$0x1] =	wrdreg $0xFFFFFFFF  }
0x39: {  	_ =	task.clear_ibuf [dreg:s7], $0x2FFFF;
	_ =	strace $0x9FFFFFFF  }
0x3a: {  	(tm) =	ssettm $0x7FFFFFFF  }
0x3b: {  	_ =	shalt  }
tec
execute0_lowered:
.L_overlay_start_1:
0x0: {  	(tag) =	ssettag $0x1  }
0x1: {  	s0 =	srdreg.scid  }
0x2: {  	s1 =	sshll.u32 s0, $0x4  }
0x3: {  	s0 =	stileid.u32;
	s1 =	sand.u32 $0x10, s1  }
0x4: {  	s1 =	sor.u32 s0, s1  }
0x5: {  	s6 =	rddreg [dreg:$0x0];
	s4 =	simm.s32 $0x1;
	s2 =	sshll.u32 s1, $0x7  }
0x6: {  	s7 =	simm.s32 $0x2;
	s12 =	simm.s32 $0x0;
	s1 =	ssub.s32 $0x1000, s2  }
0x7: {  	s8 =	simm.s32 $0x8000;
	s13 =	simm.s32 $0x0;
	s3 =	sand.u32 $0xF80, s1  }
0x8: {  	s9 =	simm.s32 $0x0;
	s5 =	sshrl.u32 s1, $0xC;
	p0 =	sne.s32 s3, $0x0  }
.Ltmp0:
0x9: {  	s1 =	rddreg [dreg:$0x2];
	s4 =	simm.s32 @!p0 $0x0;
	(pc) =	sbr.rel .LBB1_1-.Ltmp0, $4  }
0xa: {  	s11 =	simm.s32 $0x0;
	s3 =	rddreg [dreg:$0x1];
	s5 =	sadd.s32 s4, s5  }
0xb: {  	_ =	strace $0x8000004A;
	s4 =	simm.s32 $0x1;
	s5 =	smul.u32 $0xC8, s5  }
0xc: {  	s6 =	sadd.s32 $0x1600, s6;
	s10 =	smov.u32 s2;
	[sflag:s4] =	ssyncpa.u1 $0x0  }
0xd: {  	p0 =	por $0x0, $0x0;
	[sflag:s7] =	ssyncpa.u1 $0x0;
	s7 =	sor.u32 $0x1, s5  }
.LBB1_4:
0xe: {  	s16 =	sshll.u32 s13, $0x3;
	s17 =	sand.u32 $0x78, s13  }
0xf: {  	s30 =	sand.u32 $0x3E00, s13;
	s12 =	sshll.u32 s12, $0xE;
	s16 =	sand.u32 $0xC00, s16  }
0x10: {  	s31 =	sand.u32 $0x7, s13;
	s16 =	sor.u32 s17, s16;
	s17 =	sadd.s32 s3, s30  }
0x11: {  	s13 =	sshll.u32 s31, $0x12;
	s16 =	sshrl.u32 s16, $0x3;
	s12 =	sadd.s32 s12, s17  }
0x12: {  	[tilespmem:s15+$0x0 ss:$0x81] =	vst.msk $0xffff, v0;
	s13 =	sor.u32 $0x400, s13;
	s12 =	sadd.s32 s16, s12  }
0x13: {  	[hbm4b:s12+s13] =	stream.strided.scatter [tilespmem:s14], [sflag:$0x2], $0x1000, s8, s13, $0x20;
	[tilespmem:$0x4040] =	vst v63  }
.LBB1_5:
0x14: {  	s14 =	sadd.s32 $0x1, s9  }
0x15: {  	s12 =	sadd.s32 $0x1000, s10;
	s16 =	smov.u32 s10;
	p2 =	sgt.s32 s14, $0xC7  }
0x16: {  	s16 =	smov.u32 @p2 s12  }
0x17: {  	s14 =	simm.s32 @p2 $0x0;
	p2 =	sgt.s32 s16, $0xFFF  }
0x18: {  	s16 =	smov.u32 @p2 s2;
	p2 =	sne.s32 s11, s7  }
.Ltmp1:
0x19: {  	p1 =	slt.u32 s11, $0x2;
	(pc) =	sbr.rel @!p2 .LBB1_6-.Ltmp1, $4  }
0x1a: {  	s15 =	simm.s32 @!p1 $0x2  }
0x1b: {  	s13 =	smov.u32 s10;
	p0 =	por !p0, !p0;
	_ =	swait.ge @!p1 [sflag:s15], $0x1000  }
0x1c: {  	s12 =	smov.u32 s9;
	[sflag:s15] =	ssyncset.done @!p1 $0x0;
	s9 =	smov.u32 s14  }
0x1d: {  	s11 =	sadd.s32 $0x1, s11;
	[sflag:s15] =	ssyncadd.s32 @!p1 $0xFFFFF000;
	s10 =	smov.u32 s16  }
.LBB1_1:
0x1e: {  	p1 =	sge.u32 s11, s5  }
0x1f: {  	s14 =	sand.u32 @!p1 $0x1FFFFFF, s9  }
0x20: {  	s15 =	smulhi.u32 @!p1 $0x147AE15, s14;
	_ =	sdelay $0x1  }
0x21: {  	s15 =	smul.u32 @!p1 $0xC8, s15  }
0x22: {  	s16 =	sxor.u32 @!p1 $0xFFFFFFFF, s11;
	s17 =	smul.u32 @!p1 $0xC80, s10  }
0x23: {  	s31 =	sadd.s32 $0xFFFFFFFF, s11;
	s16 =	sshll.u32 @!p1 s16, $0xC;
	s14 =	ssub.s32 @!p1 s14, s15  }
0x24: {  	s15 =	sand.u32 @!p1 $0x1000, s16;
	s16 =	sadd.s32 @!p1 s6, s17;
	s14 =	sshll.u32 @!p1 s14, $0x4  }
0x25: {  	s17 =	simm.s32 @!p1 $0x6400;
	s14 =	sadd.s32 @!p1 s14, s16;
	s16 =	simm.s32 @!p1 $0x20  }
0x26: {  	[tilespmem:s15], [sflag:$0x1] =	stream.strided.gather @!p1 [hbm4b:s14+s16], $0x1000, s17, s16, $0x38;
	[tilespmem:$0x4040] =	vst v63  }
0x27: {  	p1 =	sge.u32 s31, s5  }
.Ltmp2:
0x28: {  	_ = 	snop;
	(pc) =	sbr.rel @p1 .LBB1_5-.Ltmp2, $1  }
0x29: {  	_ =	sdelay $0x3  }
0x2a: {  	s14 =	simm.s32 $0x1  }
0x2b: {  	_ =	swait.ge [sflag:s4], $0x1000;
	s14 =	simm.s32 @!p0 $0x0  }
0x2c: {  	[sflag:s4] =	ssyncset.done $0x0;
	s15 =	sshll.u32 s14, $0xC  }
0x2d: {  	[sflag:s4] =	ssyncadd.s32 $0xFFFFF000;
	s18 =	sor.u32 $0x10, s15  }
0x2e: {  	s14 =	smul.u32 $0x4080, s14;
	v1 =	vld [tilespmem:s18+$0x0]  }
0x2f: {  	s30 =	sand.u32 $0x1, s11;
	v0 =	vld [tilespmem:s18+$0xFFFFFFF0]  }
0x30: {  	s15 =	smul.u32 $0x4080, s30;
	s14 =	sshrl.u32 s14, $0x2  }
0x31: {  	s16 =	sor.u32 $0x2000, s14  }
0x32: {  	s31 =	sshrl.u32 s15, $0x2;
	s15 =	sadd.s32 $0x0, s16  }
0x33: {  	s17 =	simm.s32 $0x4;
	s18 =	sadd.s32 $0x20, s18;
	s14 =	sor.u32 $0x2000, s31;
	[tilespmem:s15+$0x810 ss:$0x81] =	vst.msk $0xffff, v1  }
.LBB1_3:
0x34: {  	v1 =	vld [tilespmem:s18+$0x0];
	p1 =	sne.s32 s17, $0x1FC;
	[tilespmem:s15+$0x0 ss:$0x81] =	vst.msk $0xffff, v0;
	s15 =	smov.u32 s17;
	s17 =	sadd.s32 $0x4, s17  }
.Ltmp3:
0x35: {  	v0 =	vld [tilespmem:s18+$0xFFFFFFF0];
	(pc) =	sbr.rel @p1 .LBB1_3-.Ltmp3, $4  }
0x36: {  	_ = 	snop  }
0x37: {  	s15 =	sshra.s32 s15, $0x2  }
0x38: {  	s15 =	sadd.s32 s15, s16  }
0x39: {  	s18 =	sadd.s32 $0x20, s18;
	[tilespmem:s15+$0x810 ss:$0x81] =	vst.msk $0xffff, v1  }
.Ltmp4:
0x3a: {  	_ = 	snop;
	(pc) =	sbr.rel .LBB1_4-.Ltmp4, $1  }
0x3b: {  	_ =	sdelay $0x3  }
.LBB1_6:
0x3c: {  	_ =	sfence.sel $0x180000  }
0x3d: {  	s2 =	simm.s32 $0x1;
	[bflag:$0x0] =	sbarrier.arrive $0xFFFF  }
0x3e: {  	s31 =	simm.s32 $0x2;
	[sflag:s2] =	ssyncpa.u1 $0x1  }
0x3f: {  	[sflag:s31] =	ssyncpa.u1 $0x1  }
0x40: {  	p0 =	sne.s32 s0, $0x0;
	_ =	strace $0x9000004A  }
0x41: {  	s0 =	sadd.s32 @!p0 $0x100000, s1;
	[bflag:$0x2] =	sbarrier.arrive $0xFFFF  }
0x42: {  	[sflag:s0] =	ssyncadd.tile.s32 @!p0 $0x1;
	_ =	shalt  }
.Lfunc_end1:
_tile_overlayer_lowered:
.L_overlay_start_2:
0x43: {  	(tag) =	ssettag $0x2  }
0x44: {  	s0 =	rddreg [dreg:$0x0];
	s2 =	stileid.u32  }
0x45: {  	s1 =	rddreg [dreg:$0x1];
	p0 =	sne.s32 s2, $0x0  }
0x46: {  	s3 =	rddreg [dreg:$0x2];
	[bflag:$0x3] =	sbarrier.arrive $0xFFFF;
	s2 =	simm.s32 @!p0 $0x1C01  }
0x47: {  	[timem:s3], [sflag:s2] =	dma.local @!p0 [hbm:s0], s1  }
0x48: {  	s0 =	simm.s32 @!p0 $0x1  }
0x49: {  	_ =	swait.ge @!p0 [sflag:s0], s1  }
0x4a: {  	s1 =	ssub.s32 @!p0 $0x0, s1;
	[sflag:s0] =	ssyncset.done @!p0 $0x0  }
0x4b: {  	[sflag:s0] =	ssyncadd.s32 @!p0 s1  }
0x4c: {  	[bflag:$0x3] =	sbarrier.arrive $0xFFFF  }
0x4d: {  	_ =	shalt  }

</sc_bundles>
